<compile_context>
chip_gen: v7x
topology: tpu7x:2x2x1
jax: 0.10.2.dev20260603
libtpu: 0.0.44.dev20260713+nightly
codegen_flags: <defaults>
</compile_context>

<pallas_src>
import functools

import jax
import jax.numpy as jnp
from jax import lax
from jax.experimental import pallas as pl
from jax.experimental.pallas import tpu as pltpu
from jax.experimental.pallas import tpu_sc as plsc

K = 16
TR = 256
TPT = 512

SC_NC = 2
SC_NS = 16
SC_NW = SC_NC * SC_NS


def _proj_topk_body(x_ref, xt_ref, wa_ref, wd_ref, idx_ref, q_ref, p_ref):
    b = pl.program_id(0)
    xb = x_ref[0]
    xt = xt_ref[0]
    q_ref[0] = jnp.dot(xt, wa_ref[...], preferred_element_type=jnp.float32)
    p_ref[0] = jnp.dot(xt, wd_ref[...], preferred_element_type=jnp.float32)
    n = xb.shape[1]
    sq_r = jnp.sum(xt * xt, axis=1, keepdims=True)
    sq_c = jnp.sum(xb * xb, axis=0, keepdims=True)
    d = sq_r - 2.0 * jnp.dot(xt, xb, preferred_element_type=jnp.float32) + sq_c
    colsf = lax.broadcasted_iota(jnp.int32, (TR, n), 1).astype(jnp.float32)
    m = jnp.min(d, axis=1, keepdims=True)
    picks = []
    for t in range(K + 1):
        amf = jnp.min(jnp.where(d == m, colsf, float(n)), axis=1, keepdims=True)
        if t > 0:
            picks.append(amf)
        if t < K:
            d = jnp.where(colsf == amf, jnp.inf, d)
            m = jnp.min(d, axis=1, keepdims=True)
    idx_ref[0] = (jnp.concatenate(picks, axis=1).astype(jnp.int32) + b * n) * 2


def _proj_topk(x, xT, WaT, WdT):
    B, C, N = x.shape
    CP = WaT.shape[1]
    grid = (B, N // TR)
    return pl.pallas_call(
        _proj_topk_body,
        grid=grid,
        in_specs=[
            pl.BlockSpec((1, C, N), lambda b, t: (b, 0, 0)),
            pl.BlockSpec((1, TR, C), lambda b, t: (b, t, 0)),
            pl.BlockSpec((C, CP), lambda b, t: (0, 0)),
            pl.BlockSpec((C, C), lambda b, t: (0, 0)),
        ],
        out_specs=[
            pl.BlockSpec((1, TR, K), lambda b, t: (b, t, 0)),
            pl.BlockSpec((1, TR, CP), lambda b, t: (b, t, 0)),
            pl.BlockSpec((1, TR, C), lambda b, t: (b, t, 0)),
        ],
        out_shape=[
            jax.ShapeDtypeStruct((B, N, K), jnp.int32),
            jax.ShapeDtypeStruct((B, N, CP), jnp.float32),
            jax.ShapeDtypeStruct((B, N, C), jnp.float32),
        ],
    )(x, xT, WaT, WdT)


def _sc_gather(table, idx):
    Q = idx.shape[0]
    C = table.shape[1]
    per_w = Q // SC_NW
    CH = 512
    nch = per_w // CH
    mesh = plsc.VectorSubcoreMesh(core_axis_name="c", subcore_axis_name="s")

    @functools.partial(
        pl.kernel,
        mesh=mesh,
        compiler_params=pltpu.CompilerParams(use_tc_tiling_on_sc=False),
        out_type=jax.ShapeDtypeStruct((Q, C), table.dtype),
        scratch_types=[
            pltpu.VMEM((per_w,), jnp.int32),
            pltpu.VMEM((2, CH, C), table.dtype),
            pltpu.SemaphoreType.DMA,
            pltpu.SemaphoreType.DMA,
            pltpu.SemaphoreType.DMA,
            pltpu.SemaphoreType.DMA,
        ],
    )
    def gather_k(table_hbm, idx_hbm, out_hbm, idx_v, rows_v, gs0, gs1, ws0, ws1):
        wid = lax.axis_index("s") * SC_NC + lax.axis_index("c")
        base = wid * per_w
        pltpu.sync_copy(idx_hbm.at[pl.ds(base, per_w)], idx_v)
        gsems = [gs0, gs1]
        wsems = [ws0, ws1]
        gh = [None, None]
        wh = [None, None]
        for c in range(nch + 1):
            if c < nch:
                p = c & 1
                if wh[p] is not None:
                    wh[p].wait()
                hs = []
                for j in range(CH // 128):
                    off = c * CH + j * 128
                    hs.append(pltpu.async_copy(
                        table_hbm.at[idx_v.at[pl.ds(off, 128)]],
                        rows_v.at[p, pl.ds(j * 128, 128)],
                        gsems[p],
                    ))
                gh[p] = hs
            if c >= 1:
                q = (c - 1) & 1
                for h in gh[q]:
                    h.wait()
                wh[q] = pltpu.async_copy(
                    rows_v.at[q],
                    out_hbm.at[pl.ds(base + (c - 1) * CH, CH)],
                    wsems[q],
                )
        for p in range(2):
            if wh[p] is not None:
                wh[p].wait()

    return gather_k(table, idx)


def _stats1_body(g_ref, p_ref, s_ref, ss_ref):
    y = g_ref[...] + p_ref[...][None, :, :]
    s = jnp.sum(y, axis=(0, 1)).reshape(1, -1)
    ss = jnp.sum(y * y, axis=(0, 1)).reshape(1, -1)

    @pl.when(pl.program_id(0) == 0)
    def _():
        s_ref[...] = jnp.zeros_like(s_ref)
        ss_ref[...] = jnp.zeros_like(ss_ref)

    s_ref[...] += s
    ss_ref[...] += ss


def _stats1(g3, pp):
    BN2, C2 = pp.shape
    tpt2 = TPT // 2
    grid = (BN2 // tpt2,)
    return pl.pallas_call(
        _stats1_body,
        grid=grid,
        in_specs=[
            pl.BlockSpec((K, tpt2, C2), lambda i: (0, i, 0)),
            pl.BlockSpec((tpt2, C2), lambda i: (i, 0)),
        ],
        out_specs=[
            pl.BlockSpec((1, C2), lambda i: (0, 0)),
            pl.BlockSpec((1, C2), lambda i: (0, 0)),
        ],
        out_shape=[
            jax.ShapeDtypeStruct((1, C2), jnp.float32),
            jax.ShapeDtypeStruct((1, C2), jnp.float32),
        ],
    )(g3, pp)


def _main_body(nsamp, g_ref, p_ref, s_ref, ss_ref, g1_ref, b1_ref, w2d_ref,
               zmax_ref, zmin_ref, gram_ref, sa_ref):
    c2 = g_ref.shape[-1]
    c = c2 // 2
    sf = s_ref[...][:, :c] + s_ref[...][:, c:]
    ssf = ss_ref[...][:, :c] + ss_ref[...][:, c:]
    mean1 = sf / nsamp
    var1 = ssf / nsamp - mean1 * mean1
    sc64 = lax.rsqrt(var1 + 1e-5) * g1_ref[...]
    sh64 = b1_ref[...] - mean1 * sc64
    scale1 = jnp.concatenate([sc64, sc64], axis=1)
    shift1 = jnp.concatenate([sh64, sh64], axis=1)
    y = g_ref[...] + p_ref[...][None, :, :]
    a3 = y * scale1 + shift1
    a3 = jnp.where(a3 >= 0, a3, 0.2 * a3)
    a = a3.reshape(-1, c2)
    z3 = jnp.dot(a, w2d_ref[...], preferred_element_type=jnp.float32)
    z3 = z3.reshape(a3.shape)
    zmax_ref[...] = jnp.max(z3, axis=0)
    zmin_ref[...] = jnp.min(z3, axis=0)

    @pl.when(pl.program_id(0) == 0)
    def _():
        gram_ref[...] = jnp.zeros_like(gram_ref)
        sa_ref[...] = jnp.zeros_like(sa_ref)

    gram_ref[...] += lax.dot_general(
        a, a, (((0,), (0,)), ((), ())), preferred_element_type=jnp.float32)
    sa_ref[...] += jnp.sum(a, axis=0, keepdims=True)


def _main(g3, pp, s1, ss1, g1, b1, W2D, nsamp):
    BN2, C2 = pp.shape
    C = C2 // 2
    tpt2 = TPT // 2
    grid = (BN2 // tpt2,)
    return pl.pallas_call(
        functools.partial(_main_body, nsamp),
        grid=grid,
        in_specs=[
            pl.BlockSpec((K, tpt2, C2), lambda i: (0, i, 0)),
            pl.BlockSpec((tpt2, C2), lambda i: (i, 0)),
            pl.BlockSpec((1, C2), lambda i: (0, 0)),
            pl.BlockSpec((1, C2), lambda i: (0, 0)),
            pl.BlockSpec((1, C), lambda i: (0, 0)),
            pl.BlockSpec((1, C), lambda i: (0, 0)),
            pl.BlockSpec((C2, C2), lambda i: (0, 0)),
        ],
        out_specs=[
            pl.BlockSpec((tpt2, C2), lambda i: (i, 0)),
            pl.BlockSpec((tpt2, C2), lambda i: (i, 0)),
            pl.BlockSpec((C2, C2), lambda i: (0, 0)),
            pl.BlockSpec((1, C2), lambda i: (0, 0)),
        ],
        out_shape=[
            jax.ShapeDtypeStruct((BN2, C2), jnp.float32),
            jax.ShapeDtypeStruct((BN2, C2), jnp.float32),
            jax.ShapeDtypeStruct((C2, C2), jnp.float32),
            jax.ShapeDtypeStruct((1, C2), jnp.float32),
        ],
    )(g3, pp, s1, ss1, g1, b1, W2D)


def _final_body(nsamp, zmax_ref, zmin_ref, gram_ref, sa_ref, w2t_ref,
                g2_ref, b2_ref, out_ref):
    c2 = zmax_ref.shape[-1]
    c = c2 // 2
    w2t = w2t_ref[...]
    gram = gram_ref[...]
    g64 = gram[:c, :c] + gram[c:, c:]
    mean_a = (sa_ref[...][:, :c] + sa_ref[...][:, c:]) / nsamp
    mean_z = jnp.dot(mean_a, w2t, preferred_element_type=jnp.float32)
    r = jnp.dot(g64, w2t, preferred_element_type=jnp.float32)
    ezz = jnp.sum(w2t * r, axis=0, keepdims=True) / nsamp
    var = ezz - mean_z * mean_z
    g2 = g2_ref[...]
    sc64 = lax.rsqrt(var + 1e-5) * g2
    sh64 = b2_ref[...] - mean_z * sc64
    scale = jnp.concatenate([sc64, sc64], axis=1)
    shift = jnp.concatenate([sh64, sh64], axis=1)
    g2d = jnp.concatenate([g2, g2], axis=1)
    zext = jnp.where(g2d >= 0, zmax_ref[...], zmin_ref[...])
    tv = zext * scale + shift
    out_ref[...] = jnp.where(tv >= 0, tv, 0.2 * tv)


def _final(zmax, zmin, gram, sa, W2T, g2, b2, nsamp):
    BN2, C2 = zmax.shape
    C = C2 // 2
    tpt2 = TPT // 2
    grid = (BN2 // tpt2,)
    return pl.pallas_call(
        functools.partial(_final_body, nsamp),
        grid=grid,
        in_specs=[
            pl.BlockSpec((tpt2, C2), lambda i: (i, 0)),
            pl.BlockSpec((tpt2, C2), lambda i: (i, 0)),
            pl.BlockSpec((C2, C2), lambda i: (0, 0)),
            pl.BlockSpec((1, C2), lambda i: (0, 0)),
            pl.BlockSpec((C, C), lambda i: (0, 0)),
            pl.BlockSpec((1, C), lambda i: (0, 0)),
            pl.BlockSpec((1, C), lambda i: (0, 0)),
        ],
        out_specs=pl.BlockSpec((tpt2, C2), lambda i: (i, 0)),
        out_shape=jax.ShapeDtypeStruct((BN2, C2), jnp.float32),
    )(zmax, zmin, gram, sa, W2T, g2, b2)


def kernel(x, W1, g1, b1, W2, g2, b2):
    B, C, N = x.shape
    CP = 128
    nsamp = float(B * N * K)
    xT = jnp.transpose(x, (0, 2, 1))
    WaT = jnp.pad(jnp.transpose(W1[:, :C]), [(0, 0), (0, CP - C)])
    WdT = jnp.transpose(W1[:, C:] - W1[:, :C])
    W2T = jnp.transpose(W2)
    W2D = jnp.zeros((CP, CP), jnp.float32)
    W2D = W2D.at[:C, :C].set(W2T).at[C:, C:].set(W2T)
    g1r = g1.reshape(1, C)
    b1r = b1.reshape(1, C)
    g2r = g2.reshape(1, C)
    b2r = b2.reshape(1, C)

    idxg, qT, pT = _proj_topk(x, xT, WaT, WdT)

    idx_flat = jnp.transpose(idxg, (2, 0, 1)).reshape(-1)
    g = _sc_gather(qT.reshape(2 * B * N, C), idx_flat)
    g3 = g.reshape(K, B * N // 2, 2 * C)
    pp = pT.reshape(B * N // 2, 2 * C)

    s1, ss1 = _stats1(g3, pp)
    zmax, zmin, gram, sa = _main(g3, pp, s1, ss1, g1r, b1r, W2D, nsamp)
    out = _final(zmax, zmin, gram, sa, W2T, g2r, b2r, nsamp)
    return jnp.transpose(out.reshape(B, N, C), (0, 2, 1))

# --- scband reference (transcript-rebuilt; emitter-appended) ---
"""Pipeline reference for scband-edge-conv-31387620999471 (READ-ONLY COPY).

The authoritative reference and input builder live on the scoring server;
editing this copy changes nothing except your own understanding.
"""

import jax, jax.numpy as jnp
import numpy as np

K = 16

def pairwise_dist(x):
    # x: (B, N, C) -> squared euclidean pairwise distances (B, N, N)
    sq = jnp.sum(x * x, axis=-1)
    inner = jnp.einsum('bnc,bmc->bnm', x, x)
    return sq[:, :, None] - 2.0 * inner + sq[:, None, :]

def knn(x, k):
    # x: (B, C, N)
    dist = pairwise_dist(jnp.transpose(x, (0, 2, 1)))
    # torch .topk(largest=False) == top_k on negated distances
    _, idx = jax.lax.top_k(-dist, k)
    return idx

def create_neighbor_features(x, k):
    # x: (B, C, N)
    knn_idx = knn(x, k + 1)[..., 1:]  # drop self, (B, N, k)
    B, C, N = x.shape
    flat = knn_idx.reshape(B, N * k)
    nbr = jnp.take_along_axis(x, flat[:, None, :], axis=-1).reshape(B, C, N, k)
    xe = jnp.repeat(x[..., None], k, axis=-1)
    return jnp.concatenate([nbr - xe, xe], axis=1)  # (B, 2C, N, k)

def shared_fc(x, W, gamma, beta):
    # Conv2d kernel_size=1 bias=False -> channel-wise linear projection
    y = jnp.einsum('oc,bcnk->bonk', W, x)
    # BatchNorm2d in training mode: batch statistics over (B, N, k), biased var
    mean = jnp.mean(y, axis=(0, 2, 3), keepdims=True)
    var = jnp.var(y, axis=(0, 2, 3), keepdims=True)
    y = (y - mean) / jnp.sqrt(var + 1e-5)
    y = y * gamma[None, :, None, None] + beta[None, :, None, None]
    # LeakyReLU(0.2)
    return jnp.where(y >= 0, y, 0.2 * y)

def setup_inputs(seed: int = 0):
    key = jax.random.key(seed)
    k1, k2, k3 = jax.random.split(key, 3)
    x = jax.random.normal(k1, (4, 64, 2048), dtype=jnp.float32)
    W1 = jax.random.normal(k2, (64, 128), dtype=jnp.float32) * 0.05
    W2 = jax.random.normal(k3, (64, 64), dtype=jnp.float32) * 0.05
    g1 = jnp.ones((64,), jnp.float32)
    b1 = jnp.zeros((64,), jnp.float32)
    g2 = jnp.ones((64,), jnp.float32)
    b2 = jnp.zeros((64,), jnp.float32)
    return {"x": x, "W1": W1, "g1": g1, "b1": b1, "W2": W2, "g2": g2, "b2": b2}

def reference(x, W1, g1, b1, W2, g2, b2):
    h = create_neighbor_features(x, K)
    h = shared_fc(h, W1, g1, b1)
    h = shared_fc(h, W2, g2, b2)
    return jnp.max(h, axis=-1)

if __name__ == "__main__":
    import jax
    _d = setup_inputs()
    print(jax.jit(kernel)(*tuple(_d.values())))

</pallas_src>

<mosaic_0001>
#map = affine_map<(d0, d1) -> (0, 0)>
#map1 = affine_map<(d0, d1) -> (0)>
module attributes {stable_mosaic.version = 14 : i64} {
  func.func @gather_k(%arg0: i32, %arg1: i32, %arg2: memref<16384x64xf32, #tpu.memory_space<hbm>>, %arg3: memref<131072xi32, #tpu.memory_space<hbm>>, %arg4: memref<131072x64xf32, #tpu.memory_space<hbm>>, %arg5: memref<4096xi32, #tpu.memory_space<vmem>>, %arg6: memref<2x512x64xf32, #tpu.memory_space<vmem>>, %arg7: memref<!tpu.dma_semaphore, #tpu.memory_space<semaphore_mem>>, %arg8: memref<!tpu.dma_semaphore, #tpu.memory_space<semaphore_mem>>, %arg9: memref<!tpu.dma_semaphore, #tpu.memory_space<semaphore_mem>>, %arg10: memref<!tpu.dma_semaphore, #tpu.memory_space<semaphore_mem>>) attributes {dimension_semantics = [#tpu.dimension_semantics<core_parallel>, #tpu.dimension_semantics<subcore_parallel>], iteration_bounds = array<i64: 2, 16>, scalar_prefetch = 0 : i64, scratch_operands = 6 : i64, tpu.core_type = #tpu.core_type<sc_vector_subcore>, window_params = [{transform_indices = #map}, {transform_indices = #map1}, {transform_indices = #map}]} {
    %mul3A = arith.constant 2 : i32
    %mul3A_0 = arith.muli %arg1, %mul3A : i32
    %add3A = arith.addi %mul3A_0, %arg0 : i32
    %mul3A_1 = arith.constant 4096 : i32
    %mul3A_2 = arith.muli %add3A, %mul3A_1 : i32
    "tpu.region"() ({
      %run_scoped3A = tpu.sem_alloc : memref<!tpu.dma_semaphore, #tpu.memory_space<semaphore_mem>>
      %dma_start3A_865 = tpu.memref_slice %arg3[%mul3A_2] : memref<131072xi32, #tpu.memory_space<hbm>> -> memref<4096xi32, #tpu.memory_space<hbm>>
      %dma_start3A_866 = tpu.memref_slice %arg3[%mul3A_2] : memref<131072xi32, #tpu.memory_space<hbm>> -> memref<4096xi32, #tpu.memory_space<hbm>>
      tpu.enqueue_dma source(%dma_start3A_866 : memref<4096xi32, #tpu.memory_space<hbm>>) target(%arg5 : memref<4096xi32, #tpu.memory_space<vmem>>) target_semaphore(%run_scoped3A : memref<!tpu.dma_semaphore, #tpu.memory_space<semaphore_mem>>)
      %dma_wait3A_867 = tpu.memref_slice %arg3[%mul3A_2] : memref<131072xi32, #tpu.memory_space<hbm>> -> memref<4096xi32, #tpu.memory_space<hbm>>
      %dma_wait3A_868 = tpu.memref_slice %arg3[%mul3A_2] : memref<131072xi32, #tpu.memory_space<hbm>> -> memref<4096xi32, #tpu.memory_space<hbm>>
      tpu.wait_dma2 semaphore(%run_scoped3A : memref<!tpu.dma_semaphore, #tpu.memory_space<semaphore_mem>>) src(%dma_wait3A_868 : memref<4096xi32, #tpu.memory_space<hbm>>) dst(%arg5 : memref<4096xi32, #tpu.memory_space<vmem>>)
      tpu.yield
    }) : () -> ()
    %dma_start3A = arith.constant 0 : i32
    %dma_start3A_3 = arith.constant 0 : i32
    %dma_start3A_4 = arith.constant 0 : i32
    %dma_start3A_5 = tpu.memref_slice %arg6[%dma_start3A, %dma_start3A_3, %dma_start3A_4] : memref<2x512x64xf32, #tpu.memory_space<vmem>> -> memref<1x128x64xf32, #tpu.memory_space<vmem>>
    %dma_start3A_6 = tpu.memref_squeeze %dma_start3A_5 : memref<1x128x64xf32, #tpu.memory_space<vmem>> -> memref<128x64xf32, #tpu.memory_space<vmem>>
    %dma_start3A_7 = arith.constant 0 : i32
    %dma_start3A_8 = tpu.memref_slice %arg5[%dma_start3A_7] : memref<4096xi32, #tpu.memory_space<vmem>> -> memref<128xi32, #tpu.memory_space<vmem>>
    %dma_start3A_9 = arith.constant 0 : i32
    %dma_start3A_10 = arith.constant 0 : i32
    %dma_start3A_11 = tpu.memref_slice %arg2[%dma_start3A_9, %dma_start3A_10] : memref<16384x64xf32, #tpu.memory_space<hbm>> -> memref<16384x64xf32, #tpu.memory_space<hbm>>
    tpu.enqueue_indirect_dma source(%dma_start3A_11 : memref<16384x64xf32, #tpu.memory_space<hbm>>) target(%dma_start3A_6 : memref<128x64xf32, #tpu.memory_space<vmem>>) offsets(%dma_start3A_8 : memref<128xi32, #tpu.memory_space<vmem>>) semaphore(%arg7 : memref<!tpu.dma_semaphore, #tpu.memory_space<semaphore_mem>>)
    %dma_start3A_12 = arith.constant 0 : i32
    %dma_start3A_13 = arith.constant 128 : i32
    %dma_start3A_14 = arith.constant 0 : i32
    %dma_start3A_15 = tpu.memref_slice %arg6[%dma_start3A_12, %dma_start3A_13, %dma_start3A_14] : memref<2x512x64xf32, #tpu.memory_space<vmem>> -> memref<1x128x64xf32, #tpu.memory_space<vmem>>
    %dma_start3A_16 = tpu.memref_squeeze %dma_start3A_15 : memref<1x128x64xf32, #tpu.memory_space<vmem>> -> memref<128x64xf32, #tpu.memory_space<vmem>>
    %dma_start3A_17 = arith.constant 128 : i32
    %dma_start3A_18 = tpu.memref_slice %arg5[%dma_start3A_17] : memref<4096xi32, #tpu.memory_space<vmem>> -> memref<128xi32, #tpu.memory_space<vmem>>
    %dma_start3A_19 = arith.constant 0 : i32
    %dma_start3A_20 = arith.constant 0 : i32
    %dma_start3A_21 = tpu.memref_slice %arg2[%dma_start3A_19, %dma_start3A_20] : memref<16384x64xf32, #tpu.memory_space<hbm>> -> memref<16384x64xf32, #tpu.memory_space<hbm>>
    tpu.enqueue_indirect_dma source(%dma_start3A_21 : memref<16384x64xf32, #tpu.memory_space<hbm>>) target(%dma_start3A_16 : memref<128x64xf32, #tpu.memory_space<vmem>>) offsets(%dma_start3A_18 : memref<128xi32, #tpu.memory_space<vmem>>) semaphore(%arg7 : memref<!tpu.dma_semaphore, #tpu.memory_space<semaphore_mem>>)
    %dma_start3A_22 = arith.constant 0 : i32
    %dma_start3A_23 = arith.constant 256 : i32
    %dma_start3A_24 = arith.constant 0 : i32
    %dma_start3A_25 = tpu.memref_slice %arg6[%dma_start3A_22, %dma_start3A_23, %dma_start3A_24] : memref<2x512x64xf32, #tpu.memory_space<vmem>> -> memref<1x128x64xf32, #tpu.memory_space<vmem>>
    %dma_start3A_26 = tpu.memref_squeeze %dma_start3A_25 : memref<1x128x64xf32, #tpu.memory_space<vmem>> -> memref<128x64xf32, #tpu.memory_space<vmem>>
    %dma_start3A_27 = arith.constant 256 : i32
    %dma_start3A_28 = tpu.memref_slice %arg5[%dma_start3A_27] : memref<4096xi32, #tpu.memory_space<vmem>> -> memref<128xi32, #tpu.memory_space<vmem>>
    %dma_start3A_29 = arith.constant 0 : i32
    %dma_start3A_30 = arith.constant 0 : i32
    %dma_start3A_31 = tpu.memref_slice %arg2[%dma_start3A_29, %dma_start3A_30] : memref<16384x64xf32, #tpu.memory_space<hbm>> -> memref<16384x64xf32, #tpu.memory_space<hbm>>
    tpu.enqueue_indirect_dma source(%dma_start3A_31 : memref<16384x64xf32, #tpu.memory_space<hbm>>) target(%dma_start3A_26 : memref<128x64xf32, #tpu.memory_space<vmem>>) offsets(%dma_start3A_28 : memref<128xi32, #tpu.memory_space<vmem>>) semaphore(%arg7 : memref<!tpu.dma_semaphore, #tpu.memory_space<semaphore_mem>>)
    %dma_start3A_32 = arith.constant 0 : i32
    %dma_start3A_33 = arith.constant 384 : i32
    %dma_start3A_34 = arith.constant 0 : i32
    %dma_start3A_35 = tpu.memref_slice %arg6[%dma_start3A_32, %dma_start3A_33, %dma_start3A_34] : memref<2x512x64xf32, #tpu.memory_space<vmem>> -> memref<1x128x64xf32, #tpu.memory_space<vmem>>
    %dma_start3A_36 = tpu.memref_squeeze %dma_start3A_35 : memref<1x128x64xf32, #tpu.memory_space<vmem>> -> memref<128x64xf32, #tpu.memory_space<vmem>>
    %dma_start3A_37 = arith.constant 384 : i32
    %dma_start3A_38 = tpu.memref_slice %arg5[%dma_start3A_37] : memref<4096xi32, #tpu.memory_space<vmem>> -> memref<128xi32, #tpu.memory_space<vmem>>
    %dma_start3A_39 = arith.constant 0 : i32
    %dma_start3A_40 = arith.constant 0 : i32
    %dma_start3A_41 = tpu.memref_slice %arg2[%dma_start3A_39, %dma_start3A_40] : memref<16384x64xf32, #tpu.memory_space<hbm>> -> memref<16384x64xf32, #tpu.memory_space<hbm>>
    tpu.enqueue_indirect_dma source(%dma_start3A_41 : memref<16384x64xf32, #tpu.memory_space<hbm>>) target(%dma_start3A_36 : memref<128x64xf32, #tpu.memory_space<vmem>>) offsets(%dma_start3A_38 : memref<128xi32, #tpu.memory_space<vmem>>) semaphore(%arg7 : memref<!tpu.dma_semaphore, #tpu.memory_space<semaphore_mem>>)
    %dma_start3A_42 = arith.constant 1 : i32
    %dma_start3A_43 = arith.constant 0 : i32
    %dma_start3A_44 = arith.constant 0 : i32
    %dma_start3A_45 = tpu.memref_slice %arg6[%dma_start3A_42, %dma_start3A_43, %dma_start3A_44] : memref<2x512x64xf32, #tpu.memory_space<vmem>> -> memref<1x128x64xf32, #tpu.memory_space<vmem>>
    %dma_start3A_46 = tpu.memref_squeeze %dma_start3A_45 : memref<1x128x64xf32, #tpu.memory_space<vmem>> -> memref<128x64xf32, #tpu.memory_space<vmem>>
    %dma_start3A_47 = arith.constant 512 : i32
    %dma_start3A_48 = tpu.memref_slice %arg5[%dma_start3A_47] : memref<4096xi32, #tpu.memory_space<vmem>> -> memref<128xi32, #tpu.memory_space<vmem>>
    %dma_start3A_49 = arith.constant 0 : i32
    %dma_start3A_50 = arith.constant 0 : i32
    %dma_start3A_51 = tpu.memref_slice %arg2[%dma_start3A_49, %dma_start3A_50] : memref<16384x64xf32, #tpu.memory_space<hbm>> -> memref<16384x64xf32, #tpu.memory_space<hbm>>
    tpu.enqueue_indirect_dma source(%dma_start3A_51 : memref<16384x64xf32, #tpu.memory_space<hbm>>) target(%dma_start3A_46 : memref<128x64xf32, #tpu.memory_space<vmem>>) offsets(%dma_start3A_48 : memref<128xi32, #tpu.memory_space<vmem>>) semaphore(%arg8 : memref<!tpu.dma_semaphore, #tpu.memory_space<semaphore_mem>>)
    %dma_start3A_52 = arith.constant 1 : i32
    %dma_start3A_53 = arith.constant 128 : i32
    %dma_start3A_54 = arith.constant 0 : i32
    %dma_start3A_55 = tpu.memref_slice %arg6[%dma_start3A_52, %dma_start3A_53, %dma_start3A_54] : memref<2x512x64xf32, #tpu.memory_space<vmem>> -> memref<1x128x64xf32, #tpu.memory_space<vmem>>
    %dma_start3A_56 = tpu.memref_squeeze %dma_start3A_55 : memref<1x128x64xf32, #tpu.memory_space<vmem>> -> memref<128x64xf32, #tpu.memory_space<vmem>>
    %dma_start3A_57 = arith.constant 640 : i32
    %dma_start3A_58 = tpu.memref_slice %arg5[%dma_start3A_57] : memref<4096xi32, #tpu.memory_space<vmem>> -> memref<128xi32, #tpu.memory_space<vmem>>
    %dma_start3A_59 = arith.constant 0 : i32
    %dma_start3A_60 = arith.constant 0 : i32
    %dma_start3A_61 = tpu.memref_slice %arg2[%dma_start3A_59, %dma_start3A_60] : memref<16384x64xf32, #tpu.memory_space<hbm>> -> memref<16384x64xf32, #tpu.memory_space<hbm>>
    tpu.enqueue_indirect_dma source(%dma_start3A_61 : memref<16384x64xf32, #tpu.memory_space<hbm>>) target(%dma_start3A_56 : memref<128x64xf32, #tpu.memory_space<vmem>>) offsets(%dma_start3A_58 : memref<128xi32, #tpu.memory_space<vmem>>) semaphore(%arg8 : memref<!tpu.dma_semaphore, #tpu.memory_space<semaphore_mem>>)
    %dma_start3A_62 = arith.constant 1 : i32
    %dma_start3A_63 = arith.constant 256 : i32
    %dma_start3A_64 = arith.constant 0 : i32
    %dma_start3A_65 = tpu.memref_slice %arg6[%dma_start3A_62, %dma_start3A_63, %dma_start3A_64] : memref<2x512x64xf32, #tpu.memory_space<vmem>> -> memref<1x128x64xf32, #tpu.memory_space<vmem>>
    %dma_start3A_66 = tpu.memref_squeeze %dma_start3A_65 : memref<1x128x64xf32, #tpu.memory_space<vmem>> -> memref<128x64xf32, #tpu.memory_space<vmem>>
    %dma_start3A_67 = arith.constant 768 : i32
    %dma_start3A_68 = tpu.memref_slice %arg5[%dma_start3A_67] : memref<4096xi32, #tpu.memory_space<vmem>> -> memref<128xi32, #tpu.memory_space<vmem>>
    %dma_start3A_69 = arith.constant 0 : i32
    %dma_start3A_70 = arith.constant 0 : i32
    %dma_start3A_71 = tpu.memref_slice %arg2[%dma_start3A_69, %dma_start3A_70] : memref<16384x64xf32, #tpu.memory_space<hbm>> -> memref<16384x64xf32, #tpu.memory_space<hbm>>
    tpu.enqueue_indirect_dma source(%dma_start3A_71 : memref<16384x64xf32, #tpu.memory_space<hbm>>) target(%dma_start3A_66 : memref<128x64xf32, #tpu.memory_space<vmem>>) offsets(%dma_start3A_68 : memref<128xi32, #tpu.memory_space<vmem>>) semaphore(%arg8 : memref<!tpu.dma_semaphore, #tpu.memory_space<semaphore_mem>>)
    %dma_start3A_72 = arith.constant 1 : i32
    %dma_start3A_73 = arith.constant 384 : i32
    %dma_start3A_74 = arith.constant 0 : i32
    %dma_start3A_75 = tpu.memref_slice %arg6[%dma_start3A_72, %dma_start3A_73, %dma_start3A_74] : memref<2x512x64xf32, #tpu.memory_space<vmem>> -> memref<1x128x64xf32, #tpu.memory_space<vmem>>
    %dma_start3A_76 = tpu.memref_squeeze %dma_start3A_75 : memref<1x128x64xf32, #tpu.memory_space<vmem>> -> memref<128x64xf32, #tpu.memory_space<vmem>>
    %dma_start3A_77 = arith.constant 896 : i32
    %dma_start3A_78 = tpu.memref_slice %arg5[%dma_start3A_77] : memref<4096xi32, #tpu.memory_space<vmem>> -> memref<128xi32, #tpu.memory_space<vmem>>
    %dma_start3A_79 = arith.constant 0 : i32
    %dma_start3A_80 = arith.constant 0 : i32
    %dma_start3A_81 = tpu.memref_slice %arg2[%dma_start3A_79, %dma_start3A_80] : memref<16384x64xf32, #tpu.memory_space<hbm>> -> memref<16384x64xf32, #tpu.memory_space<hbm>>
    tpu.enqueue_indirect_dma source(%dma_start3A_81 : memref<16384x64xf32, #tpu.memory_space<hbm>>) target(%dma_start3A_76 : memref<128x64xf32, #tpu.memory_space<vmem>>) offsets(%dma_start3A_78 : memref<128xi32, #tpu.memory_space<vmem>>) semaphore(%arg8 : memref<!tpu.dma_semaphore, #tpu.memory_space<semaphore_mem>>)
    %dma_wait3A = arith.constant 0 : i32
    %dma_wait3A_82 = arith.constant 0 : i32
    %dma_wait3A_83 = arith.constant 0 : i32
    %dma_wait3A_84 = tpu.memref_slice %arg6[%dma_wait3A, %dma_wait3A_82, %dma_wait3A_83] : memref<2x512x64xf32, #tpu.memory_space<vmem>> -> memref<1x128x64xf32, #tpu.memory_space<vmem>>
    %dma_wait3A_85 = tpu.memref_squeeze %dma_wait3A_84 : memref<1x128x64xf32, #tpu.memory_space<vmem>> -> memref<128x64xf32, #tpu.memory_space<vmem>>
    %dma_wait3A_86 = arith.constant 0 : i32
    %dma_wait3A_87 = tpu.memref_slice %arg5[%dma_wait3A_86] : memref<4096xi32, #tpu.memory_space<vmem>> -> memref<128xi32, #tpu.memory_space<vmem>>
    %dma_wait3A_88 = arith.constant 0 : i32
    %dma_wait3A_89 = arith.constant 0 : i32
    %dma_wait3A_90 = tpu.memref_slice %arg2[%dma_wait3A_88, %dma_wait3A_89] : memref<16384x64xf32, #tpu.memory_space<hbm>> -> memref<16384x64xf32, #tpu.memory_space<hbm>>
    tpu.wait_indirect_dma semaphore(%arg7 : memref<!tpu.dma_semaphore, #tpu.memory_space<semaphore_mem>>) src(%dma_wait3A_90 : memref<16384x64xf32, #tpu.memory_space<hbm>>) dst(%dma_wait3A_85 : memref<128x64xf32, #tpu.memory_space<vmem>>)
    %dma_wait3A_91 = arith.constant 0 : i32
    %dma_wait3A_92 = arith.constant 128 : i32
    %dma_wait3A_93 = arith.constant 0 : i32
    %dma_wait3A_94 = tpu.memref_slice %arg6[%dma_wait3A_91, %dma_wait3A_92, %dma_wait3A_93] : memref<2x512x64xf32, #tpu.memory_space<vmem>> -> memref<1x128x64xf32, #tpu.memory_space<vmem>>
    %dma_wait3A_95 = tpu.memref_squeeze %dma_wait3A_94 : memref<1x128x64xf32, #tpu.memory_space<vmem>> -> memref<128x64xf32, #tpu.memory_space<vmem>>
    %dma_wait3A_96 = arith.constant 128 : i32
    %dma_wait3A_97 = tpu.memref_slice %arg5[%dma_wait3A_96] : memref<4096xi32, #tpu.memory_space<vmem>> -> memref<128xi32, #tpu.memory_space<vmem>>
    %dma_wait3A_98 = arith.constant 0 : i32
    %dma_wait3A_99 = arith.constant 0 : i32
    %dma_wait3A_100 = tpu.memref_slice %arg2[%dma_wait3A_98, %dma_wait3A_99] : memref<16384x64xf32, #tpu.memory_space<hbm>> -> memref<16384x64xf32, #tpu.memory_space<hbm>>
    tpu.wait_indirect_dma semaphore(%arg7 : memref<!tpu.dma_semaphore, #tpu.memory_space<semaphore_mem>>) src(%dma_wait3A_100 : memref<16384x64xf32, #tpu.memory_space<hbm>>) dst(%dma_wait3A_95 : memref<128x64xf32, #tpu.memory_space<vmem>>)
    %dma_wait3A_101 = arith.constant 0 : i32
    %dma_wait3A_102 = arith.constant 256 : i32
    %dma_wait3A_103 = arith.constant 0 : i32
    %dma_wait3A_104 = tpu.memref_slice %arg6[%dma_wait3A_101, %dma_wait3A_102, %dma_wait3A_103] : memref<2x512x64xf32, #tpu.memory_space<vmem>> -> memref<1x128x64xf32, #tpu.memory_space<vmem>>
    %dma_wait3A_105 = tpu.memref_squeeze %dma_wait3A_104 : memref<1x128x64xf32, #tpu.memory_space<vmem>> -> memref<128x64xf32, #tpu.memory_space<vmem>>
    %dma_wait3A_106 = arith.constant 256 : i32
    %dma_wait3A_107 = tpu.memref_slice %arg5[%dma_wait3A_106] : memref<4096xi32, #tpu.memory_space<vmem>> -> memref<128xi32, #tpu.memory_space<vmem>>
    %dma_wait3A_108 = arith.constant 0 : i32
    %dma_wait3A_109 = arith.constant 0 : i32
    %dma_wait3A_110 = tpu.memref_slice %arg2[%dma_wait3A_108, %dma_wait3A_109] : memref<16384x64xf32, #tpu.memory_space<hbm>> -> memref<16384x64xf32, #tpu.memory_space<hbm>>
    tpu.wait_indirect_dma semaphore(%arg7 : memref<!tpu.dma_semaphore, #tpu.memory_space<semaphore_mem>>) src(%dma_wait3A_110 : memref<16384x64xf32, #tpu.memory_space<hbm>>) dst(%dma_wait3A_105 : memref<128x64xf32, #tpu.memory_space<vmem>>)
    %dma_wait3A_111 = arith.constant 0 : i32
    %dma_wait3A_112 = arith.constant 384 : i32
    %dma_wait3A_113 = arith.constant 0 : i32
    %dma_wait3A_114 = tpu.memref_slice %arg6[%dma_wait3A_111, %dma_wait3A_112, %dma_wait3A_113] : memref<2x512x64xf32, #tpu.memory_space<vmem>> -> memref<1x128x64xf32, #tpu.memory_space<vmem>>
    %dma_wait3A_115 = tpu.memref_squeeze %dma_wait3A_114 : memref<1x128x64xf32, #tpu.memory_space<vmem>> -> memref<128x64xf32, #tpu.memory_space<vmem>>
    %dma_wait3A_116 = arith.constant 384 : i32
    %dma_wait3A_117 = tpu.memref_slice %arg5[%dma_wait3A_116] : memref<4096xi32, #tpu.memory_space<vmem>> -> memref<128xi32, #tpu.memory_space<vmem>>
    %dma_wait3A_118 = arith.constant 0 : i32
    %dma_wait3A_119 = arith.constant 0 : i32
    %dma_wait3A_120 = tpu.memref_slice %arg2[%dma_wait3A_118, %dma_wait3A_119] : memref<16384x64xf32, #tpu.memory_space<hbm>> -> memref<16384x64xf32, #tpu.memory_space<hbm>>
    tpu.wait_indirect_dma semaphore(%arg7 : memref<!tpu.dma_semaphore, #tpu.memory_space<semaphore_mem>>) src(%dma_wait3A_120 : memref<16384x64xf32, #tpu.memory_space<hbm>>) dst(%dma_wait3A_115 : memref<128x64xf32, #tpu.memory_space<vmem>>)
    %add3A_121 = arith.constant 0 : i32
    %add3A_122 = arith.addi %mul3A_2, %add3A_121 : i32
    %dma_start3A_123 = arith.constant 0 : i32
    %dma_start3A_124 = arith.constant 0 : i32
    %dma_start3A_125 = arith.constant 0 : i32
    %dma_start3A_126 = tpu.memref_slice %arg6[%dma_start3A_123, %dma_start3A_124, %dma_start3A_125] : memref<2x512x64xf32, #tpu.memory_space<vmem>> -> memref<1x512x64xf32, #tpu.memory_space<vmem>>
    %dma_start3A_127 = tpu.memref_squeeze %dma_start3A_126 : memref<1x512x64xf32, #tpu.memory_space<vmem>> -> memref<512x64xf32, #tpu.memory_space<vmem>>
    %dma_start3A_128 = arith.constant 0 : i32
    %dma_start3A_129 = tpu.memref_slice %arg4[%add3A_122, %dma_start3A_128] : memref<131072x64xf32, #tpu.memory_space<hbm>> -> memref<512x64xf32, #tpu.memory_space<hbm>>
    %dma_start3A_130 = arith.constant 0 : i32
    %dma_start3A_131 = tpu.memref_slice %arg4[%add3A_122, %dma_start3A_130] : memref<131072x64xf32, #tpu.memory_space<hbm>> -> memref<512x64xf32, #tpu.memory_space<hbm>>
    %dma_start3A_132 = arith.constant 0 : i32
    %dma_start3A_133 = arith.constant 0 : i32
    %dma_start3A_134 = tpu.memref_slice %arg6[%dma_start3A_123, %dma_start3A_132, %dma_start3A_133] : memref<2x512x64xf32, #tpu.memory_space<vmem>> -> memref<1x512x64xf32, #tpu.memory_space<vmem>>
    %dma_start3A_135 = tpu.memref_squeeze %dma_start3A_134 : memref<1x512x64xf32, #tpu.memory_space<vmem>> -> memref<512x64xf32, #tpu.memory_space<vmem>>
    tpu.enqueue_dma source(%dma_start3A_135 : memref<512x64xf32, #tpu.memory_space<vmem>>) target(%dma_start3A_131 : memref<512x64xf32, #tpu.memory_space<hbm>>) target_semaphore(%arg9 : memref<!tpu.dma_semaphore, #tpu.memory_space<semaphore_mem>>)
    %dma_wait3A_136 = arith.constant 0 : i32
    %dma_wait3A_137 = arith.constant 0 : i32
    %dma_wait3A_138 = arith.constant 0 : i32
    %dma_wait3A_139 = tpu.memref_slice %arg6[%dma_wait3A_136, %dma_wait3A_137, %dma_wait3A_138] : memref<2x512x64xf32, #tpu.memory_space<vmem>> -> memref<1x512x64xf32, #tpu.memory_space<vmem>>
    %dma_wait3A_140 = tpu.memref_squeeze %dma_wait3A_139 : memref<1x512x64xf32, #tpu.memory_space<vmem>> -> memref<512x64xf32, #tpu.memory_space<vmem>>
    %dma_wait3A_141 = arith.constant 0 : i32
    %dma_wait3A_142 = tpu.memref_slice %arg4[%add3A_122, %dma_wait3A_141] : memref<131072x64xf32, #tpu.memory_space<hbm>> -> memref<512x64xf32, #tpu.memory_space<hbm>>
    %dma_wait3A_143 = arith.constant 0 : i32
    %dma_wait3A_144 = tpu.memref_slice %arg4[%add3A_122, %dma_wait3A_143] : memref<131072x64xf32, #tpu.memory_space<hbm>> -> memref<512x64xf32, #tpu.memory_space<hbm>>
    %dma_wait3A_145 = arith.constant 0 : i32
    %dma_wait3A_146 = arith.constant 0 : i32
    %dma_wait3A_147 = tpu.memref_slice %arg6[%dma_wait3A_136, %dma_wait3A_145, %dma_wait3A_146] : memref<2x512x64xf32, #tpu.memory_space<vmem>> -> memref<1x512x64xf32, #tpu.memory_space<vmem>>
    %dma_wait3A_148 = tpu.memref_squeeze %dma_wait3A_147 : memref<1x512x64xf32, #tpu.memory_space<vmem>> -> memref<512x64xf32, #tpu.memory_space<vmem>>
    tpu.wait_dma2 semaphore(%arg9 : memref<!tpu.dma_semaphore, #tpu.memory_space<semaphore_mem>>) src(%dma_wait3A_148 : memref<512x64xf32, #tpu.memory_space<vmem>>) dst(%dma_wait3A_144 : memref<512x64xf32, #tpu.memory_space<hbm>>)
    %dma_start3A_149 = arith.constant 0 : i32
    %dma_start3A_150 = arith.constant 0 : i32
    %dma_start3A_151 = arith.constant 0 : i32
    %dma_start3A_152 = tpu.memref_slice %arg6[%dma_start3A_149, %dma_start3A_150, %dma_start3A_151] : memref<2x512x64xf32, #tpu.memory_space<vmem>> -> memref<1x128x64xf32, #tpu.memory_space<vmem>>
    %dma_start3A_153 = tpu.memref_squeeze %dma_start3A_152 : memref<1x128x64xf32, #tpu.memory_space<vmem>> -> memref<128x64xf32, #tpu.memory_space<vmem>>
    %dma_start3A_154 = arith.constant 1024 : i32
    %dma_start3A_155 = tpu.memref_slice %arg5[%dma_start3A_154] : memref<4096xi32, #tpu.memory_space<vmem>> -> memref<128xi32, #tpu.memory_space<vmem>>
    %dma_start3A_156 = arith.constant 0 : i32
    %dma_start3A_157 = arith.constant 0 : i32
    %dma_start3A_158 = tpu.memref_slice %arg2[%dma_start3A_156, %dma_start3A_157] : memref<16384x64xf32, #tpu.memory_space<hbm>> -> memref<16384x64xf32, #tpu.memory_space<hbm>>
    tpu.enqueue_indirect_dma source(%dma_start3A_158 : memref<16384x64xf32, #tpu.memory_space<hbm>>) target(%dma_start3A_153 : memref<128x64xf32, #tpu.memory_space<vmem>>) offsets(%dma_start3A_155 : memref<128xi32, #tpu.memory_space<vmem>>) semaphore(%arg7 : memref<!tpu.dma_semaphore, #tpu.memory_space<semaphore_mem>>)
    %dma_start3A_159 = arith.constant 0 : i32
    %dma_start3A_160 = arith.constant 128 : i32
    %dma_start3A_161 = arith.constant 0 : i32
    %dma_start3A_162 = tpu.memref_slice %arg6[%dma_start3A_159, %dma_start3A_160, %dma_start3A_161] : memref<2x512x64xf32, #tpu.memory_space<vmem>> -> memref<1x128x64xf32, #tpu.memory_space<vmem>>
    %dma_start3A_163 = tpu.memref_squeeze %dma_start3A_162 : memref<1x128x64xf32, #tpu.memory_space<vmem>> -> memref<128x64xf32, #tpu.memory_space<vmem>>
    %dma_start3A_164 = arith.constant 1152 : i32
    %dma_start3A_165 = tpu.memref_slice %arg5[%dma_start3A_164] : memref<4096xi32, #tpu.memory_space<vmem>> -> memref<128xi32, #tpu.memory_space<vmem>>
    %dma_start3A_166 = arith.constant 0 : i32
    %dma_start3A_167 = arith.constant 0 : i32
    %dma_start3A_168 = tpu.memref_slice %arg2[%dma_start3A_166, %dma_start3A_167] : memref<16384x64xf32, #tpu.memory_space<hbm>> -> memref<16384x64xf32, #tpu.memory_space<hbm>>
    tpu.enqueue_indirect_dma source(%dma_start3A_168 : memref<16384x64xf32, #tpu.memory_space<hbm>>) target(%dma_start3A_163 : memref<128x64xf32, #tpu.memory_space<vmem>>) offsets(%dma_start3A_165 : memref<128xi32, #tpu.memory_space<vmem>>) semaphore(%arg7 : memref<!tpu.dma_semaphore, #tpu.memory_space<semaphore_mem>>)
    %dma_start3A_169 = arith.constant 0 : i32
    %dma_start3A_170 = arith.constant 256 : i32
    %dma_start3A_171 = arith.constant 0 : i32
    %dma_start3A_172 = tpu.memref_slice %arg6[%dma_start3A_169, %dma_start3A_170, %dma_start3A_171] : memref<2x512x64xf32, #tpu.memory_space<vmem>> -> memref<1x128x64xf32, #tpu.memory_space<vmem>>
    %dma_start3A_173 = tpu.memref_squeeze %dma_start3A_172 : memref<1x128x64xf32, #tpu.memory_space<vmem>> -> memref<128x64xf32, #tpu.memory_space<vmem>>
    %dma_start3A_174 = arith.constant 1280 : i32
    %dma_start3A_175 = tpu.memref_slice %arg5[%dma_start3A_174] : memref<4096xi32, #tpu.memory_space<vmem>> -> memref<128xi32, #tpu.memory_space<vmem>>
    %dma_start3A_176 = arith.constant 0 : i32
    %dma_start3A_177 = arith.constant 0 : i32
    %dma_start3A_178 = tpu.memref_slice %arg2[%dma_start3A_176, %dma_start3A_177] : memref<16384x64xf32, #tpu.memory_space<hbm>> -> memref<16384x64xf32, #tpu.memory_space<hbm>>
    tpu.enqueue_indirect_dma source(%dma_start3A_178 : memref<16384x64xf32, #tpu.memory_space<hbm>>) target(%dma_start3A_173 : memref<128x64xf32, #tpu.memory_space<vmem>>) offsets(%dma_start3A_175 : memref<128xi32, #tpu.memory_space<vmem>>) semaphore(%arg7 : memref<!tpu.dma_semaphore, #tpu.memory_space<semaphore_mem>>)
    %dma_start3A_179 = arith.constant 0 : i32
    %dma_start3A_180 = arith.constant 384 : i32
    %dma_start3A_181 = arith.constant 0 : i32
    %dma_start3A_182 = tpu.memref_slice %arg6[%dma_start3A_179, %dma_start3A_180, %dma_start3A_181] : memref<2x512x64xf32, #tpu.memory_space<vmem>> -> memref<1x128x64xf32, #tpu.memory_space<vmem>>
    %dma_start3A_183 = tpu.memref_squeeze %dma_start3A_182 : memref<1x128x64xf32, #tpu.memory_space<vmem>> -> memref<128x64xf32, #tpu.memory_space<vmem>>
    %dma_start3A_184 = arith.constant 1408 : i32
    %dma_start3A_185 = tpu.memref_slice %arg5[%dma_start3A_184] : memref<4096xi32, #tpu.memory_space<vmem>> -> memref<128xi32, #tpu.memory_space<vmem>>
    %dma_start3A_186 = arith.constant 0 : i32
    %dma_start3A_187 = arith.constant 0 : i32
    %dma_start3A_188 = tpu.memref_slice %arg2[%dma_start3A_186, %dma_start3A_187] : memref<16384x64xf32, #tpu.memory_space<hbm>> -> memref<16384x64xf32, #tpu.memory_space<hbm>>
    tpu.enqueue_indirect_dma source(%dma_start3A_188 : memref<16384x64xf32, #tpu.memory_space<hbm>>) target(%dma_start3A_183 : memref<128x64xf32, #tpu.memory_space<vmem>>) offsets(%dma_start3A_185 : memref<128xi32, #tpu.memory_space<vmem>>) semaphore(%arg7 : memref<!tpu.dma_semaphore, #tpu.memory_space<semaphore_mem>>)
    %dma_wait3A_189 = arith.constant 1 : i32
    %dma_wait3A_190 = arith.constant 0 : i32
    %dma_wait3A_191 = arith.constant 0 : i32
    %dma_wait3A_192 = tpu.memref_slice %arg6[%dma_wait3A_189, %dma_wait3A_190, %dma_wait3A_191] : memref<2x512x64xf32, #tpu.memory_space<vmem>> -> memref<1x128x64xf32, #tpu.memory_space<vmem>>
    %dma_wait3A_193 = tpu.memref_squeeze %dma_wait3A_192 : memref<1x128x64xf32, #tpu.memory_space<vmem>> -> memref<128x64xf32, #tpu.memory_space<vmem>>
    %dma_wait3A_194 = arith.constant 512 : i32
    %dma_wait3A_195 = tpu.memref_slice %arg5[%dma_wait3A_194] : memref<4096xi32, #tpu.memory_space<vmem>> -> memref<128xi32, #tpu.memory_space<vmem>>
    %dma_wait3A_196 = arith.constant 0 : i32
    %dma_wait3A_197 = arith.constant 0 : i32
    %dma_wait3A_198 = tpu.memref_slice %arg2[%dma_wait3A_196, %dma_wait3A_197] : memref<16384x64xf32, #tpu.memory_space<hbm>> -> memref<16384x64xf32, #tpu.memory_space<hbm>>
    tpu.wait_indirect_dma semaphore(%arg8 : memref<!tpu.dma_semaphore, #tpu.memory_space<semaphore_mem>>) src(%dma_wait3A_198 : memref<16384x64xf32, #tpu.memory_space<hbm>>) dst(%dma_wait3A_193 : memref<128x64xf32, #tpu.memory_space<vmem>>)
    %dma_wait3A_199 = arith.constant 1 : i32
    %dma_wait3A_200 = arith.constant 128 : i32
    %dma_wait3A_201 = arith.constant 0 : i32
    %dma_wait3A_202 = tpu.memref_slice %arg6[%dma_wait3A_199, %dma_wait3A_200, %dma_wait3A_201] : memref<2x512x64xf32, #tpu.memory_space<vmem>> -> memref<1x128x64xf32, #tpu.memory_space<vmem>>
    %dma_wait3A_203 = tpu.memref_squeeze %dma_wait3A_202 : memref<1x128x64xf32, #tpu.memory_space<vmem>> -> memref<128x64xf32, #tpu.memory_space<vmem>>
    %dma_wait3A_204 = arith.constant 640 : i32
    %dma_wait3A_205 = tpu.memref_slice %arg5[%dma_wait3A_204] : memref<4096xi32, #tpu.memory_space<vmem>> -> memref<128xi32, #tpu.memory_space<vmem>>
    %dma_wait3A_206 = arith.constant 0 : i32
    %dma_wait3A_207 = arith.constant 0 : i32
    %dma_wait3A_208 = tpu.memref_slice %arg2[%dma_wait3A_206, %dma_wait3A_207] : memref<16384x64xf32, #tpu.memory_space<hbm>> -> memref<16384x64xf32, #tpu.memory_space<hbm>>
    tpu.wait_indirect_dma semaphore(%arg8 : memref<!tpu.dma_semaphore, #tpu.memory_space<semaphore_mem>>) src(%dma_wait3A_208 : memref<16384x64xf32, #tpu.memory_space<hbm>>) dst(%dma_wait3A_203 : memref<128x64xf32, #tpu.memory_space<vmem>>)
    %dma_wait3A_209 = arith.constant 1 : i32
    %dma_wait3A_210 = arith.constant 256 : i32
    %dma_wait3A_211 = arith.constant 0 : i32
    %dma_wait3A_212 = tpu.memref_slice %arg6[%dma_wait3A_209, %dma_wait3A_210, %dma_wait3A_211] : memref<2x512x64xf32, #tpu.memory_space<vmem>> -> memref<1x128x64xf32, #tpu.memory_space<vmem>>
    %dma_wait3A_213 = tpu.memref_squeeze %dma_wait3A_212 : memref<1x128x64xf32, #tpu.memory_space<vmem>> -> memref<128x64xf32, #tpu.memory_space<vmem>>
    %dma_wait3A_214 = arith.constant 768 : i32
    %dma_wait3A_215 = tpu.memref_slice %arg5[%dma_wait3A_214] : memref<4096xi32, #tpu.memory_space<vmem>> -> memref<128xi32, #tpu.memory_space<vmem>>
    %dma_wait3A_216 = arith.constant 0 : i32
    %dma_wait3A_217 = arith.constant 0 : i32
    %dma_wait3A_218 = tpu.memref_slice %arg2[%dma_wait3A_216, %dma_wait3A_217] : memref<16384x64xf32, #tpu.memory_space<hbm>> -> memref<16384x64xf32, #tpu.memory_space<hbm>>
    tpu.wait_indirect_dma semaphore(%arg8 : memref<!tpu.dma_semaphore, #tpu.memory_space<semaphore_mem>>) src(%dma_wait3A_218 : memref<16384x64xf32, #tpu.memory_space<hbm>>) dst(%dma_wait3A_213 : memref<128x64xf32, #tpu.memory_space<vmem>>)
    %dma_wait3A_219 = arith.constant 1 : i32
    %dma_wait3A_220 = arith.constant 384 : i32
    %dma_wait3A_221 = arith.constant 0 : i32
    %dma_wait3A_222 = tpu.memref_slice %arg6[%dma_wait3A_219, %dma_wait3A_220, %dma_wait3A_221] : memref<2x512x64xf32, #tpu.memory_space<vmem>> -> memref<1x128x64xf32, #tpu.memory_space<vmem>>
    %dma_wait3A_223 = tpu.memref_squeeze %dma_wait3A_222 : memref<1x128x64xf32, #tpu.memory_space<vmem>> -> memref<128x64xf32, #tpu.memory_space<vmem>>
    %dma_wait3A_224 = arith.constant 896 : i32
    %dma_wait3A_225 = tpu.memref_slice %arg5[%dma_wait3A_224] : memref<4096xi32, #tpu.memory_space<vmem>> -> memref<128xi32, #tpu.memory_space<vmem>>
    %dma_wait3A_226 = arith.constant 0 : i32
    %dma_wait3A_227 = arith.constant 0 : i32
    %dma_wait3A_228 = tpu.memref_slice %arg2[%dma_wait3A_226, %dma_wait3A_227] : memref<16384x64xf32, #tpu.memory_space<hbm>> -> memref<16384x64xf32, #tpu.memory_space<hbm>>
    tpu.wait_indirect_dma semaphore(%arg8 : memref<!tpu.dma_semaphore, #tpu.memory_space<semaphore_mem>>) src(%dma_wait3A_228 : memref<16384x64xf32, #tpu.memory_space<hbm>>) dst(%dma_wait3A_223 : memref<128x64xf32, #tpu.memory_space<vmem>>)
    %add3A_229 = arith.constant 512 : i32
    %add3A_230 = arith.addi %mul3A_2, %add3A_229 : i32
    %dma_start3A_231 = arith.constant 1 : i32
    %dma_start3A_232 = arith.constant 0 : i32
    %dma_start3A_233 = arith.constant 0 : i32
    %dma_start3A_234 = tpu.memref_slice %arg6[%dma_start3A_231, %dma_start3A_232, %dma_start3A_233] : memref<2x512x64xf32, #tpu.memory_space<vmem>> -> memref<1x512x64xf32, #tpu.memory_space<vmem>>
    %dma_start3A_235 = tpu.memref_squeeze %dma_start3A_234 : memref<1x512x64xf32, #tpu.memory_space<vmem>> -> memref<512x64xf32, #tpu.memory_space<vmem>>
    %dma_start3A_236 = arith.constant 0 : i32
    %dma_start3A_237 = tpu.memref_slice %arg4[%add3A_230, %dma_start3A_236] : memref<131072x64xf32, #tpu.memory_space<hbm>> -> memref<512x64xf32, #tpu.memory_space<hbm>>
    %dma_start3A_238 = arith.constant 0 : i32
    %dma_start3A_239 = tpu.memref_slice %arg4[%add3A_230, %dma_start3A_238] : memref<131072x64xf32, #tpu.memory_space<hbm>> -> memref<512x64xf32, #tpu.memory_space<hbm>>
    %dma_start3A_240 = arith.constant 0 : i32
    %dma_start3A_241 = arith.constant 0 : i32
    %dma_start3A_242 = tpu.memref_slice %arg6[%dma_start3A_231, %dma_start3A_240, %dma_start3A_241] : memref<2x512x64xf32, #tpu.memory_space<vmem>> -> memref<1x512x64xf32, #tpu.memory_space<vmem>>
    %dma_start3A_243 = tpu.memref_squeeze %dma_start3A_242 : memref<1x512x64xf32, #tpu.memory_space<vmem>> -> memref<512x64xf32, #tpu.memory_space<vmem>>
    tpu.enqueue_dma source(%dma_start3A_243 : memref<512x64xf32, #tpu.memory_space<vmem>>) target(%dma_start3A_239 : memref<512x64xf32, #tpu.memory_space<hbm>>) target_semaphore(%arg10 : memref<!tpu.dma_semaphore, #tpu.memory_space<semaphore_mem>>)
    %dma_wait3A_244 = arith.constant 1 : i32
    %dma_wait3A_245 = arith.constant 0 : i32
    %dma_wait3A_246 = arith.constant 0 : i32
    %dma_wait3A_247 = tpu.memref_slice %arg6[%dma_wait3A_244, %dma_wait3A_245, %dma_wait3A_246] : memref<2x512x64xf32, #tpu.memory_space<vmem>> -> memref<1x512x64xf32, #tpu.memory_space<vmem>>
    %dma_wait3A_248 = tpu.memref_squeeze %dma_wait3A_247 : memref<1x512x64xf32, #tpu.memory_space<vmem>> -> memref<512x64xf32, #tpu.memory_space<vmem>>
    %dma_wait3A_249 = arith.constant 0 : i32
    %dma_wait3A_250 = tpu.memref_slice %arg4[%add3A_230, %dma_wait3A_249] : memref<131072x64xf32, #tpu.memory_space<hbm>> -> memref<512x64xf32, #tpu.memory_space<hbm>>
    %dma_wait3A_251 = arith.constant 0 : i32
    %dma_wait3A_252 = tpu.memref_slice %arg4[%add3A_230, %dma_wait3A_251] : memref<131072x64xf32, #tpu.memory_space<hbm>> -> memref<512x64xf32, #tpu.memory_space<hbm>>
    %dma_wait3A_253 = arith.constant 0 : i32
    %dma_wait3A_254 = arith.constant 0 : i32
    %dma_wait3A_255 = tpu.memref_slice %arg6[%dma_wait3A_244, %dma_wait3A_253, %dma_wait3A_254] : memref<2x512x64xf32, #tpu.memory_space<vmem>> -> memref<1x512x64xf32, #tpu.memory_space<vmem>>
    %dma_wait3A_256 = tpu.memref_squeeze %dma_wait3A_255 : memref<1x512x64xf32, #tpu.memory_space<vmem>> -> memref<512x64xf32, #tpu.memory_space<vmem>>
    tpu.wait_dma2 semaphore(%arg10 : memref<!tpu.dma_semaphore, #tpu.memory_space<semaphore_mem>>) src(%dma_wait3A_256 : memref<512x64xf32, #tpu.memory_space<vmem>>) dst(%dma_wait3A_252 : memref<512x64xf32, #tpu.memory_space<hbm>>)
    %dma_start3A_257 = arith.constant 1 : i32
    %dma_start3A_258 = arith.constant 0 : i32
    %dma_start3A_259 = arith.constant 0 : i32
    %dma_start3A_260 = tpu.memref_slice %arg6[%dma_start3A_257, %dma_start3A_258, %dma_start3A_259] : memref<2x512x64xf32, #tpu.memory_space<vmem>> -> memref<1x128x64xf32, #tpu.memory_space<vmem>>
    %dma_start3A_261 = tpu.memref_squeeze %dma_start3A_260 : memref<1x128x64xf32, #tpu.memory_space<vmem>> -> memref<128x64xf32, #tpu.memory_space<vmem>>
    %dma_start3A_262 = arith.constant 1536 : i32
    %dma_start3A_263 = tpu.memref_slice %arg5[%dma_start3A_262] : memref<4096xi32, #tpu.memory_space<vmem>> -> memref<128xi32, #tpu.memory_space<vmem>>
    %dma_start3A_264 = arith.constant 0 : i32
    %dma_start3A_265 = arith.constant 0 : i32
    %dma_start3A_266 = tpu.memref_slice %arg2[%dma_start3A_264, %dma_start3A_265] : memref<16384x64xf32, #tpu.memory_space<hbm>> -> memref<16384x64xf32, #tpu.memory_space<hbm>>
    tpu.enqueue_indirect_dma source(%dma_start3A_266 : memref<16384x64xf32, #tpu.memory_space<hbm>>) target(%dma_start3A_261 : memref<128x64xf32, #tpu.memory_space<vmem>>) offsets(%dma_start3A_263 : memref<128xi32, #tpu.memory_space<vmem>>) semaphore(%arg8 : memref<!tpu.dma_semaphore, #tpu.memory_space<semaphore_mem>>)
    %dma_start3A_267 = arith.constant 1 : i32
    %dma_start3A_268 = arith.constant 128 : i32
    %dma_start3A_269 = arith.constant 0 : i32
    %dma_start3A_270 = tpu.memref_slice %arg6[%dma_start3A_267, %dma_start3A_268, %dma_start3A_269] : memref<2x512x64xf32, #tpu.memory_space<vmem>> -> memref<1x128x64xf32, #tpu.memory_space<vmem>>
    %dma_start3A_271 = tpu.memref_squeeze %dma_start3A_270 : memref<1x128x64xf32, #tpu.memory_space<vmem>> -> memref<128x64xf32, #tpu.memory_space<vmem>>
    %dma_start3A_272 = arith.constant 1664 : i32
    %dma_start3A_273 = tpu.memref_slice %arg5[%dma_start3A_272] : memref<4096xi32, #tpu.memory_space<vmem>> -> memref<128xi32, #tpu.memory_space<vmem>>
    %dma_start3A_274 = arith.constant 0 : i32
    %dma_start3A_275 = arith.constant 0 : i32
    %dma_start3A_276 = tpu.memref_slice %arg2[%dma_start3A_274, %dma_start3A_275] : memref<16384x64xf32, #tpu.memory_space<hbm>> -> memref<16384x64xf32, #tpu.memory_space<hbm>>
    tpu.enqueue_indirect_dma source(%dma_start3A_276 : memref<16384x64xf32, #tpu.memory_space<hbm>>) target(%dma_start3A_271 : memref<128x64xf32, #tpu.memory_space<vmem>>) offsets(%dma_start3A_273 : memref<128xi32, #tpu.memory_space<vmem>>) semaphore(%arg8 : memref<!tpu.dma_semaphore, #tpu.memory_space<semaphore_mem>>)
    %dma_start3A_277 = arith.constant 1 : i32
    %dma_start3A_278 = arith.constant 256 : i32
    %dma_start3A_279 = arith.constant 0 : i32
    %dma_start3A_280 = tpu.memref_slice %arg6[%dma_start3A_277, %dma_start3A_278, %dma_start3A_279] : memref<2x512x64xf32, #tpu.memory_space<vmem>> -> memref<1x128x64xf32, #tpu.memory_space<vmem>>
    %dma_start3A_281 = tpu.memref_squeeze %dma_start3A_280 : memref<1x128x64xf32, #tpu.memory_space<vmem>> -> memref<128x64xf32, #tpu.memory_space<vmem>>
    %dma_start3A_282 = arith.constant 1792 : i32
    %dma_start3A_283 = tpu.memref_slice %arg5[%dma_start3A_282] : memref<4096xi32, #tpu.memory_space<vmem>> -> memref<128xi32, #tpu.memory_space<vmem>>
    %dma_start3A_284 = arith.constant 0 : i32
    %dma_start3A_285 = arith.constant 0 : i32
    %dma_start3A_286 = tpu.memref_slice %arg2[%dma_start3A_284, %dma_start3A_285] : memref<16384x64xf32, #tpu.memory_space<hbm>> -> memref<16384x64xf32, #tpu.memory_space<hbm>>
    tpu.enqueue_indirect_dma source(%dma_start3A_286 : memref<16384x64xf32, #tpu.memory_space<hbm>>) target(%dma_start3A_281 : memref<128x64xf32, #tpu.memory_space<vmem>>) offsets(%dma_start3A_283 : memref<128xi32, #tpu.memory_space<vmem>>) semaphore(%arg8 : memref<!tpu.dma_semaphore, #tpu.memory_space<semaphore_mem>>)
    %dma_start3A_287 = arith.constant 1 : i32
    %dma_start3A_288 = arith.constant 384 : i32
    %dma_start3A_289 = arith.constant 0 : i32
    %dma_start3A_290 = tpu.memref_slice %arg6[%dma_start3A_287, %dma_start3A_288, %dma_start3A_289] : memref<2x512x64xf32, #tpu.memory_space<vmem>> -> memref<1x128x64xf32, #tpu.memory_space<vmem>>
    %dma_start3A_291 = tpu.memref_squeeze %dma_start3A_290 : memref<1x128x64xf32, #tpu.memory_space<vmem>> -> memref<128x64xf32, #tpu.memory_space<vmem>>
    %dma_start3A_292 = arith.constant 1920 : i32
    %dma_start3A_293 = tpu.memref_slice %arg5[%dma_start3A_292] : memref<4096xi32, #tpu.memory_space<vmem>> -> memref<128xi32, #tpu.memory_space<vmem>>
    %dma_start3A_294 = arith.constant 0 : i32
    %dma_start3A_295 = arith.constant 0 : i32
    %dma_start3A_296 = tpu.memref_slice %arg2[%dma_start3A_294, %dma_start3A_295] : memref<16384x64xf32, #tpu.memory_space<hbm>> -> memref<16384x64xf32, #tpu.memory_space<hbm>>
    tpu.enqueue_indirect_dma source(%dma_start3A_296 : memref<16384x64xf32, #tpu.memory_space<hbm>>) target(%dma_start3A_291 : memref<128x64xf32, #tpu.memory_space<vmem>>) offsets(%dma_start3A_293 : memref<128xi32, #tpu.memory_space<vmem>>) semaphore(%arg8 : memref<!tpu.dma_semaphore, #tpu.memory_space<semaphore_mem>>)
    %dma_wait3A_297 = arith.constant 0 : i32
    %dma_wait3A_298 = arith.constant 0 : i32
    %dma_wait3A_299 = arith.constant 0 : i32
    %dma_wait3A_300 = tpu.memref_slice %arg6[%dma_wait3A_297, %dma_wait3A_298, %dma_wait3A_299] : memref<2x512x64xf32, #tpu.memory_space<vmem>> -> memref<1x128x64xf32, #tpu.memory_space<vmem>>
    %dma_wait3A_301 = tpu.memref_squeeze %dma_wait3A_300 : memref<1x128x64xf32, #tpu.memory_space<vmem>> -> memref<128x64xf32, #tpu.memory_space<vmem>>
    %dma_wait3A_302 = arith.constant 1024 : i32
    %dma_wait3A_303 = tpu.memref_slice %arg5[%dma_wait3A_302] : memref<4096xi32, #tpu.memory_space<vmem>> -> memref<128xi32, #tpu.memory_space<vmem>>
    %dma_wait3A_304 = arith.constant 0 : i32
    %dma_wait3A_305 = arith.constant 0 : i32
    %dma_wait3A_306 = tpu.memref_slice %arg2[%dma_wait3A_304, %dma_wait3A_305] : memref<16384x64xf32, #tpu.memory_space<hbm>> -> memref<16384x64xf32, #tpu.memory_space<hbm>>
    tpu.wait_indirect_dma semaphore(%arg7 : memref<!tpu.dma_semaphore, #tpu.memory_space<semaphore_mem>>) src(%dma_wait3A_306 : memref<16384x64xf32, #tpu.memory_space<hbm>>) dst(%dma_wait3A_301 : memref<128x64xf32, #tpu.memory_space<vmem>>)
    %dma_wait3A_307 = arith.constant 0 : i32
    %dma_wait3A_308 = arith.constant 128 : i32
    %dma_wait3A_309 = arith.constant 0 : i32
    %dma_wait3A_310 = tpu.memref_slice %arg6[%dma_wait3A_307, %dma_wait3A_308, %dma_wait3A_309] : memref<2x512x64xf32, #tpu.memory_space<vmem>> -> memref<1x128x64xf32, #tpu.memory_space<vmem>>
    %dma_wait3A_311 = tpu.memref_squeeze %dma_wait3A_310 : memref<1x128x64xf32, #tpu.memory_space<vmem>> -> memref<128x64xf32, #tpu.memory_space<vmem>>
    %dma_wait3A_312 = arith.constant 1152 : i32
    %dma_wait3A_313 = tpu.memref_slice %arg5[%dma_wait3A_312] : memref<4096xi32, #tpu.memory_space<vmem>> -> memref<128xi32, #tpu.memory_space<vmem>>
    %dma_wait3A_314 = arith.constant 0 : i32
    %dma_wait3A_315 = arith.constant 0 : i32
    %dma_wait3A_316 = tpu.memref_slice %arg2[%dma_wait3A_314, %dma_wait3A_315] : memref<16384x64xf32, #tpu.memory_space<hbm>> -> memref<16384x64xf32, #tpu.memory_space<hbm>>
    tpu.wait_indirect_dma semaphore(%arg7 : memref<!tpu.dma_semaphore, #tpu.memory_space<semaphore_mem>>) src(%dma_wait3A_316 : memref<16384x64xf32, #tpu.memory_space<hbm>>) dst(%dma_wait3A_311 : memref<128x64xf32, #tpu.memory_space<vmem>>)
    %dma_wait3A_317 = arith.constant 0 : i32
    %dma_wait3A_318 = arith.constant 256 : i32
    %dma_wait3A_319 = arith.constant 0 : i32
    %dma_wait3A_320 = tpu.memref_slice %arg6[%dma_wait3A_317, %dma_wait3A_318, %dma_wait3A_319] : memref<2x512x64xf32, #tpu.memory_space<vmem>> -> memref<1x128x64xf32, #tpu.memory_space<vmem>>
    %dma_wait3A_321 = tpu.memref_squeeze %dma_wait3A_320 : memref<1x128x64xf32, #tpu.memory_space<vmem>> -> memref<128x64xf32, #tpu.memory_space<vmem>>
    %dma_wait3A_322 = arith.constant 1280 : i32
    %dma_wait3A_323 = tpu.memref_slice %arg5[%dma_wait3A_322] : memref<4096xi32, #tpu.memory_space<vmem>> -> memref<128xi32, #tpu.memory_space<vmem>>
    %dma_wait3A_324 = arith.constant 0 : i32
    %dma_wait3A_325 = arith.constant 0 : i32
    %dma_wait3A_326 = tpu.memref_slice %arg2[%dma_wait3A_324, %dma_wait3A_325] : memref<16384x64xf32, #tpu.memory_space<hbm>> -> memref<16384x64xf32, #tpu.memory_space<hbm>>
    tpu.wait_indirect_dma semaphore(%arg7 : memref<!tpu.dma_semaphore, #tpu.memory_space<semaphore_mem>>) src(%dma_wait3A_326 : memref<16384x64xf32, #tpu.memory_space<hbm>>) dst(%dma_wait3A_321 : memref<128x64xf32, #tpu.memory_space<vmem>>)
    %dma_wait3A_327 = arith.constant 0 : i32
    %dma_wait3A_328 = arith.constant 384 : i32
    %dma_wait3A_329 = arith.constant 0 : i32
    %dma_wait3A_330 = tpu.memref_slice %arg6[%dma_wait3A_327, %dma_wait3A_328, %dma_wait3A_329] : memref<2x512x64xf32, #tpu.memory_space<vmem>> -> memref<1x128x64xf32, #tpu.memory_space<vmem>>
    %dma_wait3A_331 = tpu.memref_squeeze %dma_wait3A_330 : memref<1x128x64xf32, #tpu.memory_space<vmem>> -> memref<128x64xf32, #tpu.memory_space<vmem>>
    %dma_wait3A_332 = arith.constant 1408 : i32
    %dma_wait3A_333 = tpu.memref_slice %arg5[%dma_wait3A_332] : memref<4096xi32, #tpu.memory_space<vmem>> -> memref<128xi32, #tpu.memory_space<vmem>>
    %dma_wait3A_334 = arith.constant 0 : i32
    %dma_wait3A_335 = arith.constant 0 : i32
    %dma_wait3A_336 = tpu.memref_slice %arg2[%dma_wait3A_334, %dma_wait3A_335] : memref<16384x64xf32, #tpu.memory_space<hbm>> -> memref<16384x64xf32, #tpu.memory_space<hbm>>
    tpu.wait_indirect_dma semaphore(%arg7 : memref<!tpu.dma_semaphore, #tpu.memory_space<semaphore_mem>>) src(%dma_wait3A_336 : memref<16384x64xf32, #tpu.memory_space<hbm>>) dst(%dma_wait3A_331 : memref<128x64xf32, #tpu.memory_space<vmem>>)
    %add3A_337 = arith.constant 1024 : i32
    %add3A_338 = arith.addi %mul3A_2, %add3A_337 : i32
    %dma_start3A_339 = arith.constant 0 : i32
    %dma_start3A_340 = arith.constant 0 : i32
    %dma_start3A_341 = arith.constant 0 : i32
    %dma_start3A_342 = tpu.memref_slice %arg6[%dma_start3A_339, %dma_start3A_340, %dma_start3A_341] : memref<2x512x64xf32, #tpu.memory_space<vmem>> -> memref<1x512x64xf32, #tpu.memory_space<vmem>>
    %dma_start3A_343 = tpu.memref_squeeze %dma_start3A_342 : memref<1x512x64xf32, #tpu.memory_space<vmem>> -> memref<512x64xf32, #tpu.memory_space<vmem>>
    %dma_start3A_344 = arith.constant 0 : i32
    %dma_start3A_345 = tpu.memref_slice %arg4[%add3A_338, %dma_start3A_344] : memref<131072x64xf32, #tpu.memory_space<hbm>> -> memref<512x64xf32, #tpu.memory_space<hbm>>
    %dma_start3A_346 = arith.constant 0 : i32
    %dma_start3A_347 = tpu.memref_slice %arg4[%add3A_338, %dma_start3A_346] : memref<131072x64xf32, #tpu.memory_space<hbm>> -> memref<512x64xf32, #tpu.memory_space<hbm>>
    %dma_start3A_348 = arith.constant 0 : i32
    %dma_start3A_349 = arith.constant 0 : i32
    %dma_start3A_350 = tpu.memref_slice %arg6[%dma_start3A_339, %dma_start3A_348, %dma_start3A_349] : memref<2x512x64xf32, #tpu.memory_space<vmem>> -> memref<1x512x64xf32, #tpu.memory_space<vmem>>
    %dma_start3A_351 = tpu.memref_squeeze %dma_start3A_350 : memref<1x512x64xf32, #tpu.memory_space<vmem>> -> memref<512x64xf32, #tpu.memory_space<vmem>>
    tpu.enqueue_dma source(%dma_start3A_351 : memref<512x64xf32, #tpu.memory_space<vmem>>) target(%dma_start3A_347 : memref<512x64xf32, #tpu.memory_space<hbm>>) target_semaphore(%arg9 : memref<!tpu.dma_semaphore, #tpu.memory_space<semaphore_mem>>)
    %dma_wait3A_352 = arith.constant 0 : i32
    %dma_wait3A_353 = arith.constant 0 : i32
    %dma_wait3A_354 = arith.constant 0 : i32
    %dma_wait3A_355 = tpu.memref_slice %arg6[%dma_wait3A_352, %dma_wait3A_353, %dma_wait3A_354] : memref<2x512x64xf32, #tpu.memory_space<vmem>> -> memref<1x512x64xf32, #tpu.memory_space<vmem>>
    %dma_wait3A_356 = tpu.memref_squeeze %dma_wait3A_355 : memref<1x512x64xf32, #tpu.memory_space<vmem>> -> memref<512x64xf32, #tpu.memory_space<vmem>>
    %dma_wait3A_357 = arith.constant 0 : i32
    %dma_wait3A_358 = tpu.memref_slice %arg4[%add3A_338, %dma_wait3A_357] : memref<131072x64xf32, #tpu.memory_space<hbm>> -> memref<512x64xf32, #tpu.memory_space<hbm>>
    %dma_wait3A_359 = arith.constant 0 : i32
    %dma_wait3A_360 = tpu.memref_slice %arg4[%add3A_338, %dma_wait3A_359] : memref<131072x64xf32, #tpu.memory_space<hbm>> -> memref<512x64xf32, #tpu.memory_space<hbm>>
    %dma_wait3A_361 = arith.constant 0 : i32
    %dma_wait3A_362 = arith.constant 0 : i32
    %dma_wait3A_363 = tpu.memref_slice %arg6[%dma_wait3A_352, %dma_wait3A_361, %dma_wait3A_362] : memref<2x512x64xf32, #tpu.memory_space<vmem>> -> memref<1x512x64xf32, #tpu.memory_space<vmem>>
    %dma_wait3A_364 = tpu.memref_squeeze %dma_wait3A_363 : memref<1x512x64xf32, #tpu.memory_space<vmem>> -> memref<512x64xf32, #tpu.memory_space<vmem>>
    tpu.wait_dma2 semaphore(%arg9 : memref<!tpu.dma_semaphore, #tpu.memory_space<semaphore_mem>>) src(%dma_wait3A_364 : memref<512x64xf32, #tpu.memory_space<vmem>>) dst(%dma_wait3A_360 : memref<512x64xf32, #tpu.memory_space<hbm>>)
    %dma_start3A_365 = arith.constant 0 : i32
    %dma_start3A_366 = arith.constant 0 : i32
    %dma_start3A_367 = arith.constant 0 : i32
    %dma_start3A_368 = tpu.memref_slice %arg6[%dma_start3A_365, %dma_start3A_366, %dma_start3A_367] : memref<2x512x64xf32, #tpu.memory_space<vmem>> -> memref<1x128x64xf32, #tpu.memory_space<vmem>>
    %dma_start3A_369 = tpu.memref_squeeze %dma_start3A_368 : memref<1x128x64xf32, #tpu.memory_space<vmem>> -> memref<128x64xf32, #tpu.memory_space<vmem>>
    %dma_start3A_370 = arith.constant 2048 : i32
    %dma_start3A_371 = tpu.memref_slice %arg5[%dma_start3A_370] : memref<4096xi32, #tpu.memory_space<vmem>> -> memref<128xi32, #tpu.memory_space<vmem>>
    %dma_start3A_372 = arith.constant 0 : i32
    %dma_start3A_373 = arith.constant 0 : i32
    %dma_start3A_374 = tpu.memref_slice %arg2[%dma_start3A_372, %dma_start3A_373] : memref<16384x64xf32, #tpu.memory_space<hbm>> -> memref<16384x64xf32, #tpu.memory_space<hbm>>
    tpu.enqueue_indirect_dma source(%dma_start3A_374 : memref<16384x64xf32, #tpu.memory_space<hbm>>) target(%dma_start3A_369 : memref<128x64xf32, #tpu.memory_space<vmem>>) offsets(%dma_start3A_371 : memref<128xi32, #tpu.memory_space<vmem>>) semaphore(%arg7 : memref<!tpu.dma_semaphore, #tpu.memory_space<semaphore_mem>>)
    %dma_start3A_375 = arith.constant 0 : i32
    %dma_start3A_376 = arith.constant 128 : i32
    %dma_start3A_377 = arith.constant 0 : i32
    %dma_start3A_378 = tpu.memref_slice %arg6[%dma_start3A_375, %dma_start3A_376, %dma_start3A_377] : memref<2x512x64xf32, #tpu.memory_space<vmem>> -> memref<1x128x64xf32, #tpu.memory_space<vmem>>
    %dma_start3A_379 = tpu.memref_squeeze %dma_start3A_378 : memref<1x128x64xf32, #tpu.memory_space<vmem>> -> memref<128x64xf32, #tpu.memory_space<vmem>>
    %dma_start3A_380 = arith.constant 2176 : i32
    %dma_start3A_381 = tpu.memref_slice %arg5[%dma_start3A_380] : memref<4096xi32, #tpu.memory_space<vmem>> -> memref<128xi32, #tpu.memory_space<vmem>>
    %dma_start3A_382 = arith.constant 0 : i32
    %dma_start3A_383 = arith.constant 0 : i32
    %dma_start3A_384 = tpu.memref_slice %arg2[%dma_start3A_382, %dma_start3A_383] : memref<16384x64xf32, #tpu.memory_space<hbm>> -> memref<16384x64xf32, #tpu.memory_space<hbm>>
    tpu.enqueue_indirect_dma source(%dma_start3A_384 : memref<16384x64xf32, #tpu.memory_space<hbm>>) target(%dma_start3A_379 : memref<128x64xf32, #tpu.memory_space<vmem>>) offsets(%dma_start3A_381 : memref<128xi32, #tpu.memory_space<vmem>>) semaphore(%arg7 : memref<!tpu.dma_semaphore, #tpu.memory_space<semaphore_mem>>)
    %dma_start3A_385 = arith.constant 0 : i32
    %dma_start3A_386 = arith.constant 256 : i32
    %dma_start3A_387 = arith.constant 0 : i32
    %dma_start3A_388 = tpu.memref_slice %arg6[%dma_start3A_385, %dma_start3A_386, %dma_start3A_387] : memref<2x512x64xf32, #tpu.memory_space<vmem>> -> memref<1x128x64xf32, #tpu.memory_space<vmem>>
    %dma_start3A_389 = tpu.memref_squeeze %dma_start3A_388 : memref<1x128x64xf32, #tpu.memory_space<vmem>> -> memref<128x64xf32, #tpu.memory_space<vmem>>
    %dma_start3A_390 = arith.constant 2304 : i32
    %dma_start3A_391 = tpu.memref_slice %arg5[%dma_start3A_390] : memref<4096xi32, #tpu.memory_space<vmem>> -> memref<128xi32, #tpu.memory_space<vmem>>
    %dma_start3A_392 = arith.constant 0 : i32
    %dma_start3A_393 = arith.constant 0 : i32
    %dma_start3A_394 = tpu.memref_slice %arg2[%dma_start3A_392, %dma_start3A_393] : memref<16384x64xf32, #tpu.memory_space<hbm>> -> memref<16384x64xf32, #tpu.memory_space<hbm>>
    tpu.enqueue_indirect_dma source(%dma_start3A_394 : memref<16384x64xf32, #tpu.memory_space<hbm>>) target(%dma_start3A_389 : memref<128x64xf32, #tpu.memory_space<vmem>>) offsets(%dma_start3A_391 : memref<128xi32, #tpu.memory_space<vmem>>) semaphore(%arg7 : memref<!tpu.dma_semaphore, #tpu.memory_space<semaphore_mem>>)
    %dma_start3A_395 = arith.constant 0 : i32
    %dma_start3A_396 = arith.constant 384 : i32
    %dma_start3A_397 = arith.constant 0 : i32
    %dma_start3A_398 = tpu.memref_slice %arg6[%dma_start3A_395, %dma_start3A_396, %dma_start3A_397] : memref<2x512x64xf32, #tpu.memory_space<vmem>> -> memref<1x128x64xf32, #tpu.memory_space<vmem>>
    %dma_start3A_399 = tpu.memref_squeeze %dma_start3A_398 : memref<1x128x64xf32, #tpu.memory_space<vmem>> -> memref<128x64xf32, #tpu.memory_space<vmem>>
    %dma_start3A_400 = arith.constant 2432 : i32
    %dma_start3A_401 = tpu.memref_slice %arg5[%dma_start3A_400] : memref<4096xi32, #tpu.memory_space<vmem>> -> memref<128xi32, #tpu.memory_space<vmem>>
    %dma_start3A_402 = arith.constant 0 : i32
    %dma_start3A_403 = arith.constant 0 : i32
    %dma_start3A_404 = tpu.memref_slice %arg2[%dma_start3A_402, %dma_start3A_403] : memref<16384x64xf32, #tpu.memory_space<hbm>> -> memref<16384x64xf32, #tpu.memory_space<hbm>>
    tpu.enqueue_indirect_dma source(%dma_start3A_404 : memref<16384x64xf32, #tpu.memory_space<hbm>>) target(%dma_start3A_399 : memref<128x64xf32, #tpu.memory_space<vmem>>) offsets(%dma_start3A_401 : memref<128xi32, #tpu.memory_space<vmem>>) semaphore(%arg7 : memref<!tpu.dma_semaphore, #tpu.memory_space<semaphore_mem>>)
    %dma_wait3A_405 = arith.constant 1 : i32
    %dma_wait3A_406 = arith.constant 0 : i32
    %dma_wait3A_407 = arith.constant 0 : i32
    %dma_wait3A_408 = tpu.memref_slice %arg6[%dma_wait3A_405, %dma_wait3A_406, %dma_wait3A_407] : memref<2x512x64xf32, #tpu.memory_space<vmem>> -> memref<1x128x64xf32, #tpu.memory_space<vmem>>
    %dma_wait3A_409 = tpu.memref_squeeze %dma_wait3A_408 : memref<1x128x64xf32, #tpu.memory_space<vmem>> -> memref<128x64xf32, #tpu.memory_space<vmem>>
    %dma_wait3A_410 = arith.constant 1536 : i32
    %dma_wait3A_411 = tpu.memref_slice %arg5[%dma_wait3A_410] : memref<4096xi32, #tpu.memory_space<vmem>> -> memref<128xi32, #tpu.memory_space<vmem>>
    %dma_wait3A_412 = arith.constant 0 : i32
    %dma_wait3A_413 = arith.constant 0 : i32
    %dma_wait3A_414 = tpu.memref_slice %arg2[%dma_wait3A_412, %dma_wait3A_413] : memref<16384x64xf32, #tpu.memory_space<hbm>> -> memref<16384x64xf32, #tpu.memory_space<hbm>>
    tpu.wait_indirect_dma semaphore(%arg8 : memref<!tpu.dma_semaphore, #tpu.memory_space<semaphore_mem>>) src(%dma_wait3A_414 : memref<16384x64xf32, #tpu.memory_space<hbm>>) dst(%dma_wait3A_409 : memref<128x64xf32, #tpu.memory_space<vmem>>)
    %dma_wait3A_415 = arith.constant 1 : i32
    %dma_wait3A_416 = arith.constant 128 : i32
    %dma_wait3A_417 = arith.constant 0 : i32
    %dma_wait3A_418 = tpu.memref_slice %arg6[%dma_wait3A_415, %dma_wait3A_416, %dma_wait3A_417] : memref<2x512x64xf32, #tpu.memory_space<vmem>> -> memref<1x128x64xf32, #tpu.memory_space<vmem>>
    %dma_wait3A_419 = tpu.memref_squeeze %dma_wait3A_418 : memref<1x128x64xf32, #tpu.memory_space<vmem>> -> memref<128x64xf32, #tpu.memory_space<vmem>>
    %dma_wait3A_420 = arith.constant 1664 : i32
    %dma_wait3A_421 = tpu.memref_slice %arg5[%dma_wait3A_420] : memref<4096xi32, #tpu.memory_space<vmem>> -> memref<128xi32, #tpu.memory_space<vmem>>
    %dma_wait3A_422 = arith.constant 0 : i32
    %dma_wait3A_423 = arith.constant 0 : i32
    %dma_wait3A_424 = tpu.memref_slice %arg2[%dma_wait3A_422, %dma_wait3A_423] : memref<16384x64xf32, #tpu.memory_space<hbm>> -> memref<16384x64xf32, #tpu.memory_space<hbm>>
    tpu.wait_indirect_dma semaphore(%arg8 : memref<!tpu.dma_semaphore, #tpu.memory_space<semaphore_mem>>) src(%dma_wait3A_424 : memref<16384x64xf32, #tpu.memory_space<hbm>>) dst(%dma_wait3A_419 : memref<128x64xf32, #tpu.memory_space<vmem>>)
    %dma_wait3A_425 = arith.constant 1 : i32
    %dma_wait3A_426 = arith.constant 256 : i32
    %dma_wait3A_427 = arith.constant 0 : i32
    %dma_wait3A_428 = tpu.memref_slice %arg6[%dma_wait3A_425, %dma_wait3A_426, %dma_wait3A_427] : memref<2x512x64xf32, #tpu.memory_space<vmem>> -> memref<1x128x64xf32, #tpu.memory_space<vmem>>
    %dma_wait3A_429 = tpu.memref_squeeze %dma_wait3A_428 : memref<1x128x64xf32, #tpu.memory_space<vmem>> -> memref<128x64xf32, #tpu.memory_space<vmem>>
    %dma_wait3A_430 = arith.constant 1792 : i32
    %dma_wait3A_431 = tpu.memref_slice %arg5[%dma_wait3A_430] : memref<4096xi32, #tpu.memory_space<vmem>> -> memref<128xi32, #tpu.memory_space<vmem>>
    %dma_wait3A_432 = arith.constant 0 : i32
    %dma_wait3A_433 = arith.constant 0 : i32
    %dma_wait3A_434 = tpu.memref_slice %arg2[%dma_wait3A_432, %dma_wait3A_433] : memref<16384x64xf32, #tpu.memory_space<hbm>> -> memref<16384x64xf32, #tpu.memory_space<hbm>>
    tpu.wait_indirect_dma semaphore(%arg8 : memref<!tpu.dma_semaphore, #tpu.memory_space<semaphore_mem>>) src(%dma_wait3A_434 : memref<16384x64xf32, #tpu.memory_space<hbm>>) dst(%dma_wait3A_429 : memref<128x64xf32, #tpu.memory_space<vmem>>)
    %dma_wait3A_435 = arith.constant 1 : i32
    %dma_wait3A_436 = arith.constant 384 : i32
    %dma_wait3A_437 = arith.constant 0 : i32
    %dma_wait3A_438 = tpu.memref_slice %arg6[%dma_wait3A_435, %dma_wait3A_436, %dma_wait3A_437] : memref<2x512x64xf32, #tpu.memory_space<vmem>> -> memref<1x128x64xf32, #tpu.memory_space<vmem>>
    %dma_wait3A_439 = tpu.memref_squeeze %dma_wait3A_438 : memref<1x128x64xf32, #tpu.memory_space<vmem>> -> memref<128x64xf32, #tpu.memory_space<vmem>>
    %dma_wait3A_440 = arith.constant 1920 : i32
    %dma_wait3A_441 = tpu.memref_slice %arg5[%dma_wait3A_440] : memref<4096xi32, #tpu.memory_space<vmem>> -> memref<128xi32, #tpu.memory_space<vmem>>
    %dma_wait3A_442 = arith.constant 0 : i32
    %dma_wait3A_443 = arith.constant 0 : i32
    %dma_wait3A_444 = tpu.memref_slice %arg2[%dma_wait3A_442, %dma_wait3A_443] : memref<16384x64xf32, #tpu.memory_space<hbm>> -> memref<16384x64xf32, #tpu.memory_space<hbm>>
    tpu.wait_indirect_dma semaphore(%arg8 : memref<!tpu.dma_semaphore, #tpu.memory_space<semaphore_mem>>) src(%dma_wait3A_444 : memref<16384x64xf32, #tpu.memory_space<hbm>>) dst(%dma_wait3A_439 : memref<128x64xf32, #tpu.memory_space<vmem>>)
    %add3A_445 = arith.constant 1536 : i32
    %add3A_446 = arith.addi %mul3A_2, %add3A_445 : i32
    %dma_start3A_447 = arith.constant 1 : i32
    %dma_start3A_448 = arith.constant 0 : i32
    %dma_start3A_449 = arith.constant 0 : i32
    %dma_start3A_450 = tpu.memref_slice %arg6[%dma_start3A_447, %dma_start3A_448, %dma_start3A_449] : memref<2x512x64xf32, #tpu.memory_space<vmem>> -> memref<1x512x64xf32, #tpu.memory_space<vmem>>
    %dma_start3A_451 = tpu.memref_squeeze %dma_start3A_450 : memref<1x512x64xf32, #tpu.memory_space<vmem>> -> memref<512x64xf32, #tpu.memory_space<vmem>>
    %dma_start3A_452 = arith.constant 0 : i32
    %dma_start3A_453 = tpu.memref_slice %arg4[%add3A_446, %dma_start3A_452] : memref<131072x64xf32, #tpu.memory_space<hbm>> -> memref<512x64xf32, #tpu.memory_space<hbm>>
    %dma_start3A_454 = arith.constant 0 : i32
    %dma_start3A_455 = tpu.memref_slice %arg4[%add3A_446, %dma_start3A_454] : memref<131072x64xf32, #tpu.memory_space<hbm>> -> memref<512x64xf32, #tpu.memory_space<hbm>>
    %dma_start3A_456 = arith.constant 0 : i32
    %dma_start3A_457 = arith.constant 0 : i32
    %dma_start3A_458 = tpu.memref_slice %arg6[%dma_start3A_447, %dma_start3A_456, %dma_start3A_457] : memref<2x512x64xf32, #tpu.memory_space<vmem>> -> memref<1x512x64xf32, #tpu.memory_space<vmem>>
    %dma_start3A_459 = tpu.memref_squeeze %dma_start3A_458 : memref<1x512x64xf32, #tpu.memory_space<vmem>> -> memref<512x64xf32, #tpu.memory_space<vmem>>
    tpu.enqueue_dma source(%dma_start3A_459 : memref<512x64xf32, #tpu.memory_space<vmem>>) target(%dma_start3A_455 : memref<512x64xf32, #tpu.memory_space<hbm>>) target_semaphore(%arg10 : memref<!tpu.dma_semaphore, #tpu.memory_space<semaphore_mem>>)
    %dma_wait3A_460 = arith.constant 1 : i32
    %dma_wait3A_461 = arith.constant 0 : i32
    %dma_wait3A_462 = arith.constant 0 : i32
    %dma_wait3A_463 = tpu.memref_slice %arg6[%dma_wait3A_460, %dma_wait3A_461, %dma_wait3A_462] : memref<2x512x64xf32, #tpu.memory_space<vmem>> -> memref<1x512x64xf32, #tpu.memory_space<vmem>>
    %dma_wait3A_464 = tpu.memref_squeeze %dma_wait3A_463 : memref<1x512x64xf32, #tpu.memory_space<vmem>> -> memref<512x64xf32, #tpu.memory_space<vmem>>
    %dma_wait3A_465 = arith.constant 0 : i32
    %dma_wait3A_466 = tpu.memref_slice %arg4[%add3A_446, %dma_wait3A_465] : memref<131072x64xf32, #tpu.memory_space<hbm>> -> memref<512x64xf32, #tpu.memory_space<hbm>>
    %dma_wait3A_467 = arith.constant 0 : i32
    %dma_wait3A_468 = tpu.memref_slice %arg4[%add3A_446, %dma_wait3A_467] : memref<131072x64xf32, #tpu.memory_space<hbm>> -> memref<512x64xf32, #tpu.memory_space<hbm>>
    %dma_wait3A_469 = arith.constant 0 : i32
    %dma_wait3A_470 = arith.constant 0 : i32
    %dma_wait3A_471 = tpu.memref_slice %arg6[%dma_wait3A_460, %dma_wait3A_469, %dma_wait3A_470] : memref<2x512x64xf32, #tpu.memory_space<vmem>> -> memref<1x512x64xf32, #tpu.memory_space<vmem>>
    %dma_wait3A_472 = tpu.memref_squeeze %dma_wait3A_471 : memref<1x512x64xf32, #tpu.memory_space<vmem>> -> memref<512x64xf32, #tpu.memory_space<vmem>>
    tpu.wait_dma2 semaphore(%arg10 : memref<!tpu.dma_semaphore, #tpu.memory_space<semaphore_mem>>) src(%dma_wait3A_472 : memref<512x64xf32, #tpu.memory_space<vmem>>) dst(%dma_wait3A_468 : memref<512x64xf32, #tpu.memory_space<hbm>>)
    %dma_start3A_473 = arith.constant 1 : i32
    %dma_start3A_474 = arith.constant 0 : i32
    %dma_start3A_475 = arith.constant 0 : i32
    %dma_start3A_476 = tpu.memref_slice %arg6[%dma_start3A_473, %dma_start3A_474, %dma_start3A_475] : memref<2x512x64xf32, #tpu.memory_space<vmem>> -> memref<1x128x64xf32, #tpu.memory_space<vmem>>
    %dma_start3A_477 = tpu.memref_squeeze %dma_start3A_476 : memref<1x128x64xf32, #tpu.memory_space<vmem>> -> memref<128x64xf32, #tpu.memory_space<vmem>>
    %dma_start3A_478 = arith.constant 2560 : i32
    %dma_start3A_479 = tpu.memref_slice %arg5[%dma_start3A_478] : memref<4096xi32, #tpu.memory_space<vmem>> -> memref<128xi32, #tpu.memory_space<vmem>>
    %dma_start3A_480 = arith.constant 0 : i32
    %dma_start3A_481 = arith.constant 0 : i32
    %dma_start3A_482 = tpu.memref_slice %arg2[%dma_start3A_480, %dma_start3A_481] : memref<16384x64xf32, #tpu.memory_space<hbm>> -> memref<16384x64xf32, #tpu.memory_space<hbm>>
    tpu.enqueue_indirect_dma source(%dma_start3A_482 : memref<16384x64xf32, #tpu.memory_space<hbm>>) target(%dma_start3A_477 : memref<128x64xf32, #tpu.memory_space<vmem>>) offsets(%dma_start3A_479 : memref<128xi32, #tpu.memory_space<vmem>>) semaphore(%arg8 : memref<!tpu.dma_semaphore, #tpu.memory_space<semaphore_mem>>)
    %dma_start3A_483 = arith.constant 1 : i32
    %dma_start3A_484 = arith.constant 128 : i32
    %dma_start3A_485 = arith.constant 0 : i32
    %dma_start3A_486 = tpu.memref_slice %arg6[%dma_start3A_483, %dma_start3A_484, %dma_start3A_485] : memref<2x512x64xf32, #tpu.memory_space<vmem>> -> memref<1x128x64xf32, #tpu.memory_space<vmem>>
    %dma_start3A_487 = tpu.memref_squeeze %dma_start3A_486 : memref<1x128x64xf32, #tpu.memory_space<vmem>> -> memref<128x64xf32, #tpu.memory_space<vmem>>
    %dma_start3A_488 = arith.constant 2688 : i32
    %dma_start3A_489 = tpu.memref_slice %arg5[%dma_start3A_488] : memref<4096xi32, #tpu.memory_space<vmem>> -> memref<128xi32, #tpu.memory_space<vmem>>
    %dma_start3A_490 = arith.constant 0 : i32
    %dma_start3A_491 = arith.constant 0 : i32
    %dma_start3A_492 = tpu.memref_slice %arg2[%dma_start3A_490, %dma_start3A_491] : memref<16384x64xf32, #tpu.memory_space<hbm>> -> memref<16384x64xf32, #tpu.memory_space<hbm>>
    tpu.enqueue_indirect_dma source(%dma_start3A_492 : memref<16384x64xf32, #tpu.memory_space<hbm>>) target(%dma_start3A_487 : memref<128x64xf32, #tpu.memory_space<vmem>>) offsets(%dma_start3A_489 : memref<128xi32, #tpu.memory_space<vmem>>) semaphore(%arg8 : memref<!tpu.dma_semaphore, #tpu.memory_space<semaphore_mem>>)
    %dma_start3A_493 = arith.constant 1 : i32
    %dma_start3A_494 = arith.constant 256 : i32
    %dma_start3A_495 = arith.constant 0 : i32
    %dma_start3A_496 = tpu.memref_slice %arg6[%dma_start3A_493, %dma_start3A_494, %dma_start3A_495] : memref<2x512x64xf32, #tpu.memory_space<vmem>> -> memref<1x128x64xf32, #tpu.memory_space<vmem>>
    %dma_start3A_497 = tpu.memref_squeeze %dma_start3A_496 : memref<1x128x64xf32, #tpu.memory_space<vmem>> -> memref<128x64xf32, #tpu.memory_space<vmem>>
    %dma_start3A_498 = arith.constant 2816 : i32
    %dma_start3A_499 = tpu.memref_slice %arg5[%dma_start3A_498] : memref<4096xi32, #tpu.memory_space<vmem>> -> memref<128xi32, #tpu.memory_space<vmem>>
    %dma_start3A_500 = arith.constant 0 : i32
    %dma_start3A_501 = arith.constant 0 : i32
    %dma_start3A_502 = tpu.memref_slice %arg2[%dma_start3A_500, %dma_start3A_501] : memref<16384x64xf32, #tpu.memory_space<hbm>> -> memref<16384x64xf32, #tpu.memory_space<hbm>>
    tpu.enqueue_indirect_dma source(%dma_start3A_502 : memref<16384x64xf32, #tpu.memory_space<hbm>>) target(%dma_start3A_497 : memref<128x64xf32, #tpu.memory_space<vmem>>) offsets(%dma_start3A_499 : memref<128xi32, #tpu.memory_space<vmem>>) semaphore(%arg8 : memref<!tpu.dma_semaphore, #tpu.memory_space<semaphore_mem>>)
    %dma_start3A_503 = arith.constant 1 : i32
    %dma_start3A_504 = arith.constant 384 : i32
    %dma_start3A_505 = arith.constant 0 : i32
    %dma_start3A_506 = tpu.memref_slice %arg6[%dma_start3A_503, %dma_start3A_504, %dma_start3A_505] : memref<2x512x64xf32, #tpu.memory_space<vmem>> -> memref<1x128x64xf32, #tpu.memory_space<vmem>>
    %dma_start3A_507 = tpu.memref_squeeze %dma_start3A_506 : memref<1x128x64xf32, #tpu.memory_space<vmem>> -> memref<128x64xf32, #tpu.memory_space<vmem>>
    %dma_start3A_508 = arith.constant 2944 : i32
    %dma_start3A_509 = tpu.memref_slice %arg5[%dma_start3A_508] : memref<4096xi32, #tpu.memory_space<vmem>> -> memref<128xi32, #tpu.memory_space<vmem>>
    %dma_start3A_510 = arith.constant 0 : i32
    %dma_start3A_511 = arith.constant 0 : i32
    %dma_start3A_512 = tpu.memref_slice %arg2[%dma_start3A_510, %dma_start3A_511] : memref<16384x64xf32, #tpu.memory_space<hbm>> -> memref<16384x64xf32, #tpu.memory_space<hbm>>
    tpu.enqueue_indirect_dma source(%dma_start3A_512 : memref<16384x64xf32, #tpu.memory_space<hbm>>) target(%dma_start3A_507 : memref<128x64xf32, #tpu.memory_space<vmem>>) offsets(%dma_start3A_509 : memref<128xi32, #tpu.memory_space<vmem>>) semaphore(%arg8 : memref<!tpu.dma_semaphore, #tpu.memory_space<semaphore_mem>>)
    %dma_wait3A_513 = arith.constant 0 : i32
    %dma_wait3A_514 = arith.constant 0 : i32
    %dma_wait3A_515 = arith.constant 0 : i32
    %dma_wait3A_516 = tpu.memref_slice %arg6[%dma_wait3A_513, %dma_wait3A_514, %dma_wait3A_515] : memref<2x512x64xf32, #tpu.memory_space<vmem>> -> memref<1x128x64xf32, #tpu.memory_space<vmem>>
    %dma_wait3A_517 = tpu.memref_squeeze %dma_wait3A_516 : memref<1x128x64xf32, #tpu.memory_space<vmem>> -> memref<128x64xf32, #tpu.memory_space<vmem>>
    %dma_wait3A_518 = arith.constant 2048 : i32
    %dma_wait3A_519 = tpu.memref_slice %arg5[%dma_wait3A_518] : memref<4096xi32, #tpu.memory_space<vmem>> -> memref<128xi32, #tpu.memory_space<vmem>>
    %dma_wait3A_520 = arith.constant 0 : i32
    %dma_wait3A_521 = arith.constant 0 : i32
    %dma_wait3A_522 = tpu.memref_slice %arg2[%dma_wait3A_520, %dma_wait3A_521] : memref<16384x64xf32, #tpu.memory_space<hbm>> -> memref<16384x64xf32, #tpu.memory_space<hbm>>
    tpu.wait_indirect_dma semaphore(%arg7 : memref<!tpu.dma_semaphore, #tpu.memory_space<semaphore_mem>>) src(%dma_wait3A_522 : memref<16384x64xf32, #tpu.memory_space<hbm>>) dst(%dma_wait3A_517 : memref<128x64xf32, #tpu.memory_space<vmem>>)
    %dma_wait3A_523 = arith.constant 0 : i32
    %dma_wait3A_524 = arith.constant 128 : i32
    %dma_wait3A_525 = arith.constant 0 : i32
    %dma_wait3A_526 = tpu.memref_slice %arg6[%dma_wait3A_523, %dma_wait3A_524, %dma_wait3A_525] : memref<2x512x64xf32, #tpu.memory_space<vmem>> -> memref<1x128x64xf32, #tpu.memory_space<vmem>>
    %dma_wait3A_527 = tpu.memref_squeeze %dma_wait3A_526 : memref<1x128x64xf32, #tpu.memory_space<vmem>> -> memref<128x64xf32, #tpu.memory_space<vmem>>
    %dma_wait3A_528 = arith.constant 2176 : i32
    %dma_wait3A_529 = tpu.memref_slice %arg5[%dma_wait3A_528] : memref<4096xi32, #tpu.memory_space<vmem>> -> memref<128xi32, #tpu.memory_space<vmem>>
    %dma_wait3A_530 = arith.constant 0 : i32
    %dma_wait3A_531 = arith.constant 0 : i32
    %dma_wait3A_532 = tpu.memref_slice %arg2[%dma_wait3A_530, %dma_wait3A_531] : memref<16384x64xf32, #tpu.memory_space<hbm>> -> memref<16384x64xf32, #tpu.memory_space<hbm>>
    tpu.wait_indirect_dma semaphore(%arg7 : memref<!tpu.dma_semaphore, #tpu.memory_space<semaphore_mem>>) src(%dma_wait3A_532 : memref<16384x64xf32, #tpu.memory_space<hbm>>) dst(%dma_wait3A_527 : memref<128x64xf32, #tpu.memory_space<vmem>>)
    %dma_wait3A_533 = arith.constant 0 : i32
    %dma_wait3A_534 = arith.constant 256 : i32
    %dma_wait3A_535 = arith.constant 0 : i32
    %dma_wait3A_536 = tpu.memref_slice %arg6[%dma_wait3A_533, %dma_wait3A_534, %dma_wait3A_535] : memref<2x512x64xf32, #tpu.memory_space<vmem>> -> memref<1x128x64xf32, #tpu.memory_space<vmem>>
    %dma_wait3A_537 = tpu.memref_squeeze %dma_wait3A_536 : memref<1x128x64xf32, #tpu.memory_space<vmem>> -> memref<128x64xf32, #tpu.memory_space<vmem>>
    %dma_wait3A_538 = arith.constant 2304 : i32
    %dma_wait3A_539 = tpu.memref_slice %arg5[%dma_wait3A_538] : memref<4096xi32, #tpu.memory_space<vmem>> -> memref<128xi32, #tpu.memory_space<vmem>>
    %dma_wait3A_540 = arith.constant 0 : i32
    %dma_wait3A_541 = arith.constant 0 : i32
    %dma_wait3A_542 = tpu.memref_slice %arg2[%dma_wait3A_540, %dma_wait3A_541] : memref<16384x64xf32, #tpu.memory_space<hbm>> -> memref<16384x64xf32, #tpu.memory_space<hbm>>
    tpu.wait_indirect_dma semaphore(%arg7 : memref<!tpu.dma_semaphore, #tpu.memory_space<semaphore_mem>>) src(%dma_wait3A_542 : memref<16384x64xf32, #tpu.memory_space<hbm>>) dst(%dma_wait3A_537 : memref<128x64xf32, #tpu.memory_space<vmem>>)
    %dma_wait3A_543 = arith.constant 0 : i32
    %dma_wait3A_544 = arith.constant 384 : i32
    %dma_wait3A_545 = arith.constant 0 : i32
    %dma_wait3A_546 = tpu.memref_slice %arg6[%dma_wait3A_543, %dma_wait3A_544, %dma_wait3A_545] : memref<2x512x64xf32, #tpu.memory_space<vmem>> -> memref<1x128x64xf32, #tpu.memory_space<vmem>>
    %dma_wait3A_547 = tpu.memref_squeeze %dma_wait3A_546 : memref<1x128x64xf32, #tpu.memory_space<vmem>> -> memref<128x64xf32, #tpu.memory_space<vmem>>
    %dma_wait3A_548 = arith.constant 2432 : i32
    %dma_wait3A_549 = tpu.memref_slice %arg5[%dma_wait3A_548] : memref<4096xi32, #tpu.memory_space<vmem>> -> memref<128xi32, #tpu.memory_space<vmem>>
    %dma_wait3A_550 = arith.constant 0 : i32
    %dma_wait3A_551 = arith.constant 0 : i32
    %dma_wait3A_552 = tpu.memref_slice %arg2[%dma_wait3A_550, %dma_wait3A_551] : memref<16384x64xf32, #tpu.memory_space<hbm>> -> memref<16384x64xf32, #tpu.memory_space<hbm>>
    tpu.wait_indirect_dma semaphore(%arg7 : memref<!tpu.dma_semaphore, #tpu.memory_space<semaphore_mem>>) src(%dma_wait3A_552 : memref<16384x64xf32, #tpu.memory_space<hbm>>) dst(%dma_wait3A_547 : memref<128x64xf32, #tpu.memory_space<vmem>>)
    %add3A_553 = arith.constant 2048 : i32
    %add3A_554 = arith.addi %mul3A_2, %add3A_553 : i32
    %dma_start3A_555 = arith.constant 0 : i32
    %dma_start3A_556 = arith.constant 0 : i32
    %dma_start3A_557 = arith.constant 0 : i32
    %dma_start3A_558 = tpu.memref_slice %arg6[%dma_start3A_555, %dma_start3A_556, %dma_start3A_557] : memref<2x512x64xf32, #tpu.memory_space<vmem>> -> memref<1x512x64xf32, #tpu.memory_space<vmem>>
    %dma_start3A_559 = tpu.memref_squeeze %dma_start3A_558 : memref<1x512x64xf32, #tpu.memory_space<vmem>> -> memref<512x64xf32, #tpu.memory_space<vmem>>
    %dma_start3A_560 = arith.constant 0 : i32
    %dma_start3A_561 = tpu.memref_slice %arg4[%add3A_554, %dma_start3A_560] : memref<131072x64xf32, #tpu.memory_space<hbm>> -> memref<512x64xf32, #tpu.memory_space<hbm>>
    %dma_start3A_562 = arith.constant 0 : i32
    %dma_start3A_563 = tpu.memref_slice %arg4[%add3A_554, %dma_start3A_562] : memref<131072x64xf32, #tpu.memory_space<hbm>> -> memref<512x64xf32, #tpu.memory_space<hbm>>
    %dma_start3A_564 = arith.constant 0 : i32
    %dma_start3A_565 = arith.constant 0 : i32
    %dma_start3A_566 = tpu.memref_slice %arg6[%dma_start3A_555, %dma_start3A_564, %dma_start3A_565] : memref<2x512x64xf32, #tpu.memory_space<vmem>> -> memref<1x512x64xf32, #tpu.memory_space<vmem>>
    %dma_start3A_567 = tpu.memref_squeeze %dma_start3A_566 : memref<1x512x64xf32, #tpu.memory_space<vmem>> -> memref<512x64xf32, #tpu.memory_space<vmem>>
    tpu.enqueue_dma source(%dma_start3A_567 : memref<512x64xf32, #tpu.memory_space<vmem>>) target(%dma_start3A_563 : memref<512x64xf32, #tpu.memory_space<hbm>>) target_semaphore(%arg9 : memref<!tpu.dma_semaphore, #tpu.memory_space<semaphore_mem>>)
    %dma_wait3A_568 = arith.constant 0 : i32
    %dma_wait3A_569 = arith.constant 0 : i32
    %dma_wait3A_570 = arith.constant 0 : i32
    %dma_wait3A_571 = tpu.memref_slice %arg6[%dma_wait3A_568, %dma_wait3A_569, %dma_wait3A_570] : memref<2x512x64xf32, #tpu.memory_space<vmem>> -> memref<1x512x64xf32, #tpu.memory_space<vmem>>
    %dma_wait3A_572 = tpu.memref_squeeze %dma_wait3A_571 : memref<1x512x64xf32, #tpu.memory_space<vmem>> -> memref<512x64xf32, #tpu.memory_space<vmem>>
    %dma_wait3A_573 = arith.constant 0 : i32
    %dma_wait3A_574 = tpu.memref_slice %arg4[%add3A_554, %dma_wait3A_573] : memref<131072x64xf32, #tpu.memory_space<hbm>> -> memref<512x64xf32, #tpu.memory_space<hbm>>
    %dma_wait3A_575 = arith.constant 0 : i32
    %dma_wait3A_576 = tpu.memref_slice %arg4[%add3A_554, %dma_wait3A_575] : memref<131072x64xf32, #tpu.memory_space<hbm>> -> memref<512x64xf32, #tpu.memory_space<hbm>>
    %dma_wait3A_577 = arith.constant 0 : i32
    %dma_wait3A_578 = arith.constant 0 : i32
    %dma_wait3A_579 = tpu.memref_slice %arg6[%dma_wait3A_568, %dma_wait3A_577, %dma_wait3A_578] : memref<2x512x64xf32, #tpu.memory_space<vmem>> -> memref<1x512x64xf32, #tpu.memory_space<vmem>>
    %dma_wait3A_580 = tpu.memref_squeeze %dma_wait3A_579 : memref<1x512x64xf32, #tpu.memory_space<vmem>> -> memref<512x64xf32, #tpu.memory_space<vmem>>
    tpu.wait_dma2 semaphore(%arg9 : memref<!tpu.dma_semaphore, #tpu.memory_space<semaphore_mem>>) src(%dma_wait3A_580 : memref<512x64xf32, #tpu.memory_space<vmem>>) dst(%dma_wait3A_576 : memref<512x64xf32, #tpu.memory_space<hbm>>)
    %dma_start3A_581 = arith.constant 0 : i32
    %dma_start3A_582 = arith.constant 0 : i32
    %dma_start3A_583 = arith.constant 0 : i32
    %dma_start3A_584 = tpu.memref_slice %arg6[%dma_start3A_581, %dma_start3A_582, %dma_start3A_583] : memref<2x512x64xf32, #tpu.memory_space<vmem>> -> memref<1x128x64xf32, #tpu.memory_space<vmem>>
    %dma_start3A_585 = tpu.memref_squeeze %dma_start3A_584 : memref<1x128x64xf32, #tpu.memory_space<vmem>> -> memref<128x64xf32, #tpu.memory_space<vmem>>
    %dma_start3A_586 = arith.constant 3072 : i32
    %dma_start3A_587 = tpu.memref_slice %arg5[%dma_start3A_586] : memref<4096xi32, #tpu.memory_space<vmem>> -> memref<128xi32, #tpu.memory_space<vmem>>
    %dma_start3A_588 = arith.constant 0 : i32
    %dma_start3A_589 = arith.constant 0 : i32
    %dma_start3A_590 = tpu.memref_slice %arg2[%dma_start3A_588, %dma_start3A_589] : memref<16384x64xf32, #tpu.memory_space<hbm>> -> memref<16384x64xf32, #tpu.memory_space<hbm>>
    tpu.enqueue_indirect_dma source(%dma_start3A_590 : memref<16384x64xf32, #tpu.memory_space<hbm>>) target(%dma_start3A_585 : memref<128x64xf32, #tpu.memory_space<vmem>>) offsets(%dma_start3A_587 : memref<128xi32, #tpu.memory_space<vmem>>) semaphore(%arg7 : memref<!tpu.dma_semaphore, #tpu.memory_space<semaphore_mem>>)
    %dma_start3A_591 = arith.constant 0 : i32
    %dma_start3A_592 = arith.constant 128 : i32
    %dma_start3A_593 = arith.constant 0 : i32
    %dma_start3A_594 = tpu.memref_slice %arg6[%dma_start3A_591, %dma_start3A_592, %dma_start3A_593] : memref<2x512x64xf32, #tpu.memory_space<vmem>> -> memref<1x128x64xf32, #tpu.memory_space<vmem>>
    %dma_start3A_595 = tpu.memref_squeeze %dma_start3A_594 : memref<1x128x64xf32, #tpu.memory_space<vmem>> -> memref<128x64xf32, #tpu.memory_space<vmem>>
    %dma_start3A_596 = arith.constant 3200 : i32
    %dma_start3A_597 = tpu.memref_slice %arg5[%dma_start3A_596] : memref<4096xi32, #tpu.memory_space<vmem>> -> memref<128xi32, #tpu.memory_space<vmem>>
    %dma_start3A_598 = arith.constant 0 : i32
    %dma_start3A_599 = arith.constant 0 : i32
    %dma_start3A_600 = tpu.memref_slice %arg2[%dma_start3A_598, %dma_start3A_599] : memref<16384x64xf32, #tpu.memory_space<hbm>> -> memref<16384x64xf32, #tpu.memory_space<hbm>>
    tpu.enqueue_indirect_dma source(%dma_start3A_600 : memref<16384x64xf32, #tpu.memory_space<hbm>>) target(%dma_start3A_595 : memref<128x64xf32, #tpu.memory_space<vmem>>) offsets(%dma_start3A_597 : memref<128xi32, #tpu.memory_space<vmem>>) semaphore(%arg7 : memref<!tpu.dma_semaphore, #tpu.memory_space<semaphore_mem>>)
    %dma_start3A_601 = arith.constant 0 : i32
    %dma_start3A_602 = arith.constant 256 : i32
    %dma_start3A_603 = arith.constant 0 : i32
    %dma_start3A_604 = tpu.memref_slice %arg6[%dma_start3A_601, %dma_start3A_602, %dma_start3A_603] : memref<2x512x64xf32, #tpu.memory_space<vmem>> -> memref<1x128x64xf32, #tpu.memory_space<vmem>>
    %dma_start3A_605 = tpu.memref_squeeze %dma_start3A_604 : memref<1x128x64xf32, #tpu.memory_space<vmem>> -> memref<128x64xf32, #tpu.memory_space<vmem>>
    %dma_start3A_606 = arith.constant 3328 : i32
    %dma_start3A_607 = tpu.memref_slice %arg5[%dma_start3A_606] : memref<4096xi32, #tpu.memory_space<vmem>> -> memref<128xi32, #tpu.memory_space<vmem>>
    %dma_start3A_608 = arith.constant 0 : i32
    %dma_start3A_609 = arith.constant 0 : i32
    %dma_start3A_610 = tpu.memref_slice %arg2[%dma_start3A_608, %dma_start3A_609] : memref<16384x64xf32, #tpu.memory_space<hbm>> -> memref<16384x64xf32, #tpu.memory_space<hbm>>
    tpu.enqueue_indirect_dma source(%dma_start3A_610 : memref<16384x64xf32, #tpu.memory_space<hbm>>) target(%dma_start3A_605 : memref<128x64xf32, #tpu.memory_space<vmem>>) offsets(%dma_start3A_607 : memref<128xi32, #tpu.memory_space<vmem>>) semaphore(%arg7 : memref<!tpu.dma_semaphore, #tpu.memory_space<semaphore_mem>>)
    %dma_start3A_611 = arith.constant 0 : i32
    %dma_start3A_612 = arith.constant 384 : i32
    %dma_start3A_613 = arith.constant 0 : i32
    %dma_start3A_614 = tpu.memref_slice %arg6[%dma_start3A_611, %dma_start3A_612, %dma_start3A_613] : memref<2x512x64xf32, #tpu.memory_space<vmem>> -> memref<1x128x64xf32, #tpu.memory_space<vmem>>
    %dma_start3A_615 = tpu.memref_squeeze %dma_start3A_614 : memref<1x128x64xf32, #tpu.memory_space<vmem>> -> memref<128x64xf32, #tpu.memory_space<vmem>>
    %dma_start3A_616 = arith.constant 3456 : i32
    %dma_start3A_617 = tpu.memref_slice %arg5[%dma_start3A_616] : memref<4096xi32, #tpu.memory_space<vmem>> -> memref<128xi32, #tpu.memory_space<vmem>>
    %dma_start3A_618 = arith.constant 0 : i32
    %dma_start3A_619 = arith.constant 0 : i32
    %dma_start3A_620 = tpu.memref_slice %arg2[%dma_start3A_618, %dma_start3A_619] : memref<16384x64xf32, #tpu.memory_space<hbm>> -> memref<16384x64xf32, #tpu.memory_space<hbm>>
    tpu.enqueue_indirect_dma source(%dma_start3A_620 : memref<16384x64xf32, #tpu.memory_space<hbm>>) target(%dma_start3A_615 : memref<128x64xf32, #tpu.memory_space<vmem>>) offsets(%dma_start3A_617 : memref<128xi32, #tpu.memory_space<vmem>>) semaphore(%arg7 : memref<!tpu.dma_semaphore, #tpu.memory_space<semaphore_mem>>)
    %dma_wait3A_621 = arith.constant 1 : i32
    %dma_wait3A_622 = arith.constant 0 : i32
    %dma_wait3A_623 = arith.constant 0 : i32
    %dma_wait3A_624 = tpu.memref_slice %arg6[%dma_wait3A_621, %dma_wait3A_622, %dma_wait3A_623] : memref<2x512x64xf32, #tpu.memory_space<vmem>> -> memref<1x128x64xf32, #tpu.memory_space<vmem>>
    %dma_wait3A_625 = tpu.memref_squeeze %dma_wait3A_624 : memref<1x128x64xf32, #tpu.memory_space<vmem>> -> memref<128x64xf32, #tpu.memory_space<vmem>>
    %dma_wait3A_626 = arith.constant 2560 : i32
    %dma_wait3A_627 = tpu.memref_slice %arg5[%dma_wait3A_626] : memref<4096xi32, #tpu.memory_space<vmem>> -> memref<128xi32, #tpu.memory_space<vmem>>
    %dma_wait3A_628 = arith.constant 0 : i32
    %dma_wait3A_629 = arith.constant 0 : i32
    %dma_wait3A_630 = tpu.memref_slice %arg2[%dma_wait3A_628, %dma_wait3A_629] : memref<16384x64xf32, #tpu.memory_space<hbm>> -> memref<16384x64xf32, #tpu.memory_space<hbm>>
    tpu.wait_indirect_dma semaphore(%arg8 : memref<!tpu.dma_semaphore, #tpu.memory_space<semaphore_mem>>) src(%dma_wait3A_630 : memref<16384x64xf32, #tpu.memory_space<hbm>>) dst(%dma_wait3A_625 : memref<128x64xf32, #tpu.memory_space<vmem>>)
    %dma_wait3A_631 = arith.constant 1 : i32
    %dma_wait3A_632 = arith.constant 128 : i32
    %dma_wait3A_633 = arith.constant 0 : i32
    %dma_wait3A_634 = tpu.memref_slice %arg6[%dma_wait3A_631, %dma_wait3A_632, %dma_wait3A_633] : memref<2x512x64xf32, #tpu.memory_space<vmem>> -> memref<1x128x64xf32, #tpu.memory_space<vmem>>
    %dma_wait3A_635 = tpu.memref_squeeze %dma_wait3A_634 : memref<1x128x64xf32, #tpu.memory_space<vmem>> -> memref<128x64xf32, #tpu.memory_space<vmem>>
    %dma_wait3A_636 = arith.constant 2688 : i32
    %dma_wait3A_637 = tpu.memref_slice %arg5[%dma_wait3A_636] : memref<4096xi32, #tpu.memory_space<vmem>> -> memref<128xi32, #tpu.memory_space<vmem>>
    %dma_wait3A_638 = arith.constant 0 : i32
    %dma_wait3A_639 = arith.constant 0 : i32
    %dma_wait3A_640 = tpu.memref_slice %arg2[%dma_wait3A_638, %dma_wait3A_639] : memref<16384x64xf32, #tpu.memory_space<hbm>> -> memref<16384x64xf32, #tpu.memory_space<hbm>>
    tpu.wait_indirect_dma semaphore(%arg8 : memref<!tpu.dma_semaphore, #tpu.memory_space<semaphore_mem>>) src(%dma_wait3A_640 : memref<16384x64xf32, #tpu.memory_space<hbm>>) dst(%dma_wait3A_635 : memref<128x64xf32, #tpu.memory_space<vmem>>)
    %dma_wait3A_641 = arith.constant 1 : i32
    %dma_wait3A_642 = arith.constant 256 : i32
    %dma_wait3A_643 = arith.constant 0 : i32
    %dma_wait3A_644 = tpu.memref_slice %arg6[%dma_wait3A_641, %dma_wait3A_642, %dma_wait3A_643] : memref<2x512x64xf32, #tpu.memory_space<vmem>> -> memref<1x128x64xf32, #tpu.memory_space<vmem>>
    %dma_wait3A_645 = tpu.memref_squeeze %dma_wait3A_644 : memref<1x128x64xf32, #tpu.memory_space<vmem>> -> memref<128x64xf32, #tpu.memory_space<vmem>>
    %dma_wait3A_646 = arith.constant 2816 : i32
    %dma_wait3A_647 = tpu.memref_slice %arg5[%dma_wait3A_646] : memref<4096xi32, #tpu.memory_space<vmem>> -> memref<128xi32, #tpu.memory_space<vmem>>
    %dma_wait3A_648 = arith.constant 0 : i32
    %dma_wait3A_649 = arith.constant 0 : i32
    %dma_wait3A_650 = tpu.memref_slice %arg2[%dma_wait3A_648, %dma_wait3A_649] : memref<16384x64xf32, #tpu.memory_space<hbm>> -> memref<16384x64xf32, #tpu.memory_space<hbm>>
    tpu.wait_indirect_dma semaphore(%arg8 : memref<!tpu.dma_semaphore, #tpu.memory_space<semaphore_mem>>) src(%dma_wait3A_650 : memref<16384x64xf32, #tpu.memory_space<hbm>>) dst(%dma_wait3A_645 : memref<128x64xf32, #tpu.memory_space<vmem>>)
    %dma_wait3A_651 = arith.constant 1 : i32
    %dma_wait3A_652 = arith.constant 384 : i32
    %dma_wait3A_653 = arith.constant 0 : i32
    %dma_wait3A_654 = tpu.memref_slice %arg6[%dma_wait3A_651, %dma_wait3A_652, %dma_wait3A_653] : memref<2x512x64xf32, #tpu.memory_space<vmem>> -> memref<1x128x64xf32, #tpu.memory_space<vmem>>
    %dma_wait3A_655 = tpu.memref_squeeze %dma_wait3A_654 : memref<1x128x64xf32, #tpu.memory_space<vmem>> -> memref<128x64xf32, #tpu.memory_space<vmem>>
    %dma_wait3A_656 = arith.constant 2944 : i32
    %dma_wait3A_657 = tpu.memref_slice %arg5[%dma_wait3A_656] : memref<4096xi32, #tpu.memory_space<vmem>> -> memref<128xi32, #tpu.memory_space<vmem>>
    %dma_wait3A_658 = arith.constant 0 : i32
    %dma_wait3A_659 = arith.constant 0 : i32
    %dma_wait3A_660 = tpu.memref_slice %arg2[%dma_wait3A_658, %dma_wait3A_659] : memref<16384x64xf32, #tpu.memory_space<hbm>> -> memref<16384x64xf32, #tpu.memory_space<hbm>>
    tpu.wait_indirect_dma semaphore(%arg8 : memref<!tpu.dma_semaphore, #tpu.memory_space<semaphore_mem>>) src(%dma_wait3A_660 : memref<16384x64xf32, #tpu.memory_space<hbm>>) dst(%dma_wait3A_655 : memref<128x64xf32, #tpu.memory_space<vmem>>)
    %add3A_661 = arith.constant 2560 : i32
    %add3A_662 = arith.addi %mul3A_2, %add3A_661 : i32
    %dma_start3A_663 = arith.constant 1 : i32
    %dma_start3A_664 = arith.constant 0 : i32
    %dma_start3A_665 = arith.constant 0 : i32
    %dma_start3A_666 = tpu.memref_slice %arg6[%dma_start3A_663, %dma_start3A_664, %dma_start3A_665] : memref<2x512x64xf32, #tpu.memory_space<vmem>> -> memref<1x512x64xf32, #tpu.memory_space<vmem>>
    %dma_start3A_667 = tpu.memref_squeeze %dma_start3A_666 : memref<1x512x64xf32, #tpu.memory_space<vmem>> -> memref<512x64xf32, #tpu.memory_space<vmem>>
    %dma_start3A_668 = arith.constant 0 : i32
    %dma_start3A_669 = tpu.memref_slice %arg4[%add3A_662, %dma_start3A_668] : memref<131072x64xf32, #tpu.memory_space<hbm>> -> memref<512x64xf32, #tpu.memory_space<hbm>>
    %dma_start3A_670 = arith.constant 0 : i32
    %dma_start3A_671 = tpu.memref_slice %arg4[%add3A_662, %dma_start3A_670] : memref<131072x64xf32, #tpu.memory_space<hbm>> -> memref<512x64xf32, #tpu.memory_space<hbm>>
    %dma_start3A_672 = arith.constant 0 : i32
    %dma_start3A_673 = arith.constant 0 : i32
    %dma_start3A_674 = tpu.memref_slice %arg6[%dma_start3A_663, %dma_start3A_672, %dma_start3A_673] : memref<2x512x64xf32, #tpu.memory_space<vmem>> -> memref<1x512x64xf32, #tpu.memory_space<vmem>>
    %dma_start3A_675 = tpu.memref_squeeze %dma_start3A_674 : memref<1x512x64xf32, #tpu.memory_space<vmem>> -> memref<512x64xf32, #tpu.memory_space<vmem>>
    tpu.enqueue_dma source(%dma_start3A_675 : memref<512x64xf32, #tpu.memory_space<vmem>>) target(%dma_start3A_671 : memref<512x64xf32, #tpu.memory_space<hbm>>) target_semaphore(%arg10 : memref<!tpu.dma_semaphore, #tpu.memory_space<semaphore_mem>>)
    %dma_wait3A_676 = arith.constant 1 : i32
    %dma_wait3A_677 = arith.constant 0 : i32
    %dma_wait3A_678 = arith.constant 0 : i32
    %dma_wait3A_679 = tpu.memref_slice %arg6[%dma_wait3A_676, %dma_wait3A_677, %dma_wait3A_678] : memref<2x512x64xf32, #tpu.memory_space<vmem>> -> memref<1x512x64xf32, #tpu.memory_space<vmem>>
    %dma_wait3A_680 = tpu.memref_squeeze %dma_wait3A_679 : memref<1x512x64xf32, #tpu.memory_space<vmem>> -> memref<512x64xf32, #tpu.memory_space<vmem>>
    %dma_wait3A_681 = arith.constant 0 : i32
    %dma_wait3A_682 = tpu.memref_slice %arg4[%add3A_662, %dma_wait3A_681] : memref<131072x64xf32, #tpu.memory_space<hbm>> -> memref<512x64xf32, #tpu.memory_space<hbm>>
    %dma_wait3A_683 = arith.constant 0 : i32
    %dma_wait3A_684 = tpu.memref_slice %arg4[%add3A_662, %dma_wait3A_683] : memref<131072x64xf32, #tpu.memory_space<hbm>> -> memref<512x64xf32, #tpu.memory_space<hbm>>
    %dma_wait3A_685 = arith.constant 0 : i32
    %dma_wait3A_686 = arith.constant 0 : i32
    %dma_wait3A_687 = tpu.memref_slice %arg6[%dma_wait3A_676, %dma_wait3A_685, %dma_wait3A_686] : memref<2x512x64xf32, #tpu.memory_space<vmem>> -> memref<1x512x64xf32, #tpu.memory_space<vmem>>
    %dma_wait3A_688 = tpu.memref_squeeze %dma_wait3A_687 : memref<1x512x64xf32, #tpu.memory_space<vmem>> -> memref<512x64xf32, #tpu.memory_space<vmem>>
    tpu.wait_dma2 semaphore(%arg10 : memref<!tpu.dma_semaphore, #tpu.memory_space<semaphore_mem>>) src(%dma_wait3A_688 : memref<512x64xf32, #tpu.memory_space<vmem>>) dst(%dma_wait3A_684 : memref<512x64xf32, #tpu.memory_space<hbm>>)
    %dma_start3A_689 = arith.constant 1 : i32
    %dma_start3A_690 = arith.constant 0 : i32
    %dma_start3A_691 = arith.constant 0 : i32
    %dma_start3A_692 = tpu.memref_slice %arg6[%dma_start3A_689, %dma_start3A_690, %dma_start3A_691] : memref<2x512x64xf32, #tpu.memory_space<vmem>> -> memref<1x128x64xf32, #tpu.memory_space<vmem>>
    %dma_start3A_693 = tpu.memref_squeeze %dma_start3A_692 : memref<1x128x64xf32, #tpu.memory_space<vmem>> -> memref<128x64xf32, #tpu.memory_space<vmem>>
    %dma_start3A_694 = arith.constant 3584 : i32
    %dma_start3A_695 = tpu.memref_slice %arg5[%dma_start3A_694] : memref<4096xi32, #tpu.memory_space<vmem>> -> memref<128xi32, #tpu.memory_space<vmem>>
    %dma_start3A_696 = arith.constant 0 : i32
    %dma_start3A_697 = arith.constant 0 : i32
    %dma_start3A_698 = tpu.memref_slice %arg2[%dma_start3A_696, %dma_start3A_697] : memref<16384x64xf32, #tpu.memory_space<hbm>> -> memref<16384x64xf32, #tpu.memory_space<hbm>>
    tpu.enqueue_indirect_dma source(%dma_start3A_698 : memref<16384x64xf32, #tpu.memory_space<hbm>>) target(%dma_start3A_693 : memref<128x64xf32, #tpu.memory_space<vmem>>) offsets(%dma_start3A_695 : memref<128xi32, #tpu.memory_space<vmem>>) semaphore(%arg8 : memref<!tpu.dma_semaphore, #tpu.memory_space<semaphore_mem>>)
    %dma_start3A_699 = arith.constant 1 : i32
    %dma_start3A_700 = arith.constant 128 : i32
    %dma_start3A_701 = arith.constant 0 : i32
    %dma_start3A_702 = tpu.memref_slice %arg6[%dma_start3A_699, %dma_start3A_700, %dma_start3A_701] : memref<2x512x64xf32, #tpu.memory_space<vmem>> -> memref<1x128x64xf32, #tpu.memory_space<vmem>>
    %dma_start3A_703 = tpu.memref_squeeze %dma_start3A_702 : memref<1x128x64xf32, #tpu.memory_space<vmem>> -> memref<128x64xf32, #tpu.memory_space<vmem>>
    %dma_start3A_704 = arith.constant 3712 : i32
    %dma_start3A_705 = tpu.memref_slice %arg5[%dma_start3A_704] : memref<4096xi32, #tpu.memory_space<vmem>> -> memref<128xi32, #tpu.memory_space<vmem>>
    %dma_start3A_706 = arith.constant 0 : i32
    %dma_start3A_707 = arith.constant 0 : i32
    %dma_start3A_708 = tpu.memref_slice %arg2[%dma_start3A_706, %dma_start3A_707] : memref<16384x64xf32, #tpu.memory_space<hbm>> -> memref<16384x64xf32, #tpu.memory_space<hbm>>
    tpu.enqueue_indirect_dma source(%dma_start3A_708 : memref<16384x64xf32, #tpu.memory_space<hbm>>) target(%dma_start3A_703 : memref<128x64xf32, #tpu.memory_space<vmem>>) offsets(%dma_start3A_705 : memref<128xi32, #tpu.memory_space<vmem>>) semaphore(%arg8 : memref<!tpu.dma_semaphore, #tpu.memory_space<semaphore_mem>>)
    %dma_start3A_709 = arith.constant 1 : i32
    %dma_start3A_710 = arith.constant 256 : i32
    %dma_start3A_711 = arith.constant 0 : i32
    %dma_start3A_712 = tpu.memref_slice %arg6[%dma_start3A_709, %dma_start3A_710, %dma_start3A_711] : memref<2x512x64xf32, #tpu.memory_space<vmem>> -> memref<1x128x64xf32, #tpu.memory_space<vmem>>
    %dma_start3A_713 = tpu.memref_squeeze %dma_start3A_712 : memref<1x128x64xf32, #tpu.memory_space<vmem>> -> memref<128x64xf32, #tpu.memory_space<vmem>>
    %dma_start3A_714 = arith.constant 3840 : i32
    %dma_start3A_715 = tpu.memref_slice %arg5[%dma_start3A_714] : memref<4096xi32, #tpu.memory_space<vmem>> -> memref<128xi32, #tpu.memory_space<vmem>>
    %dma_start3A_716 = arith.constant 0 : i32
    %dma_start3A_717 = arith.constant 0 : i32
    %dma_start3A_718 = tpu.memref_slice %arg2[%dma_start3A_716, %dma_start3A_717] : memref<16384x64xf32, #tpu.memory_space<hbm>> -> memref<16384x64xf32, #tpu.memory_space<hbm>>
    tpu.enqueue_indirect_dma source(%dma_start3A_718 : memref<16384x64xf32, #tpu.memory_space<hbm>>) target(%dma_start3A_713 : memref<128x64xf32, #tpu.memory_space<vmem>>) offsets(%dma_start3A_715 : memref<128xi32, #tpu.memory_space<vmem>>) semaphore(%arg8 : memref<!tpu.dma_semaphore, #tpu.memory_space<semaphore_mem>>)
    %dma_start3A_719 = arith.constant 1 : i32
    %dma_start3A_720 = arith.constant 384 : i32
    %dma_start3A_721 = arith.constant 0 : i32
    %dma_start3A_722 = tpu.memref_slice %arg6[%dma_start3A_719, %dma_start3A_720, %dma_start3A_721] : memref<2x512x64xf32, #tpu.memory_space<vmem>> -> memref<1x128x64xf32, #tpu.memory_space<vmem>>
    %dma_start3A_723 = tpu.memref_squeeze %dma_start3A_722 : memref<1x128x64xf32, #tpu.memory_space<vmem>> -> memref<128x64xf32, #tpu.memory_space<vmem>>
    %dma_start3A_724 = arith.constant 3968 : i32
    %dma_start3A_725 = tpu.memref_slice %arg5[%dma_start3A_724] : memref<4096xi32, #tpu.memory_space<vmem>> -> memref<128xi32, #tpu.memory_space<vmem>>
    %dma_start3A_726 = arith.constant 0 : i32
    %dma_start3A_727 = arith.constant 0 : i32
    %dma_start3A_728 = tpu.memref_slice %arg2[%dma_start3A_726, %dma_start3A_727] : memref<16384x64xf32, #tpu.memory_space<hbm>> -> memref<16384x64xf32, #tpu.memory_space<hbm>>
    tpu.enqueue_indirect_dma source(%dma_start3A_728 : memref<16384x64xf32, #tpu.memory_space<hbm>>) target(%dma_start3A_723 : memref<128x64xf32, #tpu.memory_space<vmem>>) offsets(%dma_start3A_725 : memref<128xi32, #tpu.memory_space<vmem>>) semaphore(%arg8 : memref<!tpu.dma_semaphore, #tpu.memory_space<semaphore_mem>>)
    %dma_wait3A_729 = arith.constant 0 : i32
    %dma_wait3A_730 = arith.constant 0 : i32
    %dma_wait3A_731 = arith.constant 0 : i32
    %dma_wait3A_732 = tpu.memref_slice %arg6[%dma_wait3A_729, %dma_wait3A_730, %dma_wait3A_731] : memref<2x512x64xf32, #tpu.memory_space<vmem>> -> memref<1x128x64xf32, #tpu.memory_space<vmem>>
    %dma_wait3A_733 = tpu.memref_squeeze %dma_wait3A_732 : memref<1x128x64xf32, #tpu.memory_space<vmem>> -> memref<128x64xf32, #tpu.memory_space<vmem>>
    %dma_wait3A_734 = arith.constant 3072 : i32
    %dma_wait3A_735 = tpu.memref_slice %arg5[%dma_wait3A_734] : memref<4096xi32, #tpu.memory_space<vmem>> -> memref<128xi32, #tpu.memory_space<vmem>>
    %dma_wait3A_736 = arith.constant 0 : i32
    %dma_wait3A_737 = arith.constant 0 : i32
    %dma_wait3A_738 = tpu.memref_slice %arg2[%dma_wait3A_736, %dma_wait3A_737] : memref<16384x64xf32, #tpu.memory_space<hbm>> -> memref<16384x64xf32, #tpu.memory_space<hbm>>
    tpu.wait_indirect_dma semaphore(%arg7 : memref<!tpu.dma_semaphore, #tpu.memory_space<semaphore_mem>>) src(%dma_wait3A_738 : memref<16384x64xf32, #tpu.memory_space<hbm>>) dst(%dma_wait3A_733 : memref<128x64xf32, #tpu.memory_space<vmem>>)
    %dma_wait3A_739 = arith.constant 0 : i32
    %dma_wait3A_740 = arith.constant 128 : i32
    %dma_wait3A_741 = arith.constant 0 : i32
    %dma_wait3A_742 = tpu.memref_slice %arg6[%dma_wait3A_739, %dma_wait3A_740, %dma_wait3A_741] : memref<2x512x64xf32, #tpu.memory_space<vmem>> -> memref<1x128x64xf32, #tpu.memory_space<vmem>>
    %dma_wait3A_743 = tpu.memref_squeeze %dma_wait3A_742 : memref<1x128x64xf32, #tpu.memory_space<vmem>> -> memref<128x64xf32, #tpu.memory_space<vmem>>
    %dma_wait3A_744 = arith.constant 3200 : i32
    %dma_wait3A_745 = tpu.memref_slice %arg5[%dma_wait3A_744] : memref<4096xi32, #tpu.memory_space<vmem>> -> memref<128xi32, #tpu.memory_space<vmem>>
    %dma_wait3A_746 = arith.constant 0 : i32
    %dma_wait3A_747 = arith.constant 0 : i32
    %dma_wait3A_748 = tpu.memref_slice %arg2[%dma_wait3A_746, %dma_wait3A_747] : memref<16384x64xf32, #tpu.memory_space<hbm>> -> memref<16384x64xf32, #tpu.memory_space<hbm>>
    tpu.wait_indirect_dma semaphore(%arg7 : memref<!tpu.dma_semaphore, #tpu.memory_space<semaphore_mem>>) src(%dma_wait3A_748 : memref<16384x64xf32, #tpu.memory_space<hbm>>) dst(%dma_wait3A_743 : memref<128x64xf32, #tpu.memory_space<vmem>>)
    %dma_wait3A_749 = arith.constant 0 : i32
    %dma_wait3A_750 = arith.constant 256 : i32
    %dma_wait3A_751 = arith.constant 0 : i32
    %dma_wait3A_752 = tpu.memref_slice %arg6[%dma_wait3A_749, %dma_wait3A_750, %dma_wait3A_751] : memref<2x512x64xf32, #tpu.memory_space<vmem>> -> memref<1x128x64xf32, #tpu.memory_space<vmem>>
    %dma_wait3A_753 = tpu.memref_squeeze %dma_wait3A_752 : memref<1x128x64xf32, #tpu.memory_space<vmem>> -> memref<128x64xf32, #tpu.memory_space<vmem>>
    %dma_wait3A_754 = arith.constant 3328 : i32
    %dma_wait3A_755 = tpu.memref_slice %arg5[%dma_wait3A_754] : memref<4096xi32, #tpu.memory_space<vmem>> -> memref<128xi32, #tpu.memory_space<vmem>>
    %dma_wait3A_756 = arith.constant 0 : i32
    %dma_wait3A_757 = arith.constant 0 : i32
    %dma_wait3A_758 = tpu.memref_slice %arg2[%dma_wait3A_756, %dma_wait3A_757] : memref<16384x64xf32, #tpu.memory_space<hbm>> -> memref<16384x64xf32, #tpu.memory_space<hbm>>
    tpu.wait_indirect_dma semaphore(%arg7 : memref<!tpu.dma_semaphore, #tpu.memory_space<semaphore_mem>>) src(%dma_wait3A_758 : memref<16384x64xf32, #tpu.memory_space<hbm>>) dst(%dma_wait3A_753 : memref<128x64xf32, #tpu.memory_space<vmem>>)
    %dma_wait3A_759 = arith.constant 0 : i32
    %dma_wait3A_760 = arith.constant 384 : i32
    %dma_wait3A_761 = arith.constant 0 : i32
    %dma_wait3A_762 = tpu.memref_slice %arg6[%dma_wait3A_759, %dma_wait3A_760, %dma_wait3A_761] : memref<2x512x64xf32, #tpu.memory_space<vmem>> -> memref<1x128x64xf32, #tpu.memory_space<vmem>>
    %dma_wait3A_763 = tpu.memref_squeeze %dma_wait3A_762 : memref<1x128x64xf32, #tpu.memory_space<vmem>> -> memref<128x64xf32, #tpu.memory_space<vmem>>
    %dma_wait3A_764 = arith.constant 3456 : i32
    %dma_wait3A_765 = tpu.memref_slice %arg5[%dma_wait3A_764] : memref<4096xi32, #tpu.memory_space<vmem>> -> memref<128xi32, #tpu.memory_space<vmem>>
    %dma_wait3A_766 = arith.constant 0 : i32
    %dma_wait3A_767 = arith.constant 0 : i32
    %dma_wait3A_768 = tpu.memref_slice %arg2[%dma_wait3A_766, %dma_wait3A_767] : memref<16384x64xf32, #tpu.memory_space<hbm>> -> memref<16384x64xf32, #tpu.memory_space<hbm>>
    tpu.wait_indirect_dma semaphore(%arg7 : memref<!tpu.dma_semaphore, #tpu.memory_space<semaphore_mem>>) src(%dma_wait3A_768 : memref<16384x64xf32, #tpu.memory_space<hbm>>) dst(%dma_wait3A_763 : memref<128x64xf32, #tpu.memory_space<vmem>>)
    %add3A_769 = arith.constant 3072 : i32
    %add3A_770 = arith.addi %mul3A_2, %add3A_769 : i32
    %dma_start3A_771 = arith.constant 0 : i32
    %dma_start3A_772 = arith.constant 0 : i32
    %dma_start3A_773 = arith.constant 0 : i32
    %dma_start3A_774 = tpu.memref_slice %arg6[%dma_start3A_771, %dma_start3A_772, %dma_start3A_773] : memref<2x512x64xf32, #tpu.memory_space<vmem>> -> memref<1x512x64xf32, #tpu.memory_space<vmem>>
    %dma_start3A_775 = tpu.memref_squeeze %dma_start3A_774 : memref<1x512x64xf32, #tpu.memory_space<vmem>> -> memref<512x64xf32, #tpu.memory_space<vmem>>
    %dma_start3A_776 = arith.constant 0 : i32
    %dma_start3A_777 = tpu.memref_slice %arg4[%add3A_770, %dma_start3A_776] : memref<131072x64xf32, #tpu.memory_space<hbm>> -> memref<512x64xf32, #tpu.memory_space<hbm>>
    %dma_start3A_778 = arith.constant 0 : i32
    %dma_start3A_779 = tpu.memref_slice %arg4[%add3A_770, %dma_start3A_778] : memref<131072x64xf32, #tpu.memory_space<hbm>> -> memref<512x64xf32, #tpu.memory_space<hbm>>
    %dma_start3A_780 = arith.constant 0 : i32
    %dma_start3A_781 = arith.constant 0 : i32
    %dma_start3A_782 = tpu.memref_slice %arg6[%dma_start3A_771, %dma_start3A_780, %dma_start3A_781] : memref<2x512x64xf32, #tpu.memory_space<vmem>> -> memref<1x512x64xf32, #tpu.memory_space<vmem>>
    %dma_start3A_783 = tpu.memref_squeeze %dma_start3A_782 : memref<1x512x64xf32, #tpu.memory_space<vmem>> -> memref<512x64xf32, #tpu.memory_space<vmem>>
    tpu.enqueue_dma source(%dma_start3A_783 : memref<512x64xf32, #tpu.memory_space<vmem>>) target(%dma_start3A_779 : memref<512x64xf32, #tpu.memory_space<hbm>>) target_semaphore(%arg9 : memref<!tpu.dma_semaphore, #tpu.memory_space<semaphore_mem>>)
    %dma_wait3A_784 = arith.constant 1 : i32
    %dma_wait3A_785 = arith.constant 0 : i32
    %dma_wait3A_786 = arith.constant 0 : i32
    %dma_wait3A_787 = tpu.memref_slice %arg6[%dma_wait3A_784, %dma_wait3A_785, %dma_wait3A_786] : memref<2x512x64xf32, #tpu.memory_space<vmem>> -> memref<1x128x64xf32, #tpu.memory_space<vmem>>
    %dma_wait3A_788 = tpu.memref_squeeze %dma_wait3A_787 : memref<1x128x64xf32, #tpu.memory_space<vmem>> -> memref<128x64xf32, #tpu.memory_space<vmem>>
    %dma_wait3A_789 = arith.constant 3584 : i32
    %dma_wait3A_790 = tpu.memref_slice %arg5[%dma_wait3A_789] : memref<4096xi32, #tpu.memory_space<vmem>> -> memref<128xi32, #tpu.memory_space<vmem>>
    %dma_wait3A_791 = arith.constant 0 : i32
    %dma_wait3A_792 = arith.constant 0 : i32
    %dma_wait3A_793 = tpu.memref_slice %arg2[%dma_wait3A_791, %dma_wait3A_792] : memref<16384x64xf32, #tpu.memory_space<hbm>> -> memref<16384x64xf32, #tpu.memory_space<hbm>>
    tpu.wait_indirect_dma semaphore(%arg8 : memref<!tpu.dma_semaphore, #tpu.memory_space<semaphore_mem>>) src(%dma_wait3A_793 : memref<16384x64xf32, #tpu.memory_space<hbm>>) dst(%dma_wait3A_788 : memref<128x64xf32, #tpu.memory_space<vmem>>)
    %dma_wait3A_794 = arith.constant 1 : i32
    %dma_wait3A_795 = arith.constant 128 : i32
    %dma_wait3A_796 = arith.constant 0 : i32
    %dma_wait3A_797 = tpu.memref_slice %arg6[%dma_wait3A_794, %dma_wait3A_795, %dma_wait3A_796] : memref<2x512x64xf32, #tpu.memory_space<vmem>> -> memref<1x128x64xf32, #tpu.memory_space<vmem>>
    %dma_wait3A_798 = tpu.memref_squeeze %dma_wait3A_797 : memref<1x128x64xf32, #tpu.memory_space<vmem>> -> memref<128x64xf32, #tpu.memory_space<vmem>>
    %dma_wait3A_799 = arith.constant 3712 : i32
    %dma_wait3A_800 = tpu.memref_slice %arg5[%dma_wait3A_799] : memref<4096xi32, #tpu.memory_space<vmem>> -> memref<128xi32, #tpu.memory_space<vmem>>
    %dma_wait3A_801 = arith.constant 0 : i32
    %dma_wait3A_802 = arith.constant 0 : i32
    %dma_wait3A_803 = tpu.memref_slice %arg2[%dma_wait3A_801, %dma_wait3A_802] : memref<16384x64xf32, #tpu.memory_space<hbm>> -> memref<16384x64xf32, #tpu.memory_space<hbm>>
    tpu.wait_indirect_dma semaphore(%arg8 : memref<!tpu.dma_semaphore, #tpu.memory_space<semaphore_mem>>) src(%dma_wait3A_803 : memref<16384x64xf32, #tpu.memory_space<hbm>>) dst(%dma_wait3A_798 : memref<128x64xf32, #tpu.memory_space<vmem>>)
    %dma_wait3A_804 = arith.constant 1 : i32
    %dma_wait3A_805 = arith.constant 256 : i32
    %dma_wait3A_806 = arith.constant 0 : i32
    %dma_wait3A_807 = tpu.memref_slice %arg6[%dma_wait3A_804, %dma_wait3A_805, %dma_wait3A_806] : memref<2x512x64xf32, #tpu.memory_space<vmem>> -> memref<1x128x64xf32, #tpu.memory_space<vmem>>
    %dma_wait3A_808 = tpu.memref_squeeze %dma_wait3A_807 : memref<1x128x64xf32, #tpu.memory_space<vmem>> -> memref<128x64xf32, #tpu.memory_space<vmem>>
    %dma_wait3A_809 = arith.constant 3840 : i32
    %dma_wait3A_810 = tpu.memref_slice %arg5[%dma_wait3A_809] : memref<4096xi32, #tpu.memory_space<vmem>> -> memref<128xi32, #tpu.memory_space<vmem>>
    %dma_wait3A_811 = arith.constant 0 : i32
    %dma_wait3A_812 = arith.constant 0 : i32
    %dma_wait3A_813 = tpu.memref_slice %arg2[%dma_wait3A_811, %dma_wait3A_812] : memref<16384x64xf32, #tpu.memory_space<hbm>> -> memref<16384x64xf32, #tpu.memory_space<hbm>>
    tpu.wait_indirect_dma semaphore(%arg8 : memref<!tpu.dma_semaphore, #tpu.memory_space<semaphore_mem>>) src(%dma_wait3A_813 : memref<16384x64xf32, #tpu.memory_space<hbm>>) dst(%dma_wait3A_808 : memref<128x64xf32, #tpu.memory_space<vmem>>)
    %dma_wait3A_814 = arith.constant 1 : i32
    %dma_wait3A_815 = arith.constant 384 : i32
    %dma_wait3A_816 = arith.constant 0 : i32
    %dma_wait3A_817 = tpu.memref_slice %arg6[%dma_wait3A_814, %dma_wait3A_815, %dma_wait3A_816] : memref<2x512x64xf32, #tpu.memory_space<vmem>> -> memref<1x128x64xf32, #tpu.memory_space<vmem>>
    %dma_wait3A_818 = tpu.memref_squeeze %dma_wait3A_817 : memref<1x128x64xf32, #tpu.memory_space<vmem>> -> memref<128x64xf32, #tpu.memory_space<vmem>>
    %dma_wait3A_819 = arith.constant 3968 : i32
    %dma_wait3A_820 = tpu.memref_slice %arg5[%dma_wait3A_819] : memref<4096xi32, #tpu.memory_space<vmem>> -> memref<128xi32, #tpu.memory_space<vmem>>
    %dma_wait3A_821 = arith.constant 0 : i32
    %dma_wait3A_822 = arith.constant 0 : i32
    %dma_wait3A_823 = tpu.memref_slice %arg2[%dma_wait3A_821, %dma_wait3A_822] : memref<16384x64xf32, #tpu.memory_space<hbm>> -> memref<16384x64xf32, #tpu.memory_space<hbm>>
    tpu.wait_indirect_dma semaphore(%arg8 : memref<!tpu.dma_semaphore, #tpu.memory_space<semaphore_mem>>) src(%dma_wait3A_823 : memref<16384x64xf32, #tpu.memory_space<hbm>>) dst(%dma_wait3A_818 : memref<128x64xf32, #tpu.memory_space<vmem>>)
    %add3A_824 = arith.constant 3584 : i32
    %add3A_825 = arith.addi %mul3A_2, %add3A_824 : i32
    %dma_start3A_826 = arith.constant 1 : i32
    %dma_start3A_827 = arith.constant 0 : i32
    %dma_start3A_828 = arith.constant 0 : i32
    %dma_start3A_829 = tpu.memref_slice %arg6[%dma_start3A_826, %dma_start3A_827, %dma_start3A_828] : memref<2x512x64xf32, #tpu.memory_space<vmem>> -> memref<1x512x64xf32, #tpu.memory_space<vmem>>
    %dma_start3A_830 = tpu.memref_squeeze %dma_start3A_829 : memref<1x512x64xf32, #tpu.memory_space<vmem>> -> memref<512x64xf32, #tpu.memory_space<vmem>>
    %dma_start3A_831 = arith.constant 0 : i32
    %dma_start3A_832 = tpu.memref_slice %arg4[%add3A_825, %dma_start3A_831] : memref<131072x64xf32, #tpu.memory_space<hbm>> -> memref<512x64xf32, #tpu.memory_space<hbm>>
    %dma_start3A_833 = arith.constant 0 : i32
    %dma_start3A_834 = tpu.memref_slice %arg4[%add3A_825, %dma_start3A_833] : memref<131072x64xf32, #tpu.memory_space<hbm>> -> memref<512x64xf32, #tpu.memory_space<hbm>>
    %dma_start3A_835 = arith.constant 0 : i32
    %dma_start3A_836 = arith.constant 0 : i32
    %dma_start3A_837 = tpu.memref_slice %arg6[%dma_start3A_826, %dma_start3A_835, %dma_start3A_836] : memref<2x512x64xf32, #tpu.memory_space<vmem>> -> memref<1x512x64xf32, #tpu.memory_space<vmem>>
    %dma_start3A_838 = tpu.memref_squeeze %dma_start3A_837 : memref<1x512x64xf32, #tpu.memory_space<vmem>> -> memref<512x64xf32, #tpu.memory_space<vmem>>
    tpu.enqueue_dma source(%dma_start3A_838 : memref<512x64xf32, #tpu.memory_space<vmem>>) target(%dma_start3A_834 : memref<512x64xf32, #tpu.memory_space<hbm>>) target_semaphore(%arg10 : memref<!tpu.dma_semaphore, #tpu.memory_space<semaphore_mem>>)
    %dma_wait3A_839 = arith.constant 0 : i32
    %dma_wait3A_840 = arith.constant 0 : i32
    %dma_wait3A_841 = arith.constant 0 : i32
    %dma_wait3A_842 = tpu.memref_slice %arg6[%dma_wait3A_839, %dma_wait3A_840, %dma_wait3A_841] : memref<2x512x64xf32, #tpu.memory_space<vmem>> -> memref<1x512x64xf32, #tpu.memory_space<vmem>>
    %dma_wait3A_843 = tpu.memref_squeeze %dma_wait3A_842 : memref<1x512x64xf32, #tpu.memory_space<vmem>> -> memref<512x64xf32, #tpu.memory_space<vmem>>
    %dma_wait3A_844 = arith.constant 0 : i32
    %dma_wait3A_845 = tpu.memref_slice %arg4[%add3A_770, %dma_wait3A_844] : memref<131072x64xf32, #tpu.memory_space<hbm>> -> memref<512x64xf32, #tpu.memory_space<hbm>>
    %dma_wait3A_846 = arith.constant 0 : i32
    %dma_wait3A_847 = tpu.memref_slice %arg4[%add3A_770, %dma_wait3A_846] : memref<131072x64xf32, #tpu.memory_space<hbm>> -> memref<512x64xf32, #tpu.memory_space<hbm>>
    %dma_wait3A_848 = arith.constant 0 : i32
    %dma_wait3A_849 = arith.constant 0 : i32
    %dma_wait3A_850 = tpu.memref_slice %arg6[%dma_wait3A_839, %dma_wait3A_848, %dma_wait3A_849] : memref<2x512x64xf32, #tpu.memory_space<vmem>> -> memref<1x512x64xf32, #tpu.memory_space<vmem>>
    %dma_wait3A_851 = tpu.memref_squeeze %dma_wait3A_850 : memref<1x512x64xf32, #tpu.memory_space<vmem>> -> memref<512x64xf32, #tpu.memory_space<vmem>>
    tpu.wait_dma2 semaphore(%arg9 : memref<!tpu.dma_semaphore, #tpu.memory_space<semaphore_mem>>) src(%dma_wait3A_851 : memref<512x64xf32, #tpu.memory_space<vmem>>) dst(%dma_wait3A_847 : memref<512x64xf32, #tpu.memory_space<hbm>>)
    %dma_wait3A_852 = arith.constant 1 : i32
    %dma_wait3A_853 = arith.constant 0 : i32
    %dma_wait3A_854 = arith.constant 0 : i32
    %dma_wait3A_855 = tpu.memref_slice %arg6[%dma_wait3A_852, %dma_wait3A_853, %dma_wait3A_854] : memref<2x512x64xf32, #tpu.memory_space<vmem>> -> memref<1x512x64xf32, #tpu.memory_space<vmem>>
    %dma_wait3A_856 = tpu.memref_squeeze %dma_wait3A_855 : memref<1x512x64xf32, #tpu.memory_space<vmem>> -> memref<512x64xf32, #tpu.memory_space<vmem>>
    %dma_wait3A_857 = arith.constant 0 : i32
    %dma_wait3A_858 = tpu.memref_slice %arg4[%add3A_825, %dma_wait3A_857] : memref<131072x64xf32, #tpu.memory_space<hbm>> -> memref<512x64xf32, #tpu.memory_space<hbm>>
    %dma_wait3A_859 = arith.constant 0 : i32
    %dma_wait3A_860 = tpu.memref_slice %arg4[%add3A_825, %dma_wait3A_859] : memref<131072x64xf32, #tpu.memory_space<hbm>> -> memref<512x64xf32, #tpu.memory_space<hbm>>
    %dma_wait3A_861 = arith.constant 0 : i32
    %dma_wait3A_862 = arith.constant 0 : i32
    %dma_wait3A_863 = tpu.memref_slice %arg6[%dma_wait3A_852, %dma_wait3A_861, %dma_wait3A_862] : memref<2x512x64xf32, #tpu.memory_space<vmem>> -> memref<1x512x64xf32, #tpu.memory_space<vmem>>
    %dma_wait3A_864 = tpu.memref_squeeze %dma_wait3A_863 : memref<1x512x64xf32, #tpu.memory_space<vmem>> -> memref<512x64xf32, #tpu.memory_space<vmem>>
    tpu.wait_dma2 semaphore(%arg10 : memref<!tpu.dma_semaphore, #tpu.memory_space<semaphore_mem>>) src(%dma_wait3A_864 : memref<512x64xf32, #tpu.memory_space<vmem>>) dst(%dma_wait3A_860 : memref<512x64xf32, #tpu.memory_space<hbm>>)
    return
  }
}

module attributes {stable_mosaic.version = 14 : i64} {
  func.func @_proj_topk_body(%arg0: i32, %arg1: i32, %arg2: memref<1x64x2048xf32, #tpu.memory_space<vmem>>, %arg3: memref<1x256x64xf32, #tpu.memory_space<vmem>>, %arg4: memref<64x128xf32, #tpu.memory_space<vmem>>, %arg5: memref<64x64xf32, #tpu.memory_space<vmem>>, %arg6: memref<1x256x16xi32, #tpu.memory_space<vmem>>, %arg7: memref<1x256x128xf32, #tpu.memory_space<vmem>>, %arg8: memref<1x256x64xf32, #tpu.memory_space<vmem>>) attributes {dimension_semantics = [#tpu.dimension_semantics<arbitrary>, #tpu.dimension_semantics<arbitrary>], iteration_bounds = array<i64: 4, 8>, scalar_prefetch = 0 : i64, scratch_operands = 0 : i64, tpu.core_type = #tpu.core_type<tc>, window_params = [{transform_indices = @transform_0, window_bounds = array<i64: 1, 64, 2048>}, {transform_indices = @transform_1, window_bounds = array<i64: 1, 256, 64>}, {pipeline_mode = #tpu.pipeline_mode<synchronous>, transform_indices = @transform_2, window_bounds = array<i64: 64, 128>}, {pipeline_mode = #tpu.pipeline_mode<synchronous>, transform_indices = @transform_3, window_bounds = array<i64: 64, 64>}, {transform_indices = @transform_4, window_bounds = array<i64: 1, 256, 16>}, {transform_indices = @transform_5, window_bounds = array<i64: 1, 256, 128>}, {transform_indices = @transform_6, window_bounds = array<i64: 1, 256, 64>}]} {
    %get3A = arith.constant 0 : index
    %get3A_0 = arith.constant 0 : index
    %get3A_1 = arith.constant 0 : index
    %get3A_2 = vector.load %arg2[%get3A, %get3A_0, %get3A_1] : memref<1x64x2048xf32, #tpu.memory_space<vmem>>, vector<1x64x2048xf32>
    %get3A_3 = vector.shape_cast %get3A_2 : vector<1x64x2048xf32> to vector<64x2048xf32>
    %get3A_4 = arith.constant 0 : index
    %get3A_5 = arith.constant 0 : index
    %get3A_6 = arith.constant 0 : index
    %get3A_7 = vector.load %arg3[%get3A_4, %get3A_5, %get3A_6] : memref<1x256x64xf32, #tpu.memory_space<vmem>>, vector<1x256x64xf32>
    %get3A_8 = vector.shape_cast %get3A_7 : vector<1x256x64xf32> to vector<256x64xf32>
    %get3A_9 = arith.constant 0 : index
    %get3A_10 = arith.constant 0 : index
    %get3A_11 = vector.load %arg4[%get3A_9, %get3A_10] : memref<64x128xf32, #tpu.memory_space<vmem>>, vector<64x128xf32>
    %dot_general3A = arith.constant dense<0.000000e+00> : vector<256x128xf32>
    %dot_general3A_12 = tpu.matmul %get3A_8, %get3A_11, %dot_general3A {dimension_numbers = #tpu.dot_dimension_numbers<[1], [0], [0], [1], [0, 0, 1, 1], [], []>, transpose_lhs_hint = false} : vector<256x64xf32>, vector<64x128xf32>, vector<256x128xf32> -> vector<256x128xf32>
    %swap3A = arith.constant 0 : index
    %swap3A_13 = arith.constant 0 : index
    %swap3A_14 = arith.constant 0 : index
    %swap3A_15 = vector.load %arg7[%swap3A, %swap3A_13, %swap3A_14] : memref<1x256x128xf32, #tpu.memory_space<vmem>>, vector<1x256x128xf32>
    %swap3A_16 = vector.shape_cast %swap3A_15 : vector<1x256x128xf32> to vector<256x128xf32>
    %swap3A_17 = vector.shape_cast %dot_general3A_12 : vector<256x128xf32> to vector<1x256x128xf32>
    tpu.vector_store %arg7[%swap3A, %swap3A_13, %swap3A_14], %swap3A_17 {strides = array<i32>} : memref<1x256x128xf32, #tpu.memory_space<vmem>>, vector<1x256x128xf32>,
    %get3A_18 = arith.constant 0 : index
    %get3A_19 = arith.constant 0 : index
    %get3A_20 = vector.load %arg5[%get3A_18, %get3A_19] : memref<64x64xf32, #tpu.memory_space<vmem>>, vector<64x64xf32>
    %dot_general3A_21 = arith.constant dense<0.000000e+00> : vector<256x64xf32>
    %dot_general3A_22 = tpu.matmul %get3A_8, %get3A_20, %dot_general3A_21 {dimension_numbers = #tpu.dot_dimension_numbers<[1], [0], [0], [1], [0, 0, 1, 1], [], []>, transpose_lhs_hint = false} : vector<256x64xf32>, vector<64x64xf32>, vector<256x64xf32> -> vector<256x64xf32>
    %swap3A_23 = arith.constant 0 : index
    %swap3A_24 = arith.constant 0 : index
    %swap3A_25 = arith.constant 0 : index
    %swap3A_26 = vector.load %arg8[%swap3A_23, %swap3A_24, %swap3A_25] : memref<1x256x64xf32, #tpu.memory_space<vmem>>, vector<1x256x64xf32>
    %swap3A_27 = vector.shape_cast %swap3A_26 : vector<1x256x64xf32> to vector<256x64xf32>
    %swap3A_28 = vector.shape_cast %dot_general3A_22 : vector<256x64xf32> to vector<1x256x64xf32>
    tpu.vector_store %arg8[%swap3A_23, %swap3A_24, %swap3A_25], %swap3A_28 {strides = array<i32>} : memref<1x256x64xf32, #tpu.memory_space<vmem>>, vector<1x256x64xf32>,
    %mul3A = arith.mulf %get3A_8, %get3A_8 : vector<256x64xf32>
    %reduce_sum3A = arith.constant dense<0.000000e+00> : vector<256xf32>
    %reduce_sum3A_29 = vector.multi_reduction <add>, %mul3A, %reduce_sum3A [1] : vector<256x64xf32> to vector<256xf32>
    %broadcast_in_dim3A = vector.shape_cast %reduce_sum3A_29 : vector<256xf32> to vector<256x1xf32>
    %mul3A_30 = arith.mulf %get3A_3, %get3A_3 : vector<64x2048xf32>
    %reduce_sum3A_31 = arith.constant dense<0.000000e+00> : vector<2048xf32>
    %reduce_sum3A_32 = vector.multi_reduction <add>, %mul3A_30, %reduce_sum3A_31 [0] : vector<64x2048xf32> to vector<2048xf32>
    %broadcast_in_dim3A_33 = vector.shape_cast %reduce_sum3A_32 : vector<2048xf32> to vector<1x2048xf32>
    %dot_general3A_34 = arith.constant dense<0.000000e+00> : vector<256x2048xf32>
    %dot_general3A_35 = tpu.matmul %get3A_8, %get3A_3, %dot_general3A_34 {dimension_numbers = #tpu.dot_dimension_numbers<[1], [0], [0], [1], [0, 0, 1, 1], [], []>, transpose_lhs_hint = false} : vector<256x64xf32>, vector<64x2048xf32>, vector<256x2048xf32> -> vector<256x2048xf32>
    %mul3A_36 = arith.constant 2.000000e+00 : f32
    %mul3A_37 = vector.broadcast %mul3A_36 : f32 to vector<256x2048xf32>
    %mul3A_38 = arith.mulf %mul3A_37, %dot_general3A_35 : vector<256x2048xf32>
    %sub3A = vector.broadcast %broadcast_in_dim3A : vector<256x1xf32> to vector<256x2048xf32>
    %sub3A_39 = arith.subf %sub3A, %mul3A_38 : vector<256x2048xf32>
    %add3A = vector.broadcast %broadcast_in_dim3A_33 : vector<1x2048xf32> to vector<256x2048xf32>
    %add3A_40 = arith.addf %sub3A_39, %add3A : vector<256x2048xf32>
    %iota3A = tpu.iota {dimensions = array<i32: 1>} : vector<256x2048xi32>
    %convert_element_type3A = arith.sitofp %iota3A : vector<256x2048xi32> to vector<256x2048xf32>
    %reduce_min3A = arith.constant dense<0x7F800000> : vector<256xf32>
    %reduce_min3A_41 = vector.multi_reduction <minimumf>, %add3A_40, %reduce_min3A [1] : vector<256x2048xf32> to vector<256xf32>
    %broadcast_in_dim3A_42 = vector.shape_cast %reduce_min3A_41 : vector<256xf32> to vector<256x1xf32>
    %eq3A = vector.broadcast %broadcast_in_dim3A_42 : vector<256x1xf32> to vector<256x2048xf32>
    %eq3A_43 = arith.cmpf oeq, %add3A_40, %eq3A : vector<256x2048xf32>
    %jit3A = arith.constant 2.048000e+03 : f32
    %broadcast_in_dim3A_44 = vector.broadcast %jit3A : f32 to vector<256x2048xf32>
    %select_n3A = arith.select %eq3A_43, %convert_element_type3A, %broadcast_in_dim3A_44 : vector<256x2048xi1>, vector<256x2048xf32>
    %reduce_min3A_45 = arith.constant dense<0x7F800000> : vector<256xf32>
    %reduce_min3A_46 = vector.multi_reduction <minimumf>, %select_n3A, %reduce_min3A_45 [1] : vector<256x2048xf32> to vector<256xf32>
    %broadcast_in_dim3A_47 = vector.shape_cast %reduce_min3A_46 : vector<256xf32> to vector<256x1xf32>
    %eq3A_48 = vector.broadcast %broadcast_in_dim3A_47 : vector<256x1xf32> to vector<256x2048xf32>
    %eq3A_49 = arith.cmpf oeq, %convert_element_type3A, %eq3A_48 : vector<256x2048xf32>
    %jit3A_50 = arith.constant 0x7F800000 : f32
    %broadcast_in_dim3A_51 = vector.broadcast %jit3A_50 : f32 to vector<256x2048xf32>
    %select_n3A_52 = arith.select %eq3A_49, %broadcast_in_dim3A_51, %add3A_40 : vector<256x2048xi1>, vector<256x2048xf32>
    %reduce_min3A_53 = arith.constant dense<0x7F800000> : vector<256xf32>
    %reduce_min3A_54 = vector.multi_reduction <minimumf>, %select_n3A_52, %reduce_min3A_53 [1] : vector<256x2048xf32> to vector<256xf32>
    %broadcast_in_dim3A_55 = vector.shape_cast %reduce_min3A_54 : vector<256xf32> to vector<256x1xf32>
    %eq3A_56 = vector.broadcast %broadcast_in_dim3A_55 : vector<256x1xf32> to vector<256x2048xf32>
    %eq3A_57 = arith.cmpf oeq, %select_n3A_52, %eq3A_56 : vector<256x2048xf32>
    %jit3A_58 = arith.constant 2.048000e+03 : f32
    %broadcast_in_dim3A_59 = vector.broadcast %jit3A_58 : f32 to vector<256x2048xf32>
    %select_n3A_60 = arith.select %eq3A_57, %convert_element_type3A, %broadcast_in_dim3A_59 : vector<256x2048xi1>, vector<256x2048xf32>
    %reduce_min3A_61 = arith.constant dense<0x7F800000> : vector<256xf32>
    %reduce_min3A_62 = vector.multi_reduction <minimumf>, %select_n3A_60, %reduce_min3A_61 [1] : vector<256x2048xf32> to vector<256xf32>
    %broadcast_in_dim3A_63 = vector.shape_cast %reduce_min3A_62 : vector<256xf32> to vector<256x1xf32>
    %eq3A_64 = vector.broadcast %broadcast_in_dim3A_63 : vector<256x1xf32> to vector<256x2048xf32>
    %eq3A_65 = arith.cmpf oeq, %convert_element_type3A, %eq3A_64 : vector<256x2048xf32>
    %jit3A_66 = arith.constant 0x7F800000 : f32
    %broadcast_in_dim3A_67 = vector.broadcast %jit3A_66 : f32 to vector<256x2048xf32>
    %select_n3A_68 = arith.select %eq3A_65, %broadcast_in_dim3A_67, %select_n3A_52 : vector<256x2048xi1>, vector<256x2048xf32>
    %reduce_min3A_69 = arith.constant dense<0x7F800000> : vector<256xf32>
    %reduce_min3A_70 = vector.multi_reduction <minimumf>, %select_n3A_68, %reduce_min3A_69 [1] : vector<256x2048xf32> to vector<256xf32>
    %broadcast_in_dim3A_71 = vector.shape_cast %reduce_min3A_70 : vector<256xf32> to vector<256x1xf32>
    %eq3A_72 = vector.broadcast %broadcast_in_dim3A_71 : vector<256x1xf32> to vector<256x2048xf32>
    %eq3A_73 = arith.cmpf oeq, %select_n3A_68, %eq3A_72 : vector<256x2048xf32>
    %jit3A_74 = arith.constant 2.048000e+03 : f32
    %broadcast_in_dim3A_75 = vector.broadcast %jit3A_74 : f32 to vector<256x2048xf32>
    %select_n3A_76 = arith.select %eq3A_73, %convert_element_type3A, %broadcast_in_dim3A_75 : vector<256x2048xi1>, vector<256x2048xf32>
    %reduce_min3A_77 = arith.constant dense<0x7F800000> : vector<256xf32>
    %reduce_min3A_78 = vector.multi_reduction <minimumf>, %select_n3A_76, %reduce_min3A_77 [1] : vector<256x2048xf32> to vector<256xf32>
    %broadcast_in_dim3A_79 = vector.shape_cast %reduce_min3A_78 : vector<256xf32> to vector<256x1xf32>
    %eq3A_80 = vector.broadcast %broadcast_in_dim3A_79 : vector<256x1xf32> to vector<256x2048xf32>
    %eq3A_81 = arith.cmpf oeq, %convert_element_type3A, %eq3A_80 : vector<256x2048xf32>
    %jit3A_82 = arith.constant 0x7F800000 : f32
    %broadcast_in_dim3A_83 = vector.broadcast %jit3A_82 : f32 to vector<256x2048xf32>
    %select_n3A_84 = arith.select %eq3A_81, %broadcast_in_dim3A_83, %select_n3A_68 : vector<256x2048xi1>, vector<256x2048xf32>
    %reduce_min3A_85 = arith.constant dense<0x7F800000> : vector<256xf32>
    %reduce_min3A_86 = vector.multi_reduction <minimumf>, %select_n3A_84, %reduce_min3A_85 [1] : vector<256x2048xf32> to vector<256xf32>
    %broadcast_in_dim3A_87 = vector.shape_cast %reduce_min3A_86 : vector<256xf32> to vector<256x1xf32>
    %eq3A_88 = vector.broadcast %broadcast_in_dim3A_87 : vector<256x1xf32> to vector<256x2048xf32>
    %eq3A_89 = arith.cmpf oeq, %select_n3A_84, %eq3A_88 : vector<256x2048xf32>
    %jit3A_90 = arith.constant 2.048000e+03 : f32
    %broadcast_in_dim3A_91 = vector.broadcast %jit3A_90 : f32 to vector<256x2048xf32>
    %select_n3A_92 = arith.select %eq3A_89, %convert_element_type3A, %broadcast_in_dim3A_91 : vector<256x2048xi1>, vector<256x2048xf32>
    %reduce_min3A_93 = arith.constant dense<0x7F800000> : vector<256xf32>
    %reduce_min3A_94 = vector.multi_reduction <minimumf>, %select_n3A_92, %reduce_min3A_93 [1] : vector<256x2048xf32> to vector<256xf32>
    %broadcast_in_dim3A_95 = vector.shape_cast %reduce_min3A_94 : vector<256xf32> to vector<256x1xf32>
    %eq3A_96 = vector.broadcast %broadcast_in_dim3A_95 : vector<256x1xf32> to vector<256x2048xf32>
    %eq3A_97 = arith.cmpf oeq, %convert_element_type3A, %eq3A_96 : vector<256x2048xf32>
    %jit3A_98 = arith.constant 0x7F800000 : f32
    %broadcast_in_dim3A_99 = vector.broadcast %jit3A_98 : f32 to vector<256x2048xf32>
    %select_n3A_100 = arith.select %eq3A_97, %broadcast_in_dim3A_99, %select_n3A_84 : vector<256x2048xi1>, vector<256x2048xf32>
    %reduce_min3A_101 = arith.constant dense<0x7F800000> : vector<256xf32>
    %reduce_min3A_102 = vector.multi_reduction <minimumf>, %select_n3A_100, %reduce_min3A_101 [1] : vector<256x2048xf32> to vector<256xf32>
    %broadcast_in_dim3A_103 = vector.shape_cast %reduce_min3A_102 : vector<256xf32> to vector<256x1xf32>
    %eq3A_104 = vector.broadcast %broadcast_in_dim3A_103 : vector<256x1xf32> to vector<256x2048xf32>
    %eq3A_105 = arith.cmpf oeq, %select_n3A_100, %eq3A_104 : vector<256x2048xf32>
    %jit3A_106 = arith.constant 2.048000e+03 : f32
    %broadcast_in_dim3A_107 = vector.broadcast %jit3A_106 : f32 to vector<256x2048xf32>
    %select_n3A_108 = arith.select %eq3A_105, %convert_element_type3A, %broadcast_in_dim3A_107 : vector<256x2048xi1>, vector<256x2048xf32>
    %reduce_min3A_109 = arith.constant dense<0x7F800000> : vector<256xf32>
    %reduce_min3A_110 = vector.multi_reduction <minimumf>, %select_n3A_108, %reduce_min3A_109 [1] : vector<256x2048xf32> to vector<256xf32>
    %broadcast_in_dim3A_111 = vector.shape_cast %reduce_min3A_110 : vector<256xf32> to vector<256x1xf32>
    %eq3A_112 = vector.broadcast %broadcast_in_dim3A_111 : vector<256x1xf32> to vector<256x2048xf32>
    %eq3A_113 = arith.cmpf oeq, %convert_element_type3A, %eq3A_112 : vector<256x2048xf32>
    %jit3A_114 = arith.constant 0x7F800000 : f32
    %broadcast_in_dim3A_115 = vector.broadcast %jit3A_114 : f32 to vector<256x2048xf32>
    %select_n3A_116 = arith.select %eq3A_113, %broadcast_in_dim3A_115, %select_n3A_100 : vector<256x2048xi1>, vector<256x2048xf32>
    %reduce_min3A_117 = arith.constant dense<0x7F800000> : vector<256xf32>
    %reduce_min3A_118 = vector.multi_reduction <minimumf>, %select_n3A_116, %reduce_min3A_117 [1] : vector<256x2048xf32> to vector<256xf32>
    %broadcast_in_dim3A_119 = vector.shape_cast %reduce_min3A_118 : vector<256xf32> to vector<256x1xf32>
    %eq3A_120 = vector.broadcast %broadcast_in_dim3A_119 : vector<256x1xf32> to vector<256x2048xf32>
    %eq3A_121 = arith.cmpf oeq, %select_n3A_116, %eq3A_120 : vector<256x2048xf32>
    %jit3A_122 = arith.constant 2.048000e+03 : f32
    %broadcast_in_dim3A_123 = vector.broadcast %jit3A_122 : f32 to vector<256x2048xf32>
    %select_n3A_124 = arith.select %eq3A_121, %convert_element_type3A, %broadcast_in_dim3A_123 : vector<256x2048xi1>, vector<256x2048xf32>
    %reduce_min3A_125 = arith.constant dense<0x7F800000> : vector<256xf32>
    %reduce_min3A_126 = vector.multi_reduction <minimumf>, %select_n3A_124, %reduce_min3A_125 [1] : vector<256x2048xf32> to vector<256xf32>
    %broadcast_in_dim3A_127 = vector.shape_cast %reduce_min3A_126 : vector<256xf32> to vector<256x1xf32>
    %eq3A_128 = vector.broadcast %broadcast_in_dim3A_127 : vector<256x1xf32> to vector<256x2048xf32>
    %eq3A_129 = arith.cmpf oeq, %convert_element_type3A, %eq3A_128 : vector<256x2048xf32>
    %jit3A_130 = arith.constant 0x7F800000 : f32
    %broadcast_in_dim3A_131 = vector.broadcast %jit3A_130 : f32 to vector<256x2048xf32>
    %select_n3A_132 = arith.select %eq3A_129, %broadcast_in_dim3A_131, %select_n3A_116 : vector<256x2048xi1>, vector<256x2048xf32>
    %reduce_min3A_133 = arith.constant dense<0x7F800000> : vector<256xf32>
    %reduce_min3A_134 = vector.multi_reduction <minimumf>, %select_n3A_132, %reduce_min3A_133 [1] : vector<256x2048xf32> to vector<256xf32>
    %broadcast_in_dim3A_135 = vector.shape_cast %reduce_min3A_134 : vector<256xf32> to vector<256x1xf32>
    %eq3A_136 = vector.broadcast %broadcast_in_dim3A_135 : vector<256x1xf32> to vector<256x2048xf32>
    %eq3A_137 = arith.cmpf oeq, %select_n3A_132, %eq3A_136 : vector<256x2048xf32>
    %jit3A_138 = arith.constant 2.048000e+03 : f32
    %broadcast_in_dim3A_139 = vector.broadcast %jit3A_138 : f32 to vector<256x2048xf32>
    %select_n3A_140 = arith.select %eq3A_137, %convert_element_type3A, %broadcast_in_dim3A_139 : vector<256x2048xi1>, vector<256x2048xf32>
    %reduce_min3A_141 = arith.constant dense<0x7F800000> : vector<256xf32>
    %reduce_min3A_142 = vector.multi_reduction <minimumf>, %select_n3A_140, %reduce_min3A_141 [1] : vector<256x2048xf32> to vector<256xf32>
    %broadcast_in_dim3A_143 = vector.shape_cast %reduce_min3A_142 : vector<256xf32> to vector<256x1xf32>
    %eq3A_144 = vector.broadcast %broadcast_in_dim3A_143 : vector<256x1xf32> to vector<256x2048xf32>
    %eq3A_145 = arith.cmpf oeq, %convert_element_type3A, %eq3A_144 : vector<256x2048xf32>
    %jit3A_146 = arith.constant 0x7F800000 : f32
    %broadcast_in_dim3A_147 = vector.broadcast %jit3A_146 : f32 to vector<256x2048xf32>
    %select_n3A_148 = arith.select %eq3A_145, %broadcast_in_dim3A_147, %select_n3A_132 : vector<256x2048xi1>, vector<256x2048xf32>
    %reduce_min3A_149 = arith.constant dense<0x7F800000> : vector<256xf32>
    %reduce_min3A_150 = vector.multi_reduction <minimumf>, %select_n3A_148, %reduce_min3A_149 [1] : vector<256x2048xf32> to vector<256xf32>
    %broadcast_in_dim3A_151 = vector.shape_cast %reduce_min3A_150 : vector<256xf32> to vector<256x1xf32>
    %eq3A_152 = vector.broadcast %broadcast_in_dim3A_151 : vector<256x1xf32> to vector<256x2048xf32>
    %eq3A_153 = arith.cmpf oeq, %select_n3A_148, %eq3A_152 : vector<256x2048xf32>
    %jit3A_154 = arith.constant 2.048000e+03 : f32
    %broadcast_in_dim3A_155 = vector.broadcast %jit3A_154 : f32 to vector<256x2048xf32>
    %select_n3A_156 = arith.select %eq3A_153, %convert_element_type3A, %broadcast_in_dim3A_155 : vector<256x2048xi1>, vector<256x2048xf32>
    %reduce_min3A_157 = arith.constant dense<0x7F800000> : vector<256xf32>
    %reduce_min3A_158 = vector.multi_reduction <minimumf>, %select_n3A_156, %reduce_min3A_157 [1] : vector<256x2048xf32> to vector<256xf32>
    %broadcast_in_dim3A_159 = vector.shape_cast %reduce_min3A_158 : vector<256xf32> to vector<256x1xf32>
    %eq3A_160 = vector.broadcast %broadcast_in_dim3A_159 : vector<256x1xf32> to vector<256x2048xf32>
    %eq3A_161 = arith.cmpf oeq, %convert_element_type3A, %eq3A_160 : vector<256x2048xf32>
    %jit3A_162 = arith.constant 0x7F800000 : f32
    %broadcast_in_dim3A_163 = vector.broadcast %jit3A_162 : f32 to vector<256x2048xf32>
    %select_n3A_164 = arith.select %eq3A_161, %broadcast_in_dim3A_163, %select_n3A_148 : vector<256x2048xi1>, vector<256x2048xf32>
    %reduce_min3A_165 = arith.constant dense<0x7F800000> : vector<256xf32>
    %reduce_min3A_166 = vector.multi_reduction <minimumf>, %select_n3A_164, %reduce_min3A_165 [1] : vector<256x2048xf32> to vector<256xf32>
    %broadcast_in_dim3A_167 = vector.shape_cast %reduce_min3A_166 : vector<256xf32> to vector<256x1xf32>
    %eq3A_168 = vector.broadcast %broadcast_in_dim3A_167 : vector<256x1xf32> to vector<256x2048xf32>
    %eq3A_169 = arith.cmpf oeq, %select_n3A_164, %eq3A_168 : vector<256x2048xf32>
    %jit3A_170 = arith.constant 2.048000e+03 : f32
    %broadcast_in_dim3A_171 = vector.broadcast %jit3A_170 : f32 to vector<256x2048xf32>
    %select_n3A_172 = arith.select %eq3A_169, %convert_element_type3A, %broadcast_in_dim3A_171 : vector<256x2048xi1>, vector<256x2048xf32>
    %reduce_min3A_173 = arith.constant dense<0x7F800000> : vector<256xf32>
    %reduce_min3A_174 = vector.multi_reduction <minimumf>, %select_n3A_172, %reduce_min3A_173 [1] : vector<256x2048xf32> to vector<256xf32>
    %broadcast_in_dim3A_175 = vector.shape_cast %reduce_min3A_174 : vector<256xf32> to vector<256x1xf32>
    %eq3A_176 = vector.broadcast %broadcast_in_dim3A_175 : vector<256x1xf32> to vector<256x2048xf32>
    %eq3A_177 = arith.cmpf oeq, %convert_element_type3A, %eq3A_176 : vector<256x2048xf32>
    %jit3A_178 = arith.constant 0x7F800000 : f32
    %broadcast_in_dim3A_179 = vector.broadcast %jit3A_178 : f32 to vector<256x2048xf32>
    %select_n3A_180 = arith.select %eq3A_177, %broadcast_in_dim3A_179, %select_n3A_164 : vector<256x2048xi1>, vector<256x2048xf32>
    %reduce_min3A_181 = arith.constant dense<0x7F800000> : vector<256xf32>
    %reduce_min3A_182 = vector.multi_reduction <minimumf>, %select_n3A_180, %reduce_min3A_181 [1] : vector<256x2048xf32> to vector<256xf32>
    %broadcast_in_dim3A_183 = vector.shape_cast %reduce_min3A_182 : vector<256xf32> to vector<256x1xf32>
    %eq3A_184 = vector.broadcast %broadcast_in_dim3A_183 : vector<256x1xf32> to vector<256x2048xf32>
    %eq3A_185 = arith.cmpf oeq, %select_n3A_180, %eq3A_184 : vector<256x2048xf32>
    %jit3A_186 = arith.constant 2.048000e+03 : f32
    %broadcast_in_dim3A_187 = vector.broadcast %jit3A_186 : f32 to vector<256x2048xf32>
    %select_n3A_188 = arith.select %eq3A_185, %convert_element_type3A, %broadcast_in_dim3A_187 : vector<256x2048xi1>, vector<256x2048xf32>
    %reduce_min3A_189 = arith.constant dense<0x7F800000> : vector<256xf32>
    %reduce_min3A_190 = vector.multi_reduction <minimumf>, %select_n3A_188, %reduce_min3A_189 [1] : vector<256x2048xf32> to vector<256xf32>
    %broadcast_in_dim3A_191 = vector.shape_cast %reduce_min3A_190 : vector<256xf32> to vector<256x1xf32>
    %eq3A_192 = vector.broadcast %broadcast_in_dim3A_191 : vector<256x1xf32> to vector<256x2048xf32>
    %eq3A_193 = arith.cmpf oeq, %convert_element_type3A, %eq3A_192 : vector<256x2048xf32>
    %jit3A_194 = arith.constant 0x7F800000 : f32
    %broadcast_in_dim3A_195 = vector.broadcast %jit3A_194 : f32 to vector<256x2048xf32>
    %select_n3A_196 = arith.select %eq3A_193, %broadcast_in_dim3A_195, %select_n3A_180 : vector<256x2048xi1>, vector<256x2048xf32>
    %reduce_min3A_197 = arith.constant dense<0x7F800000> : vector<256xf32>
    %reduce_min3A_198 = vector.multi_reduction <minimumf>, %select_n3A_196, %reduce_min3A_197 [1] : vector<256x2048xf32> to vector<256xf32>
    %broadcast_in_dim3A_199 = vector.shape_cast %reduce_min3A_198 : vector<256xf32> to vector<256x1xf32>
    %eq3A_200 = vector.broadcast %broadcast_in_dim3A_199 : vector<256x1xf32> to vector<256x2048xf32>
    %eq3A_201 = arith.cmpf oeq, %select_n3A_196, %eq3A_200 : vector<256x2048xf32>
    %jit3A_202 = arith.constant 2.048000e+03 : f32
    %broadcast_in_dim3A_203 = vector.broadcast %jit3A_202 : f32 to vector<256x2048xf32>
    %select_n3A_204 = arith.select %eq3A_201, %convert_element_type3A, %broadcast_in_dim3A_203 : vector<256x2048xi1>, vector<256x2048xf32>
    %reduce_min3A_205 = arith.constant dense<0x7F800000> : vector<256xf32>
    %reduce_min3A_206 = vector.multi_reduction <minimumf>, %select_n3A_204, %reduce_min3A_205 [1] : vector<256x2048xf32> to vector<256xf32>
    %broadcast_in_dim3A_207 = vector.shape_cast %reduce_min3A_206 : vector<256xf32> to vector<256x1xf32>
    %eq3A_208 = vector.broadcast %broadcast_in_dim3A_207 : vector<256x1xf32> to vector<256x2048xf32>
    %eq3A_209 = arith.cmpf oeq, %convert_element_type3A, %eq3A_208 : vector<256x2048xf32>
    %jit3A_210 = arith.constant 0x7F800000 : f32
    %broadcast_in_dim3A_211 = vector.broadcast %jit3A_210 : f32 to vector<256x2048xf32>
    %select_n3A_212 = arith.select %eq3A_209, %broadcast_in_dim3A_211, %select_n3A_196 : vector<256x2048xi1>, vector<256x2048xf32>
    %reduce_min3A_213 = arith.constant dense<0x7F800000> : vector<256xf32>
    %reduce_min3A_214 = vector.multi_reduction <minimumf>, %select_n3A_212, %reduce_min3A_213 [1] : vector<256x2048xf32> to vector<256xf32>
    %broadcast_in_dim3A_215 = vector.shape_cast %reduce_min3A_214 : vector<256xf32> to vector<256x1xf32>
    %eq3A_216 = vector.broadcast %broadcast_in_dim3A_215 : vector<256x1xf32> to vector<256x2048xf32>
    %eq3A_217 = arith.cmpf oeq, %select_n3A_212, %eq3A_216 : vector<256x2048xf32>
    %jit3A_218 = arith.constant 2.048000e+03 : f32
    %broadcast_in_dim3A_219 = vector.broadcast %jit3A_218 : f32 to vector<256x2048xf32>
    %select_n3A_220 = arith.select %eq3A_217, %convert_element_type3A, %broadcast_in_dim3A_219 : vector<256x2048xi1>, vector<256x2048xf32>
    %reduce_min3A_221 = arith.constant dense<0x7F800000> : vector<256xf32>
    %reduce_min3A_222 = vector.multi_reduction <minimumf>, %select_n3A_220, %reduce_min3A_221 [1] : vector<256x2048xf32> to vector<256xf32>
    %broadcast_in_dim3A_223 = vector.shape_cast %reduce_min3A_222 : vector<256xf32> to vector<256x1xf32>
    %eq3A_224 = vector.broadcast %broadcast_in_dim3A_223 : vector<256x1xf32> to vector<256x2048xf32>
    %eq3A_225 = arith.cmpf oeq, %convert_element_type3A, %eq3A_224 : vector<256x2048xf32>
    %jit3A_226 = arith.constant 0x7F800000 : f32
    %broadcast_in_dim3A_227 = vector.broadcast %jit3A_226 : f32 to vector<256x2048xf32>
    %select_n3A_228 = arith.select %eq3A_225, %broadcast_in_dim3A_227, %select_n3A_212 : vector<256x2048xi1>, vector<256x2048xf32>
    %reduce_min3A_229 = arith.constant dense<0x7F800000> : vector<256xf32>
    %reduce_min3A_230 = vector.multi_reduction <minimumf>, %select_n3A_228, %reduce_min3A_229 [1] : vector<256x2048xf32> to vector<256xf32>
    %broadcast_in_dim3A_231 = vector.shape_cast %reduce_min3A_230 : vector<256xf32> to vector<256x1xf32>
    %eq3A_232 = vector.broadcast %broadcast_in_dim3A_231 : vector<256x1xf32> to vector<256x2048xf32>
    %eq3A_233 = arith.cmpf oeq, %select_n3A_228, %eq3A_232 : vector<256x2048xf32>
    %jit3A_234 = arith.constant 2.048000e+03 : f32
    %broadcast_in_dim3A_235 = vector.broadcast %jit3A_234 : f32 to vector<256x2048xf32>
    %select_n3A_236 = arith.select %eq3A_233, %convert_element_type3A, %broadcast_in_dim3A_235 : vector<256x2048xi1>, vector<256x2048xf32>
    %reduce_min3A_237 = arith.constant dense<0x7F800000> : vector<256xf32>
    %reduce_min3A_238 = vector.multi_reduction <minimumf>, %select_n3A_236, %reduce_min3A_237 [1] : vector<256x2048xf32> to vector<256xf32>
    %broadcast_in_dim3A_239 = vector.shape_cast %reduce_min3A_238 : vector<256xf32> to vector<256x1xf32>
    %eq3A_240 = vector.broadcast %broadcast_in_dim3A_239 : vector<256x1xf32> to vector<256x2048xf32>
    %eq3A_241 = arith.cmpf oeq, %convert_element_type3A, %eq3A_240 : vector<256x2048xf32>
    %jit3A_242 = arith.constant 0x7F800000 : f32
    %broadcast_in_dim3A_243 = vector.broadcast %jit3A_242 : f32 to vector<256x2048xf32>
    %select_n3A_244 = arith.select %eq3A_241, %broadcast_in_dim3A_243, %select_n3A_228 : vector<256x2048xi1>, vector<256x2048xf32>
    %reduce_min3A_245 = arith.constant dense<0x7F800000> : vector<256xf32>
    %reduce_min3A_246 = vector.multi_reduction <minimumf>, %select_n3A_244, %reduce_min3A_245 [1] : vector<256x2048xf32> to vector<256xf32>
    %broadcast_in_dim3A_247 = vector.shape_cast %reduce_min3A_246 : vector<256xf32> to vector<256x1xf32>
    %eq3A_248 = vector.broadcast %broadcast_in_dim3A_247 : vector<256x1xf32> to vector<256x2048xf32>
    %eq3A_249 = arith.cmpf oeq, %select_n3A_244, %eq3A_248 : vector<256x2048xf32>
    %jit3A_250 = arith.constant 2.048000e+03 : f32
    %broadcast_in_dim3A_251 = vector.broadcast %jit3A_250 : f32 to vector<256x2048xf32>
    %select_n3A_252 = arith.select %eq3A_249, %convert_element_type3A, %broadcast_in_dim3A_251 : vector<256x2048xi1>, vector<256x2048xf32>
    %reduce_min3A_253 = arith.constant dense<0x7F800000> : vector<256xf32>
    %reduce_min3A_254 = vector.multi_reduction <minimumf>, %select_n3A_252, %reduce_min3A_253 [1] : vector<256x2048xf32> to vector<256xf32>
    %broadcast_in_dim3A_255 = vector.shape_cast %reduce_min3A_254 : vector<256xf32> to vector<256x1xf32>
    %eq3A_256 = vector.broadcast %broadcast_in_dim3A_255 : vector<256x1xf32> to vector<256x2048xf32>
    %eq3A_257 = arith.cmpf oeq, %convert_element_type3A, %eq3A_256 : vector<256x2048xf32>
    %jit3A_258 = arith.constant 0x7F800000 : f32
    %broadcast_in_dim3A_259 = vector.broadcast %jit3A_258 : f32 to vector<256x2048xf32>
    %select_n3A_260 = arith.select %eq3A_257, %broadcast_in_dim3A_259, %select_n3A_244 : vector<256x2048xi1>, vector<256x2048xf32>
    %reduce_min3A_261 = arith.constant dense<0x7F800000> : vector<256xf32>
    %reduce_min3A_262 = vector.multi_reduction <minimumf>, %select_n3A_260, %reduce_min3A_261 [1] : vector<256x2048xf32> to vector<256xf32>
    %broadcast_in_dim3A_263 = vector.shape_cast %reduce_min3A_262 : vector<256xf32> to vector<256x1xf32>
    %eq3A_264 = vector.broadcast %broadcast_in_dim3A_263 : vector<256x1xf32> to vector<256x2048xf32>
    %eq3A_265 = arith.cmpf oeq, %select_n3A_260, %eq3A_264 : vector<256x2048xf32>
    %jit3A_266 = arith.constant 2.048000e+03 : f32
    %broadcast_in_dim3A_267 = vector.broadcast %jit3A_266 : f32 to vector<256x2048xf32>
    %select_n3A_268 = arith.select %eq3A_265, %convert_element_type3A, %broadcast_in_dim3A_267 : vector<256x2048xi1>, vector<256x2048xf32>
    %reduce_min3A_269 = arith.constant dense<0x7F800000> : vector<256xf32>
    %reduce_min3A_270 = vector.multi_reduction <minimumf>, %select_n3A_268, %reduce_min3A_269 [1] : vector<256x2048xf32> to vector<256xf32>
    %broadcast_in_dim3A_271 = vector.shape_cast %reduce_min3A_270 : vector<256xf32> to vector<256x1xf32>
    %eq3A_272 = vector.broadcast %broadcast_in_dim3A_271 : vector<256x1xf32> to vector<256x2048xf32>
    %eq3A_273 = arith.cmpf oeq, %convert_element_type3A, %eq3A_272 : vector<256x2048xf32>
    %jit3A_274 = arith.constant 0x7F800000 : f32
    %broadcast_in_dim3A_275 = vector.broadcast %jit3A_274 : f32 to vector<256x2048xf32>
    %select_n3A_276 = arith.select %eq3A_273, %broadcast_in_dim3A_275, %select_n3A_260 : vector<256x2048xi1>, vector<256x2048xf32>
    %reduce_min3A_277 = arith.constant dense<0x7F800000> : vector<256xf32>
    %reduce_min3A_278 = vector.multi_reduction <minimumf>, %select_n3A_276, %reduce_min3A_277 [1] : vector<256x2048xf32> to vector<256xf32>
    %broadcast_in_dim3A_279 = vector.shape_cast %reduce_min3A_278 : vector<256xf32> to vector<256x1xf32>
    %eq3A_280 = vector.broadcast %broadcast_in_dim3A_279 : vector<256x1xf32> to vector<256x2048xf32>
    %eq3A_281 = arith.cmpf oeq, %select_n3A_276, %eq3A_280 : vector<256x2048xf32>
    %jit3A_282 = arith.constant 2.048000e+03 : f32
    %broadcast_in_dim3A_283 = vector.broadcast %jit3A_282 : f32 to vector<256x2048xf32>
    %select_n3A_284 = arith.select %eq3A_281, %convert_element_type3A, %broadcast_in_dim3A_283 : vector<256x2048xi1>, vector<256x2048xf32>
    %reduce_min3A_285 = arith.constant dense<0x7F800000> : vector<256xf32>
    %reduce_min3A_286 = vector.multi_reduction <minimumf>, %select_n3A_284, %reduce_min3A_285 [1] : vector<256x2048xf32> to vector<256xf32>
    %broadcast_in_dim3A_287 = vector.shape_cast %reduce_min3A_286 : vector<256xf32> to vector<256x1xf32>
    %eq3A_288 = vector.broadcast %broadcast_in_dim3A_287 : vector<256x1xf32> to vector<256x2048xf32>
    %eq3A_289 = arith.cmpf oeq, %convert_element_type3A, %eq3A_288 : vector<256x2048xf32>
    %jit3A_290 = arith.constant 0x7F800000 : f32
    %broadcast_in_dim3A_291 = vector.broadcast %jit3A_290 : f32 to vector<256x2048xf32>
    %select_n3A_292 = arith.select %eq3A_289, %broadcast_in_dim3A_291, %select_n3A_276 : vector<256x2048xi1>, vector<256x2048xf32>
    %reduce_min3A_293 = arith.constant dense<0x7F800000> : vector<256xf32>
    %reduce_min3A_294 = vector.multi_reduction <minimumf>, %select_n3A_292, %reduce_min3A_293 [1] : vector<256x2048xf32> to vector<256xf32>
    %broadcast_in_dim3A_295 = vector.shape_cast %reduce_min3A_294 : vector<256xf32> to vector<256x1xf32>
    %eq3A_296 = vector.broadcast %broadcast_in_dim3A_295 : vector<256x1xf32> to vector<256x2048xf32>
    %eq3A_297 = arith.cmpf oeq, %select_n3A_292, %eq3A_296 : vector<256x2048xf32>
    %jit3A_298 = arith.constant 2.048000e+03 : f32
    %broadcast_in_dim3A_299 = vector.broadcast %jit3A_298 : f32 to vector<256x2048xf32>
    %select_n3A_300 = arith.select %eq3A_297, %convert_element_type3A, %broadcast_in_dim3A_299 : vector<256x2048xi1>, vector<256x2048xf32>
    %reduce_min3A_301 = arith.constant dense<0x7F800000> : vector<256xf32>
    %reduce_min3A_302 = vector.multi_reduction <minimumf>, %select_n3A_300, %reduce_min3A_301 [1] : vector<256x2048xf32> to vector<256xf32>
    %broadcast_in_dim3A_303 = vector.shape_cast %reduce_min3A_302 : vector<256xf32> to vector<256x1xf32>
    %concatenate3A = tpu.concatenate %broadcast_in_dim3A_63, %broadcast_in_dim3A_79, %broadcast_in_dim3A_95, %broadcast_in_dim3A_111, %broadcast_in_dim3A_127, %broadcast_in_dim3A_143, %broadcast_in_dim3A_159, %broadcast_in_dim3A_175, %broadcast_in_dim3A_191, %broadcast_in_dim3A_207, %broadcast_in_dim3A_223, %broadcast_in_dim3A_239, %broadcast_in_dim3A_255, %broadcast_in_dim3A_271, %broadcast_in_dim3A_287, %broadcast_in_dim3A_303 in 1 : vector<256x1xf32>, vector<256x1xf32>, vector<256x1xf32>, vector<256x1xf32>, vector<256x1xf32>, vector<256x1xf32>, vector<256x1xf32>, vector<256x1xf32>, vector<256x1xf32>, vector<256x1xf32>, vector<256x1xf32>, vector<256x1xf32>, vector<256x1xf32>, vector<256x1xf32>, vector<256x1xf32>, vector<256x1xf32> -> vector<256x16xf32>
    %convert_element_type3A_304 = arith.fptosi %concatenate3A : vector<256x16xf32> to vector<256x16xi32>
    %mul3A_305 = arith.constant 2048 : i32
    %mul3A_306 = arith.muli %arg0, %mul3A_305 : i32
    %add3A_307 = vector.broadcast %mul3A_306 : i32 to vector<256x16xi32>
    %add3A_308 = arith.addi %convert_element_type3A_304, %add3A_307 : vector<256x16xi32>
    %mul3A_309 = arith.constant 2 : i32
    %mul3A_310 = vector.broadcast %mul3A_309 : i32 to vector<256x16xi32>
    %mul3A_311 = arith.muli %add3A_308, %mul3A_310 : vector<256x16xi32>
    %swap3A_312 = arith.constant 0 : index
    %swap3A_313 = arith.constant 0 : index
    %swap3A_314 = arith.constant 0 : index
    %swap3A_315 = vector.load %arg6[%swap3A_312, %swap3A_313, %swap3A_314] : memref<1x256x16xi32, #tpu.memory_space<vmem>>, vector<1x256x16xi32>
    %swap3A_316 = vector.shape_cast %swap3A_315 : vector<1x256x16xi32> to vector<256x16xi32>
    %swap3A_317 = vector.shape_cast %mul3A_311 : vector<256x16xi32> to vector<1x256x16xi32>
    tpu.vector_store %arg6[%swap3A_312, %swap3A_313, %swap3A_314], %swap3A_317 {strides = array<i32>} : memref<1x256x16xi32, #tpu.memory_space<vmem>>, vector<1x256x16xi32>,
    return
  }
  func.func @transform_0(%arg0: i32, %arg1: i32) -> (i32, i32, i32) {
    %c0_i32 = arith.constant 0 : i32
    %c0_i32_0 = arith.constant 0 : i32
    %c0_i32_1 = arith.constant 0 : i32
    return %arg0, %c0_i32, %c0_i32_0 : i32, i32, i32
  }
  func.func @transform_1(%arg0: i32, %arg1: i32) -> (i32, i32, i32) {
    %c0_i32 = arith.constant 0 : i32
    %c0_i32_0 = arith.constant 0 : i32
    return %arg0, %arg1, %c0_i32 : i32, i32, i32
  }
  func.func @transform_2(%arg0: i32, %arg1: i32) -> (i32, i32) {
    %c0_i32 = arith.constant 0 : i32
    %c0_i32_0 = arith.constant 0 : i32
    %c0_i32_1 = arith.constant 0 : i32
    return %c0_i32, %c0_i32_0 : i32, i32
  }
  func.func @transform_3(%arg0: i32, %arg1: i32) -> (i32, i32) {
    %c0_i32 = arith.constant 0 : i32
    %c0_i32_0 = arith.constant 0 : i32
    %c0_i32_1 = arith.constant 0 : i32
    return %c0_i32, %c0_i32_0 : i32, i32
  }
  func.func @transform_4(%arg0: i32, %arg1: i32) -> (i32, i32, i32) {
    %c0_i32 = arith.constant 0 : i32
    %c0_i32_0 = arith.constant 0 : i32
    return %arg0, %arg1, %c0_i32 : i32, i32, i32
  }
  func.func @transform_5(%arg0: i32, %arg1: i32) -> (i32, i32, i32) {
    %c0_i32 = arith.constant 0 : i32
    %c0_i32_0 = arith.constant 0 : i32
    return %arg0, %arg1, %c0_i32 : i32, i32, i32
  }
  func.func @transform_6(%arg0: i32, %arg1: i32) -> (i32, i32, i32) {
    %c0_i32 = arith.constant 0 : i32
    %c0_i32_0 = arith.constant 0 : i32
    return %arg0, %arg1, %c0_i32 : i32, i32, i32
  }
}

module attributes {stable_mosaic.version = 14 : i64} {
  func.func @_stats1_body(%arg0: i32, %arg1: memref<16x256x128xf32, #tpu.memory_space<vmem>>, %arg2: memref<256x128xf32, #tpu.memory_space<vmem>>, %arg3: memref<1x128xf32, #tpu.memory_space<vmem>>, %arg4: memref<1x128xf32, #tpu.memory_space<vmem>>) attributes {dimension_semantics = [#tpu.dimension_semantics<arbitrary>], iteration_bounds = array<i64: 16>, scalar_prefetch = 0 : i64, scratch_operands = 0 : i64, tpu.core_type = #tpu.core_type<tc>, window_params = [{transform_indices = @transform_0, window_bounds = array<i64: 16, 256, 128>}, {transform_indices = @transform_1, window_bounds = array<i64: 256, 128>}, {pipeline_mode = #tpu.pipeline_mode<synchronous>, transform_indices = @transform_2, window_bounds = array<i64: 1, 128>}, {pipeline_mode = #tpu.pipeline_mode<synchronous>, transform_indices = @transform_3, window_bounds = array<i64: 1, 128>}]} {
    %get3A = arith.constant 0 : index
    %get3A_0 = arith.constant 0 : index
    %get3A_1 = arith.constant 0 : index
    %get3A_2 = vector.load %arg1[%get3A, %get3A_0, %get3A_1] : memref<16x256x128xf32, #tpu.memory_space<vmem>>, vector<16x256x128xf32>
    %get3A_3 = arith.constant 0 : index
    %get3A_4 = arith.constant 0 : index
    %get3A_5 = vector.load %arg2[%get3A_3, %get3A_4] : memref<256x128xf32, #tpu.memory_space<vmem>>, vector<256x128xf32>
    %broadcast_in_dim3A = vector.shape_cast %get3A_5 : vector<256x128xf32> to vector<1x256x128xf32>
    %add3A = vector.broadcast %broadcast_in_dim3A : vector<1x256x128xf32> to vector<16x256x128xf32>
    %add3A_6 = arith.addf %get3A_2, %add3A : vector<16x256x128xf32>
    %reduce_sum3A = arith.constant dense<0.000000e+00> : vector<128xf32>
    %reduce_sum3A_7 = vector.multi_reduction <add>, %add3A_6, %reduce_sum3A [0, 1] : vector<16x256x128xf32> to vector<128xf32>
    %reshape3A = vector.shape_cast %reduce_sum3A_7 : vector<128xf32> to vector<1x128xf32>
    %mul3A = arith.mulf %add3A_6, %add3A_6 : vector<16x256x128xf32>
    %reduce_sum3A_8 = arith.constant dense<0.000000e+00> : vector<128xf32>
    %reduce_sum3A_9 = vector.multi_reduction <add>, %mul3A, %reduce_sum3A_8 [0, 1] : vector<16x256x128xf32> to vector<128xf32>
    %reshape3A_10 = vector.shape_cast %reduce_sum3A_9 : vector<128xf32> to vector<1x128xf32>
    %eq3A = arith.constant 0 : i32
    %eq3A_11 = arith.cmpi eq, %arg0, %eq3A : i32
    %convert_element_type3A = arith.extui %eq3A_11 : i1 to i32
    %cond3A = arith.constant 0 : i32
    %cond3A_12 = arith.cmpi ne, %convert_element_type3A, %cond3A : i32
    scf.if %cond3A_12 {
      %broadcast_in_dim3A_26 = arith.constant 0.000000e+00 : f32
      %broadcast_in_dim3A_27 = vector.broadcast %broadcast_in_dim3A_26 : f32 to vector<1x128xf32>
      %swap3A_28 = arith.constant 0 : index
      %swap3A_29 = arith.constant 0 : index
      %swap3A_30 = vector.load %arg3[%swap3A_28, %swap3A_29] : memref<1x128xf32, #tpu.memory_space<vmem>>, vector<1x128xf32>
      tpu.vector_store %arg3[%swap3A_28, %swap3A_29], %broadcast_in_dim3A_27 {strides = array<i32>} : memref<1x128xf32, #tpu.memory_space<vmem>>, vector<1x128xf32>,
      %broadcast_in_dim3A_31 = arith.constant 0.000000e+00 : f32
      %broadcast_in_dim3A_32 = vector.broadcast %broadcast_in_dim3A_31 : f32 to vector<1x128xf32>
      %swap3A_33 = arith.constant 0 : index
      %swap3A_34 = arith.constant 0 : index
      %swap3A_35 = vector.load %arg4[%swap3A_33, %swap3A_34] : memref<1x128xf32, #tpu.memory_space<vmem>>, vector<1x128xf32>
      tpu.vector_store %arg4[%swap3A_33, %swap3A_34], %broadcast_in_dim3A_32 {strides = array<i32>} : memref<1x128xf32, #tpu.memory_space<vmem>>, vector<1x128xf32>,
    } else {
    }
    %get3A_13 = arith.constant 0 : index
    %get3A_14 = arith.constant 0 : index
    %get3A_15 = vector.load %arg3[%get3A_13, %get3A_14] : memref<1x128xf32, #tpu.memory_space<vmem>>, vector<1x128xf32>
    %add3A_16 = arith.addf %get3A_15, %reshape3A : vector<1x128xf32>
    %swap3A = arith.constant 0 : index
    %swap3A_17 = arith.constant 0 : index
    %swap3A_18 = vector.load %arg3[%swap3A, %swap3A_17] : memref<1x128xf32, #tpu.memory_space<vmem>>, vector<1x128xf32>
    tpu.vector_store %arg3[%swap3A, %swap3A_17], %add3A_16 {strides = array<i32>} : memref<1x128xf32, #tpu.memory_space<vmem>>, vector<1x128xf32>,
    %get3A_19 = arith.constant 0 : index
    %get3A_20 = arith.constant 0 : index
    %get3A_21 = vector.load %arg4[%get3A_19, %get3A_20] : memref<1x128xf32, #tpu.memory_space<vmem>>, vector<1x128xf32>
    %add3A_22 = arith.addf %get3A_21, %reshape3A_10 : vector<1x128xf32>
    %swap3A_23 = arith.constant 0 : index
    %swap3A_24 = arith.constant 0 : index
    %swap3A_25 = vector.load %arg4[%swap3A_23, %swap3A_24] : memref<1x128xf32, #tpu.memory_space<vmem>>, vector<1x128xf32>
    tpu.vector_store %arg4[%swap3A_23, %swap3A_24], %add3A_22 {strides = array<i32>} : memref<1x128xf32, #tpu.memory_space<vmem>>, vector<1x128xf32>,
    return
  }
  func.func @transform_0(%arg0: i32) -> (i32, i32, i32) {
    %c0_i32 = arith.constant 0 : i32
    %c0_i32_0 = arith.constant 0 : i32
    %c0_i32_1 = arith.constant 0 : i32
    return %c0_i32, %arg0, %c0_i32_0 : i32, i32, i32
  }
  func.func @transform_1(%arg0: i32) -> (i32, i32) {
    %c0_i32 = arith.constant 0 : i32
    %c0_i32_0 = arith.constant 0 : i32
    return %arg0, %c0_i32 : i32, i32
  }
  func.func @transform_2(%arg0: i32) -> (i32, i32) {
    %c0_i32 = arith.constant 0 : i32
    %c0_i32_0 = arith.constant 0 : i32
    %c0_i32_1 = arith.constant 0 : i32
    return %c0_i32, %c0_i32_0 : i32, i32
  }
  func.func @transform_3(%arg0: i32) -> (i32, i32) {
    %c0_i32 = arith.constant 0 : i32
    %c0_i32_0 = arith.constant 0 : i32
    %c0_i32_1 = arith.constant 0 : i32
    return %c0_i32, %c0_i32_0 : i32, i32
  }
}

module attributes {stable_mosaic.version = 14 : i64} {
  func.func @_final_body(%arg0: i32, %arg1: memref<256x128xf32, #tpu.memory_space<vmem>>, %arg2: memref<256x128xf32, #tpu.memory_space<vmem>>, %arg3: memref<128x128xf32, #tpu.memory_space<vmem>>, %arg4: memref<1x128xf32, #tpu.memory_space<vmem>>, %arg5: memref<64x64xf32, #tpu.memory_space<vmem>>, %arg6: memref<1x64xf32, #tpu.memory_space<vmem>>, %arg7: memref<1x64xf32, #tpu.memory_space<vmem>>, %arg8: memref<256x128xf32, #tpu.memory_space<vmem>>) attributes {dimension_semantics = [#tpu.dimension_semantics<arbitrary>], iteration_bounds = array<i64: 16>, scalar_prefetch = 0 : i64, scratch_operands = 0 : i64, tpu.core_type = #tpu.core_type<tc>, window_params = [{transform_indices = @transform_0, window_bounds = array<i64: 256, 128>}, {transform_indices = @transform_1, window_bounds = array<i64: 256, 128>}, {pipeline_mode = #tpu.pipeline_mode<synchronous>, transform_indices = @transform_2, window_bounds = array<i64: 128, 128>}, {pipeline_mode = #tpu.pipeline_mode<synchronous>, transform_indices = @transform_3, window_bounds = array<i64: 1, 128>}, {pipeline_mode = #tpu.pipeline_mode<synchronous>, transform_indices = @transform_4, window_bounds = array<i64: 64, 64>}, {pipeline_mode = #tpu.pipeline_mode<synchronous>, transform_indices = @transform_5, window_bounds = array<i64: 1, 64>}, {pipeline_mode = #tpu.pipeline_mode<synchronous>, transform_indices = @transform_6, window_bounds = array<i64: 1, 64>}, {transform_indices = @transform_7, window_bounds = array<i64: 256, 128>}]} {
    %get3A = arith.constant 0 : index
    %get3A_0 = arith.constant 0 : index
    %get3A_1 = vector.load %arg5[%get3A, %get3A_0] : memref<64x64xf32, #tpu.memory_space<vmem>>, vector<64x64xf32>
    %get3A_2 = arith.constant 0 : index
    %get3A_3 = arith.constant 0 : index
    %get3A_4 = vector.load %arg3[%get3A_2, %get3A_3] : memref<128x128xf32, #tpu.memory_space<vmem>>, vector<128x128xf32>
    %slice3A = vector.extract_strided_slice %get3A_4 {offsets = [0, 0], sizes = [64, 64], strides = [1, 1]} : vector<128x128xf32> to vector<64x64xf32>
    %slice3A_5 = vector.extract_strided_slice %get3A_4 {offsets = [64, 64], sizes = [64, 64], strides = [1, 1]} : vector<128x128xf32> to vector<64x64xf32>
    %add3A = arith.addf %slice3A, %slice3A_5 : vector<64x64xf32>
    %get3A_6 = arith.constant 0 : index
    %get3A_7 = arith.constant 0 : index
    %get3A_8 = vector.load %arg4[%get3A_6, %get3A_7] : memref<1x128xf32, #tpu.memory_space<vmem>>, vector<1x128xf32>
    %slice3A_9 = vector.extract_strided_slice %get3A_8 {offsets = [0, 0], sizes = [1, 64], strides = [1, 1]} : vector<1x128xf32> to vector<1x64xf32>
    %get3A_10 = arith.constant 0 : index
    %get3A_11 = arith.constant 0 : index
    %get3A_12 = vector.load %arg4[%get3A_10, %get3A_11] : memref<1x128xf32, #tpu.memory_space<vmem>>, vector<1x128xf32>
    %slice3A_13 = vector.extract_strided_slice %get3A_12 {offsets = [0, 64], sizes = [1, 64], strides = [1, 1]} : vector<1x128xf32> to vector<1x64xf32>
    %add3A_14 = arith.addf %slice3A_9, %slice3A_13 : vector<1x64xf32>
    %div3A = arith.constant 1.310720e+05 : f32
    %div3A_15 = vector.broadcast %div3A : f32 to vector<1x64xf32>
    %div3A_16 = arith.divf %add3A_14, %div3A_15 : vector<1x64xf32>
    %dot_general3A = arith.constant dense<0.000000e+00> : vector<1x64xf32>
    %dot_general3A_17 = tpu.matmul %div3A_16, %get3A_1, %dot_general3A {dimension_numbers = #tpu.dot_dimension_numbers<[1], [0], [0], [1], [0, 0, 1, 1], [], []>, transpose_lhs_hint = false} : vector<1x64xf32>, vector<64x64xf32>, vector<1x64xf32> -> vector<1x64xf32>
    %dot_general3A_18 = arith.constant dense<0.000000e+00> : vector<64x64xf32>
    %dot_general3A_19 = tpu.matmul %add3A, %get3A_1, %dot_general3A_18 {dimension_numbers = #tpu.dot_dimension_numbers<[1], [0], [0], [1], [0, 0, 1, 1], [], []>, transpose_lhs_hint = false} : vector<64x64xf32>, vector<64x64xf32>, vector<64x64xf32> -> vector<64x64xf32>
    %mul3A = arith.mulf %get3A_1, %dot_general3A_19 : vector<64x64xf32>
    %reduce_sum3A = arith.constant dense<0.000000e+00> : vector<64xf32>
    %reduce_sum3A_20 = vector.multi_reduction <add>, %mul3A, %reduce_sum3A [0] : vector<64x64xf32> to vector<64xf32>
    %broadcast_in_dim3A = vector.shape_cast %reduce_sum3A_20 : vector<64xf32> to vector<1x64xf32>
    %div3A_21 = arith.constant 1.310720e+05 : f32
    %div3A_22 = vector.broadcast %div3A_21 : f32 to vector<1x64xf32>
    %div3A_23 = arith.divf %broadcast_in_dim3A, %div3A_22 : vector<1x64xf32>
    %mul3A_24 = arith.mulf %dot_general3A_17, %dot_general3A_17 : vector<1x64xf32>
    %sub3A = arith.subf %div3A_23, %mul3A_24 : vector<1x64xf32>
    %get3A_25 = arith.constant 0 : index
    %get3A_26 = arith.constant 0 : index
    %get3A_27 = vector.load %arg6[%get3A_25, %get3A_26] : memref<1x64xf32, #tpu.memory_space<vmem>>, vector<1x64xf32>
    %add3A_28 = arith.constant 9.99999974E-6 : f32
    %add3A_29 = vector.broadcast %add3A_28 : f32 to vector<1x64xf32>
    %add3A_30 = arith.addf %sub3A, %add3A_29 : vector<1x64xf32>
    %rsqrt3A = math.rsqrt %add3A_30 : vector<1x64xf32>
    %mul3A_31 = arith.mulf %rsqrt3A, %get3A_27 : vector<1x64xf32>
    %get3A_32 = arith.constant 0 : index
    %get3A_33 = arith.constant 0 : index
    %get3A_34 = vector.load %arg7[%get3A_32, %get3A_33] : memref<1x64xf32, #tpu.memory_space<vmem>>, vector<1x64xf32>
    %mul3A_35 = arith.mulf %dot_general3A_17, %mul3A_31 : vector<1x64xf32>
    %sub3A_36 = arith.subf %get3A_34, %mul3A_35 : vector<1x64xf32>
    %concatenate3A = tpu.concatenate %mul3A_31, %mul3A_31 in 1 : vector<1x64xf32>, vector<1x64xf32> -> vector<1x128xf32>
    %concatenate3A_37 = tpu.concatenate %sub3A_36, %sub3A_36 in 1 : vector<1x64xf32>, vector<1x64xf32> -> vector<1x128xf32>
    %concatenate3A_38 = tpu.concatenate %get3A_27, %get3A_27 in 1 : vector<1x64xf32>, vector<1x64xf32> -> vector<1x128xf32>
    %ge3A = arith.constant 0.000000e+00 : f32
    %ge3A_39 = vector.broadcast %ge3A : f32 to vector<1x128xf32>
    %ge3A_40 = arith.cmpf oge, %concatenate3A_38, %ge3A_39 : vector<1x128xf32>
    %get3A_41 = arith.constant 0 : index
    %get3A_42 = arith.constant 0 : index
    %get3A_43 = vector.load %arg1[%get3A_41, %get3A_42] : memref<256x128xf32, #tpu.memory_space<vmem>>, vector<256x128xf32>
    %get3A_44 = arith.constant 0 : index
    %get3A_45 = arith.constant 0 : index
    %get3A_46 = vector.load %arg2[%get3A_44, %get3A_45] : memref<256x128xf32, #tpu.memory_space<vmem>>, vector<256x128xf32>
    %broadcast_in_dim3A_47 = vector.shape_cast %ge3A_40 : vector<1x128xi1> to vector<1x128xi1>
    %broadcast_in_dim3A_48 = vector.broadcast %broadcast_in_dim3A_47 : vector<1x128xi1> to vector<256x128xi1>
    %select_n3A = arith.select %broadcast_in_dim3A_48, %get3A_43, %get3A_46 : vector<256x128xi1>, vector<256x128xf32>
    %mul3A_49 = vector.broadcast %concatenate3A : vector<1x128xf32> to vector<256x128xf32>
    %mul3A_50 = arith.mulf %select_n3A, %mul3A_49 : vector<256x128xf32>
    %add3A_51 = vector.broadcast %concatenate3A_37 : vector<1x128xf32> to vector<256x128xf32>
    %add3A_52 = arith.addf %mul3A_50, %add3A_51 : vector<256x128xf32>
    %ge3A_53 = arith.constant 0.000000e+00 : f32
    %ge3A_54 = vector.broadcast %ge3A_53 : f32 to vector<256x128xf32>
    %ge3A_55 = arith.cmpf oge, %add3A_52, %ge3A_54 : vector<256x128xf32>
    %mul3A_56 = arith.constant 2.000000e-01 : f32
    %mul3A_57 = vector.broadcast %mul3A_56 : f32 to vector<256x128xf32>
    %mul3A_58 = arith.mulf %mul3A_57, %add3A_52 : vector<256x128xf32>
    %select_n3A_59 = arith.select %ge3A_55, %add3A_52, %mul3A_58 : vector<256x128xi1>, vector<256x128xf32>
    %swap3A = arith.constant 0 : index
    %swap3A_60 = arith.constant 0 : index
    %swap3A_61 = vector.load %arg8[%swap3A, %swap3A_60] : memref<256x128xf32, #tpu.memory_space<vmem>>, vector<256x128xf32>
    tpu.vector_store %arg8[%swap3A, %swap3A_60], %select_n3A_59 {strides = array<i32>} : memref<256x128xf32, #tpu.memory_space<vmem>>, vector<256x128xf32>,
    return
  }
  func.func @transform_0(%arg0: i32) -> (i32, i32) {
    %c0_i32 = arith.constant 0 : i32
    %c0_i32_0 = arith.constant 0 : i32
    return %arg0, %c0_i32 : i32, i32
  }
  func.func @transform_1(%arg0: i32) -> (i32, i32) {
    %c0_i32 = arith.constant 0 : i32
    %c0_i32_0 = arith.constant 0 : i32
    return %arg0, %c0_i32 : i32, i32
  }
  func.func @transform_2(%arg0: i32) -> (i32, i32) {
    %c0_i32 = arith.constant 0 : i32
    %c0_i32_0 = arith.constant 0 : i32
    %c0_i32_1 = arith.constant 0 : i32
    return %c0_i32, %c0_i32_0 : i32, i32
  }
  func.func @transform_3(%arg0: i32) -> (i32, i32) {
    %c0_i32 = arith.constant 0 : i32
    %c0_i32_0 = arith.constant 0 : i32
    %c0_i32_1 = arith.constant 0 : i32
    return %c0_i32, %c0_i32_0 : i32, i32
  }
  func.func @transform_4(%arg0: i32) -> (i32, i32) {
    %c0_i32 = arith.constant 0 : i32
    %c0_i32_0 = arith.constant 0 : i32
    %c0_i32_1 = arith.constant 0 : i32
    return %c0_i32, %c0_i32_0 : i32, i32
  }
  func.func @transform_5(%arg0: i32) -> (i32, i32) {
    %c0_i32 = arith.constant 0 : i32
    %c0_i32_0 = arith.constant 0 : i32
    %c0_i32_1 = arith.constant 0 : i32
    return %c0_i32, %c0_i32_0 : i32, i32
  }
  func.func @transform_6(%arg0: i32) -> (i32, i32) {
    %c0_i32 = arith.constant 0 : i32
    %c0_i32_0 = arith.constant 0 : i32
    %c0_i32_1 = arith.constant 0 : i32
    return %c0_i32, %c0_i32_0 : i32, i32
  }
  func.func @transform_7(%arg0: i32) -> (i32, i32) {
    %c0_i32 = arith.constant 0 : i32
    %c0_i32_0 = arith.constant 0 : i32
    return %arg0, %c0_i32 : i32, i32
  }
}

module attributes {stable_mosaic.version = 14 : i64} {
  func.func @_main_body(%arg0: i32, %arg1: memref<16x256x128xf32, #tpu.memory_space<vmem>>, %arg2: memref<256x128xf32, #tpu.memory_space<vmem>>, %arg3: memref<1x128xf32, #tpu.memory_space<vmem>>, %arg4: memref<1x128xf32, #tpu.memory_space<vmem>>, %arg5: memref<1x64xf32, #tpu.memory_space<vmem>>, %arg6: memref<1x64xf32, #tpu.memory_space<vmem>>, %arg7: memref<128x128xf32, #tpu.memory_space<vmem>>, %arg8: memref<256x128xf32, #tpu.memory_space<vmem>>, %arg9: memref<256x128xf32, #tpu.memory_space<vmem>>, %arg10: memref<128x128xf32, #tpu.memory_space<vmem>>, %arg11: memref<1x128xf32, #tpu.memory_space<vmem>>) attributes {dimension_semantics = [#tpu.dimension_semantics<arbitrary>], iteration_bounds = array<i64: 16>, scalar_prefetch = 0 : i64, scratch_operands = 0 : i64, tpu.core_type = #tpu.core_type<tc>, window_params = [{transform_indices = @transform_0, window_bounds = array<i64: 16, 256, 128>}, {transform_indices = @transform_1, window_bounds = array<i64: 256, 128>}, {pipeline_mode = #tpu.pipeline_mode<synchronous>, transform_indices = @transform_2, window_bounds = array<i64: 1, 128>}, {pipeline_mode = #tpu.pipeline_mode<synchronous>, transform_indices = @transform_3, window_bounds = array<i64: 1, 128>}, {pipeline_mode = #tpu.pipeline_mode<synchronous>, transform_indices = @transform_4, window_bounds = array<i64: 1, 64>}, {pipeline_mode = #tpu.pipeline_mode<synchronous>, transform_indices = @transform_5, window_bounds = array<i64: 1, 64>}, {pipeline_mode = #tpu.pipeline_mode<synchronous>, transform_indices = @transform_6, window_bounds = array<i64: 128, 128>}, {transform_indices = @transform_7, window_bounds = array<i64: 256, 128>}, {transform_indices = @transform_8, window_bounds = array<i64: 256, 128>}, {pipeline_mode = #tpu.pipeline_mode<synchronous>, transform_indices = @transform_9, window_bounds = array<i64: 128, 128>}, {pipeline_mode = #tpu.pipeline_mode<synchronous>, transform_indices = @transform_10, window_bounds = array<i64: 1, 128>}]} {
    %get3A = arith.constant 0 : index
    %get3A_0 = arith.constant 0 : index
    %get3A_1 = vector.load %arg3[%get3A, %get3A_0] : memref<1x128xf32, #tpu.memory_space<vmem>>, vector<1x128xf32>
    %slice3A = vector.extract_strided_slice %get3A_1 {offsets = [0, 0], sizes = [1, 64], strides = [1, 1]} : vector<1x128xf32> to vector<1x64xf32>
    %get3A_2 = arith.constant 0 : index
    %get3A_3 = arith.constant 0 : index
    %get3A_4 = vector.load %arg3[%get3A_2, %get3A_3] : memref<1x128xf32, #tpu.memory_space<vmem>>, vector<1x128xf32>
    %slice3A_5 = vector.extract_strided_slice %get3A_4 {offsets = [0, 64], sizes = [1, 64], strides = [1, 1]} : vector<1x128xf32> to vector<1x64xf32>
    %add3A = arith.addf %slice3A, %slice3A_5 : vector<1x64xf32>
    %get3A_6 = arith.constant 0 : index
    %get3A_7 = arith.constant 0 : index
    %get3A_8 = vector.load %arg4[%get3A_6, %get3A_7] : memref<1x128xf32, #tpu.memory_space<vmem>>, vector<1x128xf32>
    %slice3A_9 = vector.extract_strided_slice %get3A_8 {offsets = [0, 0], sizes = [1, 64], strides = [1, 1]} : vector<1x128xf32> to vector<1x64xf32>
    %get3A_10 = arith.constant 0 : index
    %get3A_11 = arith.constant 0 : index
    %get3A_12 = vector.load %arg4[%get3A_10, %get3A_11] : memref<1x128xf32, #tpu.memory_space<vmem>>, vector<1x128xf32>
    %slice3A_13 = vector.extract_strided_slice %get3A_12 {offsets = [0, 64], sizes = [1, 64], strides = [1, 1]} : vector<1x128xf32> to vector<1x64xf32>
    %add3A_14 = arith.addf %slice3A_9, %slice3A_13 : vector<1x64xf32>
    %div3A = arith.constant 1.310720e+05 : f32
    %div3A_15 = vector.broadcast %div3A : f32 to vector<1x64xf32>
    %div3A_16 = arith.divf %add3A, %div3A_15 : vector<1x64xf32>
    %div3A_17 = arith.constant 1.310720e+05 : f32
    %div3A_18 = vector.broadcast %div3A_17 : f32 to vector<1x64xf32>
    %div3A_19 = arith.divf %add3A_14, %div3A_18 : vector<1x64xf32>
    %mul3A = arith.mulf %div3A_16, %div3A_16 : vector<1x64xf32>
    %sub3A = arith.subf %div3A_19, %mul3A : vector<1x64xf32>
    %add3A_20 = arith.constant 9.99999974E-6 : f32
    %add3A_21 = vector.broadcast %add3A_20 : f32 to vector<1x64xf32>
    %add3A_22 = arith.addf %sub3A, %add3A_21 : vector<1x64xf32>
    %rsqrt3A = math.rsqrt %add3A_22 : vector<1x64xf32>
    %get3A_23 = arith.constant 0 : index
    %get3A_24 = arith.constant 0 : index
    %get3A_25 = vector.load %arg5[%get3A_23, %get3A_24] : memref<1x64xf32, #tpu.memory_space<vmem>>, vector<1x64xf32>
    %mul3A_26 = arith.mulf %rsqrt3A, %get3A_25 : vector<1x64xf32>
    %get3A_27 = arith.constant 0 : index
    %get3A_28 = arith.constant 0 : index
    %get3A_29 = vector.load %arg6[%get3A_27, %get3A_28] : memref<1x64xf32, #tpu.memory_space<vmem>>, vector<1x64xf32>
    %mul3A_30 = arith.mulf %div3A_16, %mul3A_26 : vector<1x64xf32>
    %sub3A_31 = arith.subf %get3A_29, %mul3A_30 : vector<1x64xf32>
    %concatenate3A = tpu.concatenate %mul3A_26, %mul3A_26 in 1 : vector<1x64xf32>, vector<1x64xf32> -> vector<1x128xf32>
    %concatenate3A_32 = tpu.concatenate %sub3A_31, %sub3A_31 in 1 : vector<1x64xf32>, vector<1x64xf32> -> vector<1x128xf32>
    %get3A_33 = arith.constant 0 : index
    %get3A_34 = arith.constant 0 : index
    %get3A_35 = arith.constant 0 : index
    %get3A_36 = vector.load %arg1[%get3A_33, %get3A_34, %get3A_35] : memref<16x256x128xf32, #tpu.memory_space<vmem>>, vector<16x256x128xf32>
    %get3A_37 = arith.constant 0 : index
    %get3A_38 = arith.constant 0 : index
    %get3A_39 = vector.load %arg2[%get3A_37, %get3A_38] : memref<256x128xf32, #tpu.memory_space<vmem>>, vector<256x128xf32>
    %broadcast_in_dim3A = vector.shape_cast %get3A_39 : vector<256x128xf32> to vector<1x256x128xf32>
    %add3A_40 = vector.broadcast %broadcast_in_dim3A : vector<1x256x128xf32> to vector<16x256x128xf32>
    %add3A_41 = arith.addf %get3A_36, %add3A_40 : vector<16x256x128xf32>
    %broadcast_in_dim3A_42 = vector.shape_cast %concatenate3A : vector<1x128xf32> to vector<1x1x128xf32>
    %mul3A_43 = vector.broadcast %broadcast_in_dim3A_42 : vector<1x1x128xf32> to vector<16x256x128xf32>
    %mul3A_44 = arith.mulf %add3A_41, %mul3A_43 : vector<16x256x128xf32>
    %broadcast_in_dim3A_45 = vector.shape_cast %concatenate3A_32 : vector<1x128xf32> to vector<1x1x128xf32>
    %add3A_46 = vector.broadcast %broadcast_in_dim3A_45 : vector<1x1x128xf32> to vector<16x256x128xf32>
    %add3A_47 = arith.addf %mul3A_44, %add3A_46 : vector<16x256x128xf32>
    %ge3A = arith.constant 0.000000e+00 : f32
    %ge3A_48 = vector.broadcast %ge3A : f32 to vector<16x256x128xf32>
    %ge3A_49 = arith.cmpf oge, %add3A_47, %ge3A_48 : vector<16x256x128xf32>
    %mul3A_50 = arith.constant 2.000000e-01 : f32
    %mul3A_51 = vector.broadcast %mul3A_50 : f32 to vector<16x256x128xf32>
    %mul3A_52 = arith.mulf %mul3A_51, %add3A_47 : vector<16x256x128xf32>
    %select_n3A = arith.select %ge3A_49, %add3A_47, %mul3A_52 : vector<16x256x128xi1>, vector<16x256x128xf32>
    %reshape3A = vector.shape_cast %select_n3A : vector<16x256x128xf32> to vector<4096x128xf32>
    %get3A_53 = arith.constant 0 : index
    %get3A_54 = arith.constant 0 : index
    %get3A_55 = vector.load %arg7[%get3A_53, %get3A_54] : memref<128x128xf32, #tpu.memory_space<vmem>>, vector<128x128xf32>
    %dot_general3A = arith.constant dense<0.000000e+00> : vector<4096x128xf32>
    %dot_general3A_56 = tpu.matmul %reshape3A, %get3A_55, %dot_general3A {dimension_numbers = #tpu.dot_dimension_numbers<[1], [0], [0], [1], [0, 0, 1, 1], [], []>, transpose_lhs_hint = false} : vector<4096x128xf32>, vector<128x128xf32>, vector<4096x128xf32> -> vector<4096x128xf32>
    %reshape3A_57 = vector.shape_cast %dot_general3A_56 : vector<4096x128xf32> to vector<16x256x128xf32>
    %reduce_max3A = arith.constant dense<0xFF800000> : vector<256x128xf32>
    %reduce_max3A_58 = vector.multi_reduction <maximumf>, %reshape3A_57, %reduce_max3A [0] : vector<16x256x128xf32> to vector<256x128xf32>
    %swap3A = arith.constant 0 : index
    %swap3A_59 = arith.constant 0 : index
    %swap3A_60 = vector.load %arg8[%swap3A, %swap3A_59] : memref<256x128xf32, #tpu.memory_space<vmem>>, vector<256x128xf32>
    tpu.vector_store %arg8[%swap3A, %swap3A_59], %reduce_max3A_58 {strides = array<i32>} : memref<256x128xf32, #tpu.memory_space<vmem>>, vector<256x128xf32>,
    %reduce_min3A = arith.constant dense<0x7F800000> : vector<256x128xf32>
    %reduce_min3A_61 = vector.multi_reduction <minimumf>, %reshape3A_57, %reduce_min3A [0] : vector<16x256x128xf32> to vector<256x128xf32>
    %swap3A_62 = arith.constant 0 : index
    %swap3A_63 = arith.constant 0 : index
    %swap3A_64 = vector.load %arg9[%swap3A_62, %swap3A_63] : memref<256x128xf32, #tpu.memory_space<vmem>>, vector<256x128xf32>
    tpu.vector_store %arg9[%swap3A_62, %swap3A_63], %reduce_min3A_61 {strides = array<i32>} : memref<256x128xf32, #tpu.memory_space<vmem>>, vector<256x128xf32>,
    %eq3A = arith.constant 0 : i32
    %eq3A_65 = arith.cmpi eq, %arg0, %eq3A : i32
    %convert_element_type3A = arith.extui %eq3A_65 : i1 to i32
    %cond3A = arith.constant 0 : i32
    %cond3A_66 = arith.cmpi ne, %convert_element_type3A, %cond3A : i32
    scf.if %cond3A_66 {
      %broadcast_in_dim3A_85 = arith.constant 0.000000e+00 : f32
      %broadcast_in_dim3A_86 = vector.broadcast %broadcast_in_dim3A_85 : f32 to vector<128x128xf32>
      %swap3A_87 = arith.constant 0 : index
      %swap3A_88 = arith.constant 0 : index
      %swap3A_89 = vector.load %arg10[%swap3A_87, %swap3A_88] : memref<128x128xf32, #tpu.memory_space<vmem>>, vector<128x128xf32>
      tpu.vector_store %arg10[%swap3A_87, %swap3A_88], %broadcast_in_dim3A_86 {strides = array<i32>} : memref<128x128xf32, #tpu.memory_space<vmem>>, vector<128x128xf32>,
      %broadcast_in_dim3A_90 = arith.constant 0.000000e+00 : f32
      %broadcast_in_dim3A_91 = vector.broadcast %broadcast_in_dim3A_90 : f32 to vector<1x128xf32>
      %swap3A_92 = arith.constant 0 : index
      %swap3A_93 = arith.constant 0 : index
      %swap3A_94 = vector.load %arg11[%swap3A_92, %swap3A_93] : memref<1x128xf32, #tpu.memory_space<vmem>>, vector<1x128xf32>
      tpu.vector_store %arg11[%swap3A_92, %swap3A_93], %broadcast_in_dim3A_91 {strides = array<i32>} : memref<1x128xf32, #tpu.memory_space<vmem>>, vector<1x128xf32>,
    } else {
    }
    %get3A_67 = arith.constant 0 : index
    %get3A_68 = arith.constant 0 : index
    %get3A_69 = vector.load %arg10[%get3A_67, %get3A_68] : memref<128x128xf32, #tpu.memory_space<vmem>>, vector<128x128xf32>
    %dot_general3A_70 = arith.constant dense<0.000000e+00> : vector<128x128xf32>
    %dot_general3A_71 = tpu.matmul %reshape3A, %reshape3A, %dot_general3A_70 {dimension_numbers = #tpu.dot_dimension_numbers<[0], [0], [1], [1], [0, 1, 1, 1], [], []>, transpose_lhs_hint = false} : vector<4096x128xf32>, vector<4096x128xf32>, vector<128x128xf32> -> vector<128x128xf32>
    %add3A_72 = arith.addf %get3A_69, %dot_general3A_71 : vector<128x128xf32>
    %swap3A_73 = arith.constant 0 : index
    %swap3A_74 = arith.constant 0 : index
    %swap3A_75 = vector.load %arg10[%swap3A_73, %swap3A_74] : memref<128x128xf32, #tpu.memory_space<vmem>>, vector<128x128xf32>
    tpu.vector_store %arg10[%swap3A_73, %swap3A_74], %add3A_72 {strides = array<i32>} : memref<128x128xf32, #tpu.memory_space<vmem>>, vector<128x128xf32>,
    %get3A_76 = arith.constant 0 : index
    %get3A_77 = arith.constant 0 : index
    %get3A_78 = vector.load %arg11[%get3A_76, %get3A_77] : memref<1x128xf32, #tpu.memory_space<vmem>>, vector<1x128xf32>
    %reduce_sum3A = arith.constant dense<0.000000e+00> : vector<128xf32>
    %reduce_sum3A_79 = vector.multi_reduction <add>, %reshape3A, %reduce_sum3A [0] : vector<4096x128xf32> to vector<128xf32>
    %broadcast_in_dim3A_80 = vector.shape_cast %reduce_sum3A_79 : vector<128xf32> to vector<1x128xf32>
    %add3A_81 = arith.addf %get3A_78, %broadcast_in_dim3A_80 : vector<1x128xf32>
    %swap3A_82 = arith.constant 0 : index
    %swap3A_83 = arith.constant 0 : index
    %swap3A_84 = vector.load %arg11[%swap3A_82, %swap3A_83] : memref<1x128xf32, #tpu.memory_space<vmem>>, vector<1x128xf32>
    tpu.vector_store %arg11[%swap3A_82, %swap3A_83], %add3A_81 {strides = array<i32>} : memref<1x128xf32, #tpu.memory_space<vmem>>, vector<1x128xf32>,
    return
  }
  func.func @transform_0(%arg0: i32) -> (i32, i32, i32) {
    %c0_i32 = arith.constant 0 : i32
    %c0_i32_0 = arith.constant 0 : i32
    %c0_i32_1 = arith.constant 0 : i32
    return %c0_i32, %arg0, %c0_i32_0 : i32, i32, i32
  }
  func.func @transform_1(%arg0: i32) -> (i32, i32) {
    %c0_i32 = arith.constant 0 : i32
    %c0_i32_0 = arith.constant 0 : i32
    return %arg0, %c0_i32 : i32, i32
  }
  func.func @transform_2(%arg0: i32) -> (i32, i32) {
    %c0_i32 = arith.constant 0 : i32
    %c0_i32_0 = arith.constant 0 : i32
    %c0_i32_1 = arith.constant 0 : i32
    return %c0_i32, %c0_i32_0 : i32, i32
  }
  func.func @transform_3(%arg0: i32) -> (i32, i32) {
    %c0_i32 = arith.constant 0 : i32
    %c0_i32_0 = arith.constant 0 : i32
    %c0_i32_1 = arith.constant 0 : i32
    return %c0_i32, %c0_i32_0 : i32, i32
  }
  func.func @transform_4(%arg0: i32) -> (i32, i32) {
    %c0_i32 = arith.constant 0 : i32
    %c0_i32_0 = arith.constant 0 : i32
    %c0_i32_1 = arith.constant 0 : i32
    return %c0_i32, %c0_i32_0 : i32, i32
  }
  func.func @transform_5(%arg0: i32) -> (i32, i32) {
    %c0_i32 = arith.constant 0 : i32
    %c0_i32_0 = arith.constant 0 : i32
    %c0_i32_1 = arith.constant 0 : i32
    return %c0_i32, %c0_i32_0 : i32, i32
  }
  func.func @transform_6(%arg0: i32) -> (i32, i32) {
    %c0_i32 = arith.constant 0 : i32
    %c0_i32_0 = arith.constant 0 : i32
    %c0_i32_1 = arith.constant 0 : i32
    return %c0_i32, %c0_i32_0 : i32, i32
  }
  func.func @transform_7(%arg0: i32) -> (i32, i32) {
    %c0_i32 = arith.constant 0 : i32
    %c0_i32_0 = arith.constant 0 : i32
    return %arg0, %c0_i32 : i32, i32
  }
  func.func @transform_8(%arg0: i32) -> (i32, i32) {
    %c0_i32 = arith.constant 0 : i32
    %c0_i32_0 = arith.constant 0 : i32
    return %arg0, %c0_i32 : i32, i32
  }
  func.func @transform_9(%arg0: i32) -> (i32, i32) {
    %c0_i32 = arith.constant 0 : i32
    %c0_i32_0 = arith.constant 0 : i32
    %c0_i32_1 = arith.constant 0 : i32
    return %c0_i32, %c0_i32_0 : i32, i32
  }
  func.func @transform_10(%arg0: i32) -> (i32, i32) {
    %c0_i32 = arith.constant 0 : i32
    %c0_i32_0 = arith.constant 0 : i32
    %c0_i32_1 = arith.constant 0 : i32
    return %c0_i32, %c0_i32_0 : i32, i32
  }
}

</mosaic_0001>

<sc_bundles>
// kernel: kernel.7.cloned.1.call-start
scs
__scs_entry_jumppad:
0x0: {  	(pc) =	sbr.rel $0x88, $3  }
0x1: {  	(tag) =	ssettag $0x0;
	lr =	simm.s32 $0x1  }
0x2: {  	[smem:$0x3F9A] =	sst lr;
	_ =	strace $0xD0000000  }
0x3: {  	_ = 	snop  }
0x4: {  	_ = 	snop  }
0x5: {  	_ = 	snop  }
0x6: {  	_ = 	snop  }
0x7: {  	_ = 	snop  }
__scs_overlays_trampoline_lowered:
0x8: {  	[smem:$0x3FA9] =	sst s0  }
0x9: {  	[smem:$0x3FAA] =	sst s1  }
0xa: {  	[smem:$0x3FAB] =	sst s2  }
0xb: {  	[smem:$0x3FAC] =	sst s3  }
0xc: {  	[smem:$0x3FAD] =	sst s4  }
0xd: {  	[smem:$0x3FAE] =	sst s5  }
0xe: {  	[smem:$0x3FAF] =	sst s6  }
0xf: {  	[smem:$0x3FB0] =	sst s7  }
0x10: {  	[smem:$0x3FB1] =	sst s8  }
0x11: {  	[smem:$0x3FB2] =	sst s9;
	s0 =	simm.s32 @!p0 $0x0  }
0x12: {  	s1 =	sld [smem:$0x3F98];
	s0 =	simm.s32 @p0 $0x1  }
0x13: {  	[smem:$0x3FB3] =	sst s0;
	s0 =	simm.s32 @!p1 $0x0  }
0x14: {  	s2 =	sld [smem:$0x3F97];
	s0 =	simm.s32 @p1 $0x1  }
0x15: {  	[smem:$0x3FB4] =	sst s0;
	s0 =	simm.s32 @!p2 $0x0  }
0x16: {  	s3 =	sld [smem:$0x3FDB];
	s0 =	simm.s32 @p2 $0x1  }
0x17: {  	s4 =	simm.s32 $0x1BF5;
	[smem:$0x3FB6] =	sst s0  }
0x18: {  	s0 =	sld [smem:$0x3F99];
	_ =	swait.ge [sflag:s4], $0x0  }
0x19: {  	s7 =	sld [smem:$0x3F9A]  }
0x1a: {  	s8 =	sadd.s32 $0xFFFFE003, lr  }
0x1b: {  	s9 =	sadd.s32 $0xFFFFFEF7, lr;
	s5 =	simm.s32 $0xFFFFFFFF;
	p2 =	slt.u32 s8, $0xFFFFF086  }
0x1c: {  	p1 =	slt.u32 s9, $0xF7A;
	s5 =	simm.s32 @!p2 $0x0  }
0x1d: {  	s5 =	simm.s32 @p1 $0x1;
	p0 =	seq.s32 s7, s2  }
0x1e: {  	s7 =	smul.u32 @!p0 $0xF7A, s2;
	p2 =	seq.s32 @!p0 s5, $0x0  }
0x1f: {  	s9 =	smul.u32 $0xF7A, s1;
	s8 =	simm.s32 @!p0 $0x1BF5;
	p2 =	por !p2, p0  }
0x20: {  	[sflag:s8] =	ssyncset.s32 @!p0 $0xFFFFF086;
	s6 =	sadd.s32 @!p0 s3, s7;
	s7 =	simm.s32 @!p0 $0x108  }
0x21: {  	s3 =	sadd.s32 s3, s9;
	s6 =	sadd.s32 @!p0 $0x88, s6;
	s7 =	simm.s32 @p2 $0x1082  }
0x22: {  	[simem:s7], [sflag:s8] =	dma.local @!p0 [hbm:s6], $0xF7A  }
0x23: {  	s9 =	sor.u32 $0xD0000000, s2;
	s6 =	simm.s32 $0x108;
	_ =	swait.ge @!p0 [sflag:s8], $0x0  }
0x24: {  	s3 =	sadd.s32 $0x88, s3;
	s6 =	simm.s32 @!p1 $0x1082;
	[sflag:s4] =	ssyncset.s32 $0xFFFFF086  }
0x25: {  	[simem:s6], [sflag:s4] =	dma.local [hbm:s3], $0xF7A  }
0x26: {  	[smem:$0x3F9A] =	sst s1;
	(tag) =	ssettag s2;
	_ =	strace s9  }
0x27: {  	s1 =	sld [smem:$0x3FAA]  }
0x28: {  	s2 =	sld [smem:$0x3FAB]  }
0x29: {  	s4 =	sld [smem:$0x3FAD]  }
0x2a: {  	p0 =	seq.s32 s5, $0x0;
	s5 =	sld [smem:$0x3FAE]  }
0x2b: {  	s6 =	sld [smem:$0x3FAF]  }
0x2c: {  	s7 =	sld [smem:$0x3FB0]  }
0x2d: {  	s3 =	simm.s32 $0x108;
	s8 =	sld [smem:$0x3FB1]  }
0x2e: {  	s3 =	simm.s32 @!p0 $0x1082;
	s9 =	sld [smem:$0x3FB2]  }
0x2f: {  	lr =	sadd.s32 s0, s3;
	s0 =	sld [smem:$0x3FA9]  }
0x30: {  	s3 =	sld [smem:$0x3FAC]  }
0x31: {  	[smem:$0x3FB5] =	sst s10  }
0x32: {  	s10 =	sld [smem:$0x3FB3];
	_ =	sdelay $0x3  }
0x33: {  	p0 =	seq.s32 s10, $0x1;
	s10 =	sld [smem:$0x3FB5];
	_ =	sdelay $0x3  }
0x34: {  	[smem:$0x3FB5] =	sst s10  }
0x35: {  	s10 =	sld [smem:$0x3FB4];
	_ =	sdelay $0x3  }
0x36: {  	p1 =	seq.s32 s10, $0x1;
	s10 =	sld [smem:$0x3FB5];
	_ =	sdelay $0x3  }
0x37: {  	[smem:$0x3FB5] =	sst s10  }
0x38: {  	s10 =	sld [smem:$0x3FB6]  }
0x39: {  	_ = 	snop;
	(pc) =	sbr.ind lr, $3  }
0x3a: {  	_ = 	snop  }
0x3b: {  	_ = 	snop  }
0x3c: {  	p2 =	seq.s32 s10, $0x1;
	s10 =	sld [smem:$0x3FB5]  }
0x3d: {  	_ =	shalt  }
0x3e: {  	_ =	shalt  }
0x3f: {  	_ =	shalt  }
0x40: {  	_ =	shalt  }
0x41: {  	_ =	shalt  }
0x42: {  	_ =	shalt  }
0x43: {  	_ =	shalt  }
0x44: {  	_ =	shalt  }
0x45: {  	_ =	shalt  }
0x46: {  	_ =	shalt  }
0x47: {  	_ =	shalt  }
0x48: {  	_ =	shalt  }
0x49: {  	_ =	shalt  }
0x4a: {  	_ =	shalt  }
0x4b: {  	_ =	shalt  }
0x4c: {  	_ =	shalt  }
0x4d: {  	_ =	shalt  }
0x4e: {  	_ =	shalt  }
0x4f: {  	_ =	shalt  }
0x50: {  	_ =	shalt  }
0x51: {  	_ =	shalt  }
0x52: {  	_ =	shalt  }
0x53: {  	_ =	shalt  }
0x54: {  	_ =	shalt  }
0x55: {  	_ =	shalt  }
0x56: {  	_ =	shalt  }
0x57: {  	_ =	shalt  }
0x58: {  	_ =	shalt  }
0x59: {  	_ =	shalt  }
0x5a: {  	_ =	shalt  }
0x5b: {  	_ =	shalt  }
0x5c: {  	_ =	shalt  }
0x5d: {  	_ =	shalt  }
0x5e: {  	_ =	shalt  }
0x5f: {  	_ =	shalt  }
0x60: {  	_ =	shalt  }
0x61: {  	_ =	shalt  }
0x62: {  	_ =	shalt  }
0x63: {  	_ =	shalt  }
0x64: {  	_ =	shalt  }
0x65: {  	_ =	shalt  }
0x66: {  	_ =	shalt  }
0x67: {  	_ =	shalt  }
0x68: {  	_ =	shalt  }
0x69: {  	_ =	shalt  }
0x6a: {  	_ =	shalt  }
0x6b: {  	_ =	shalt  }
0x6c: {  	_ =	shalt  }
0x6d: {  	_ =	shalt  }
0x6e: {  	_ =	shalt  }
0x6f: {  	_ =	shalt  }
0x70: {  	_ =	shalt  }
0x71: {  	_ =	shalt  }
0x72: {  	_ =	shalt  }
0x73: {  	_ =	shalt  }
0x74: {  	_ =	shalt  }
0x75: {  	_ =	shalt  }
0x76: {  	_ =	shalt  }
0x77: {  	_ =	shalt  }
0x78: {  	_ =	shalt  }
0x79: {  	_ =	shalt  }
0x7a: {  	_ =	shalt  }
0x7b: {  	_ =	shalt  }
0x7c: {  	_ =	shalt  }
0x7d: {  	_ =	shalt  }
0x7e: {  	_ =	shalt  }
0x7f: {  	_ =	shalt  }
0x80: {  	_ =	shalt  }
0x81: {  	_ =	shalt  }
0x82: {  	_ =	shalt  }
0x83: {  	_ =	shalt  }
0x84: {  	_ =	shalt  }
0x85: {  	_ =	shalt  }
0x86: {  	_ =	shalt  }
0x87: {  	_ =	shalt  }
.Lfunc_end0:
.L_simem_size_0:
called_computation_lowered:
.L_overlay_start_0:
0x88: {  	s2 =	sld [smem:$0x3FD9]  }
0x89: {  	s3 =	sld [smem:$0x3FFE];
	_ =	sdelay $0x1  }
0x8a: {  	s1 =	srdreg.scid  }
0x8b: {  	s0 =	sand.u32 $0x1, s1  }
0x8c: {  	s17 =	sshll.u32 s0, $0xA;
	s2 =	sadd.s32 s3, s2  }
0x8d: {  	s2 =	sadd.s32 s2, s17  }
0x8e: {  	[smem:$0x3FC1] =	sst s2  }
0x8f: {  	_ = 	snop  }
0x90: {  	s2 =	sld [smem:$0x3FD0];
	(tm) =	ssettm $0x1  }
0x91: {  	s18 =	sld [smem:$0x3FFB];
	_ =	sdelay $0x3  }
0x92: {  	_ =	strace s18  }
0x93: {  	s3 =	sld [smem:$0x3FFC];
	_ =	sdelay $0x3  }
0x94: {  	_ =	strace s3  }
0x95: {  	s3 =	sld [smem:$0x3FFD];
	_ =	sdelay $0x3  }
0x96: {  	_ =	strace s3  }
0x97: {  	_ =	strace $0x8FFFFFFF  }
0x98: {  	s19 =	sld [smem:$0x3FDB];
	_ =	sdelay $0x1  }
0x99: {  	s4 =	simm.s32 $_scs_section_size  }
0x9a: {  	s5 =	simm.s32 $_size__tile_overlayer_lowered;
	s6 =	simm.s32 $_tile_overlayer_lowered  }
0x9b: {  	s22 =	simm.s32 $0x1BFF;
	s21 =	sshll.u32 s6, $0x1;
	s3 =	sadd.s32 s4, s19  }
0x9c: {  	s7 =	simm.s32 $0x0;
	s20 =	sshll.u32 s5, $0x1;
	s5 =	sadd.s32 s21, s3  }
0x9d: {  	[timem:s7], [sflag:s22] =	dma.local [hbm:s5], s20  }
0x9e: {  	_ =	swait.ge [sflag:s22], s20  }
0x9f: {  	s4 =	ssub.s32 $0x0, s20;
	[sflag:s22] =	ssyncset.done $0x0  }
0xa0: {  	[sflag:s22] =	ssyncadd.s32 s4;
	_ =	sdelay $0x1  }
0xa1: {  	s23 =	simm.s32 $0x1B8B  }
0xa2: {  	_ =	swait.ge [sflag:s23], $0x1  }
0xa3: {  	[sflag:s23] =	ssyncset.done $0x0  }
0xa4: {  	s25 =	simm.s32 $0x1B8E;
	s24 =	sld [smem:$0x3FFE];
	[sflag:s23] =	ssyncadd.s32 $0xFFFFFFFF  }
0xa5: {  	s26 =	simm.s32 $execute0_lowered;
	[smem:$0x3FD2] =	sst s25  }
0xa6: {  	s5 =	sshll.u32 s26, $0x1;
	_ =	strace $0x80000046;
	[dreg:$0x1] =	wrdreg $0xFFFFFFFF  }
0xa7: {  	s28 =	simm.s32 $_size_execute0_lowered;
	s3 =	sadd.s32 s3, s5;
	[dreg:$0x0] =	wrdreg $0x0  }
0xa8: {  	s5 =	sshll.u32 s28, $0x1;
	[dreg:$0x2] =	wrdreg s3  }
0xa9: {  	[dreg:$0x3] =	wrdreg s5  }
0xaa: {  	[dreg:$0x4] =	wrdreg $0xC0  }
0xab: {  	_ =	task [dreg:s7], $0x5FFFF  }
0xac: {  	[dreg:$0x1] =	wrdreg $0xFFFFFFFF  }
0xad: {  	[dreg:$0x0] =	wrdreg $0x60  }
0xae: {  	[dreg:$0x2] =	wrdreg s24  }
0xaf: {  	[dreg:$0x3] =	wrdreg s2  }
0xb0: {  	[dreg:$0x4] =	wrdreg $0x9  }
0xb1: {  	_ =	task.clear_ibuf [dreg:s7], $0x5FFFF;
	_ =	strace $0x90000046  }
0xb2: {  	s29 =	simm.s32 $0x9;
	_ =	strace $0x80000048  }
0xb3: {  	_ =	swait.ge [sflag:s29], $0x1  }
0xb4: {  	[sflag:s29] =	ssyncadd.s32 $0xFFFFFFFF  }
0xb5: {  	_ =	strace $0x90000048  }
0xb6: {  	_ =	sfence  }
0xb7: {  	s30 =	sld [smem:$0x0];
	_ =	sdelay $0x2  }
0xb8: {  	s31 =	sshll.u32 s1, $0xD;
	s1 =	sshrl.u32 s1, $0x2  }
0xb9: {  	s3 =	sand.u32 $0x4000, s31;
	s1 =	sadd.s32 s1, s30  }
0xba: {  	s0 =	sor.u32 s3, s0;
	s1 =	sshll.u32 s1, $0x11  }
0xbb: {  	s0 =	sor.u32 s1, s0  }
0xbc: {  	s0 =	sadd.s32 $0x8F2B, s0  }
0xbd: {  	[sflag:s0] =	ssyncadd.remote.s32 $0x1  }
0xbe: {  	_ =	sfence.sel $0xFFFF  }
0xbf: {  	[dreg:$0x0] =	wrdreg $0xFFFFFFFF;
	(pc) =	sbr.abs _section_cstart, $3  }
0xc0: {  	[dreg:$0x1] =	wrdreg $0xFFFFFFFF  }
0xc1: {  	_ =	task.clear_ibuf [dreg:s7], $0x2FFFF;
	_ =	strace $0x9FFFFFFF  }
0xc2: {  	(tm) =	ssettm $0x7FFFFFFF  }
0xc3: {  	_ =	shalt  }
tec
execute0_lowered:
.L_overlay_start_1:
0x0: {  	(tag) =	ssettag $0x1  }
0x1: {  	s0 =	srdreg.scid  }
0x2: {  	s1 =	rddreg [dreg:$0x0];
	s17 =	stileid.u32  }
0x3: {  	s3 =	rddreg [dreg:$0x1];
	s2 =	simm.s32 $0x0;
	s6 =	simm.s32 $0x100  }
0x4: {  	s7 =	simm.s32 $0x180;
	s8 =	simm.s32 $0x200;
	s31 =	simm.s32 $0x5  }
0x5: {  	s9 =	simm.s32 $0x280;
	s10 =	simm.s32 $0x300;
	s11 =	simm.s32 $0x380  }
0x6: {  	s14 =	simm.s32 $0x3000;
	s12 =	simm.s32 $0x400;
	[smem:$0x7FF] =	sst s2  }
0x7: {  	s15 =	simm.s32 $0x5000;
	_ =	strace $0x80000047;
	[dreg:$0xc] =	wrdreg s6  }
0x8: {  	s13 =	simm.s32 $0x480;
	s16 =	simm.s32 $0x7000;
	[dreg:$0xd] =	wrdreg s7  }
0x9: {  	s18 =	simm.s32 $0x500;
	s19 =	simm.s32 $0x580;
	[dreg:$0xe] =	wrdreg s8  }
0xa: {  	s28 =	simm.s32 $0xA80;
	s29 =	simm.s32 $0xB00;
	[dreg:$0xf] =	wrdreg s9  }
0xb: {  	s30 =	simm.s32 $0xB80;
	p0 =	por $0x0, $0x0;
	[dreg:$0x10] =	wrdreg s10  }
0xc: {  	s0 =	sand.u32 $0x1, s0;
	s4 =	sshll.u32 s17, $0xD;
	[dreg:$0x11] =	wrdreg s11  }
0xd: {  	s5 =	sshll.u32 s0, $0xC;
	s0 =	ssub.s32 $0x2, s0;
	[dreg:$0x12] =	wrdreg s12  }
0xe: {  	s7 =	simm.s32 $0x80;
	[dreg:$0x13] =	wrdreg s13;
	s4 =	sor.u32 s5, s4  }
0xf: {  	[dreg:$0x14] =	wrdreg s18;
	s5 =	sshll.u32 s4, $0x3;
	s4 =	sshrl.u32 s4, $0x3  }
0x10: {  	[dreg:$0x15] =	wrdreg s19;
	s5 =	sadd.s32 s5, s1;
	s3 =	sadd.s32 s3, s4  }
0x11: {  	s11 =	simm.s32 $0xB000;
	[dreg:$0x3] =	wrdreg s3;
	s20 =	sadd.s32 $0x21A00, s5  }
0x12: {  	s12 =	simm.s32 $0xD000;
	s21 =	sadd.s32 $0x22A00, s5;
	[dreg:$0x4] =	wrdreg s20  }
0x13: {  	s13 =	simm.s32 $0xF000;
	s22 =	sadd.s32 $0x23A00, s5;
	[dreg:$0x5] =	wrdreg s21  }
0x14: {  	s10 =	simm.s32 $0x1;
	s23 =	sadd.s32 $0x24A00, s5;
	[dreg:$0x6] =	wrdreg s22  }
0x15: {  	s6 =	simm.s32 $0x3;
	s24 =	sadd.s32 $0x25A00, s5;
	[dreg:$0x7] =	wrdreg s23  }
0x16: {  	s9 =	simm.s32 $0x2;
	s25 =	sadd.s32 $0x26A00, s5;
	[dreg:$0x8] =	wrdreg s24  }
0x17: {  	s8 =	simm.s32 $0x4;
	s26 =	sadd.s32 $0x27A00, s5;
	[dreg:$0x9] =	wrdreg s25  }
0x18: {  	s18 =	simm.s32 $0xE00;
	s4 =	sadd.s32 $0x28A00, s5;
	[dreg:$0xa] =	wrdreg s26  }
0x19: {  	s19 =	simm.s32 $0xE80;
	[dreg:$0xb] =	wrdreg s4;
	s20 =	simm.s32 $0x600  }
0x1a: {  	s3 =	sadd.s32 $0x1A00, s1;
	s21 =	simm.s32 $0x680;
	[dreg:$0x16] =	wrdreg s20  }
0x1b: {  	s5 =	sshrl.u32 s0, $0x1;
	s22 =	simm.s32 $0x700;
	[dreg:$0x17] =	wrdreg s21  }
0x1c: {  	s0 =	ssub.s32 s0, s5;
	s23 =	simm.s32 $0x780;
	[dreg:$0x18] =	wrdreg s22  }
0x1d: {  	s24 =	simm.s32 $0x800;
	s0 =	smax.u32 s0, $0x1;
	[dreg:$0x19] =	wrdreg s23  }
0x1e: {  	s25 =	simm.s32 $0x880;
	[dreg:$0x1a] =	wrdreg s24;
	p1 =	sne.s32 s0, $0x1  }
.Ltmp0:
0x1f: {  	s26 =	simm.s32 $0x900;
	[dreg:$0x1b] =	wrdreg s25;
	(pc) =	sbr.rel @!p1 .LBB2_1-.Ltmp0, $4  }
0x20: {  	s5 =	simm.s32 $0x1000;
	s4 =	simm.s32 $0x9000;
	[dreg:$0x1c] =	wrdreg s26  }
0x21: {  	s22 =	simm.s32 $0x980;
	s26 =	simm.s32 $0xA00;
	s23 =	simm.s32 $0xC80  }
0x22: {  	s24 =	simm.s32 $0xD00;
	s25 =	simm.s32 $0xD80;
	s20 =	simm.s32 $0xF00  }
0x23: {  	s21 =	simm.s32 $0xF80;
	s1 =	sadd.s32 $0xFFFFFFFF, s0;
	s0 =	rddreg [dreg:$0x3]  }
0x24: {  	[tilespmem:s2], [sflag:$0x5] =	stream.linear.gather [hbm4b:s0+s2], $0x1000, $0x38;
	[tilespmem:$0x11000] =	vst v63  }
0x25: {  	_ =	swait.ge [sflag:s31], $0x1000  }
0x26: {  	[sflag:s31] =	ssyncset.done $0x0  }
0x27: {  	[sflag:s31] =	ssyncadd.s32 $0xFFFFF000  }
0x28: {  	[tilespmem:s5], [sflag:$0x1] =	stream.indirect.gather [hbm4b:s3+s7], $0x40, s2, s7, $0xb8;
	[tilespmem:$0x11000] =	vst v63  }
0x29: {  	_ = 	snop  }
0x2a: {  	[tilespmem:s14], [sflag:$0x1] =	stream.indirect.gather [hbm4b:s3+s7], $0x40, s7, s7, $0xb8;
	[tilespmem:$0x11000] =	vst v63  }
0x2b: {  	s0 =	rddreg [dreg:$0xc]  }
0x2c: {  	[tilespmem:s15], [sflag:$0x1] =	stream.indirect.gather [hbm4b:s3+s7], $0x40, s0, s7, $0xb8;
	[tilespmem:$0x11000] =	vst v63  }
0x2d: {  	s17 =	smov.u32 s1;
	s1 =	rddreg [dreg:$0xd]  }
0x2e: {  	[tilespmem:s16], [sflag:$0x1] =	stream.indirect.gather [hbm4b:s3+s7], $0x40, s1, s7, $0xb8;
	[tilespmem:$0x11000] =	vst v63  }
0x2f: {  	s0 =	rddreg [dreg:$0xe]  }
0x30: {  	[tilespmem:s4], [sflag:$0x2] =	stream.indirect.gather [hbm4b:s3+s7], $0x40, s0, s7, $0xb8;
	[tilespmem:$0x11000] =	vst v63  }
0x31: {  	s1 =	rddreg [dreg:$0xf]  }
0x32: {  	[tilespmem:s11], [sflag:$0x2] =	stream.indirect.gather [hbm4b:s3+s7], $0x40, s1, s7, $0xb8;
	[tilespmem:$0x11000] =	vst v63  }
0x33: {  	s0 =	rddreg [dreg:$0x10]  }
0x34: {  	[tilespmem:s12], [sflag:$0x2] =	stream.indirect.gather [hbm4b:s3+s7], $0x40, s0, s7, $0xb8;
	[tilespmem:$0x11000] =	vst v63  }
0x35: {  	s1 =	rddreg [dreg:$0x11]  }
0x36: {  	[tilespmem:s13], [sflag:$0x2] =	stream.indirect.gather [hbm4b:s3+s7], $0x40, s1, s7, $0xb8;
	[tilespmem:$0x11000] =	vst v63  }
0x37: {  	_ =	swait.ge [sflag:s10], $0x2000  }
0x38: {  	[sflag:s10] =	ssyncset.done $0x0  }
0x39: {  	[sflag:s10] =	ssyncadd.s32 $0xFFFFE000  }
0x3a: {  	_ =	swait.ge [sflag:s10], $0x2000  }
0x3b: {  	[sflag:s10] =	ssyncset.done $0x0  }
0x3c: {  	[sflag:s10] =	ssyncadd.s32 $0xFFFFE000  }
0x3d: {  	_ =	swait.ge [sflag:s10], $0x2000  }
0x3e: {  	[sflag:s10] =	ssyncset.done $0x0  }
0x3f: {  	[sflag:s10] =	ssyncadd.s32 $0xFFFFE000  }
0x40: {  	_ =	swait.ge [sflag:s10], $0x2000  }
0x41: {  	[sflag:s10] =	ssyncset.done $0x0  }
0x42: {  	s1 =	rddreg [dreg:$0x4];
	[sflag:s10] =	ssyncadd.s32 $0xFFFFE000  }
0x43: {  	[hbm4b:s1+s2] =	stream.linear.scatter [tilespmem:s5], [sflag:$0x3], $0x8000, $0x38;
	[tilespmem:$0x11000] =	vst v63  }
0x44: {  	_ =	swait.ge [sflag:s6], $0x8000  }
0x45: {  	[sflag:s6] =	ssyncset.done $0x0  }
0x46: {  	s0 =	rddreg [dreg:$0x12];
	[sflag:s6] =	ssyncadd.s32 $0xFFFF8000  }
0x47: {  	[tilespmem:s5], [sflag:$0x1] =	stream.indirect.gather [hbm4b:s3+s7], $0x40, s0, s7, $0xb8;
	[tilespmem:$0x11000] =	vst v63  }
0x48: {  	s1 =	rddreg [dreg:$0x13]  }
0x49: {  	[tilespmem:s14], [sflag:$0x1] =	stream.indirect.gather [hbm4b:s3+s7], $0x40, s1, s7, $0xb8;
	[tilespmem:$0x11000] =	vst v63  }
0x4a: {  	s0 =	rddreg [dreg:$0x14]  }
0x4b: {  	[tilespmem:s15], [sflag:$0x1] =	stream.indirect.gather [hbm4b:s3+s7], $0x40, s0, s7, $0xb8;
	[tilespmem:$0x11000] =	vst v63  }
0x4c: {  	s1 =	rddreg [dreg:$0x15]  }
0x4d: {  	[tilespmem:s16], [sflag:$0x1] =	stream.indirect.gather [hbm4b:s3+s7], $0x40, s1, s7, $0xb8;
	[tilespmem:$0x11000] =	vst v63  }
0x4e: {  	_ =	swait.ge [sflag:s9], $0x2000  }
0x4f: {  	[sflag:s9] =	ssyncset.done $0x0  }
0x50: {  	[sflag:s9] =	ssyncadd.s32 $0xFFFFE000  }
0x51: {  	_ =	swait.ge [sflag:s9], $0x2000  }
0x52: {  	[sflag:s9] =	ssyncset.done $0x0  }
0x53: {  	[sflag:s9] =	ssyncadd.s32 $0xFFFFE000  }
0x54: {  	_ =	swait.ge [sflag:s9], $0x2000  }
0x55: {  	[sflag:s9] =	ssyncset.done $0x0  }
0x56: {  	[sflag:s9] =	ssyncadd.s32 $0xFFFFE000  }
0x57: {  	_ =	swait.ge [sflag:s9], $0x2000  }
0x58: {  	[sflag:s9] =	ssyncset.done $0x0  }
0x59: {  	s1 =	rddreg [dreg:$0x5];
	[sflag:s9] =	ssyncadd.s32 $0xFFFFE000  }
0x5a: {  	[hbm4b:s1+s2] =	stream.linear.scatter [tilespmem:s4], [sflag:$0x4], $0x8000, $0x38;
	[tilespmem:$0x11000] =	vst v63  }
0x5b: {  	_ =	swait.ge [sflag:s8], $0x8000  }
0x5c: {  	[sflag:s8] =	ssyncset.done $0x0  }
0x5d: {  	s0 =	rddreg [dreg:$0x16];
	[sflag:s8] =	ssyncadd.s32 $0xFFFF8000  }
0x5e: {  	[tilespmem:s4], [sflag:$0x2] =	stream.indirect.gather [hbm4b:s3+s7], $0x40, s0, s7, $0xb8;
	[tilespmem:$0x11000] =	vst v63  }
0x5f: {  	s1 =	rddreg [dreg:$0x17]  }
0x60: {  	[tilespmem:s11], [sflag:$0x2] =	stream.indirect.gather [hbm4b:s3+s7], $0x40, s1, s7, $0xb8;
	[tilespmem:$0x11000] =	vst v63  }
0x61: {  	s0 =	rddreg [dreg:$0x18]  }
0x62: {  	[tilespmem:s12], [sflag:$0x2] =	stream.indirect.gather [hbm4b:s3+s7], $0x40, s0, s7, $0xb8;
	[tilespmem:$0x11000] =	vst v63  }
0x63: {  	s1 =	rddreg [dreg:$0x19]  }
0x64: {  	[tilespmem:s13], [sflag:$0x2] =	stream.indirect.gather [hbm4b:s3+s7], $0x40, s1, s7, $0xb8;
	[tilespmem:$0x11000] =	vst v63  }
0x65: {  	_ =	swait.ge [sflag:s10], $0x2000  }
0x66: {  	[sflag:s10] =	ssyncset.done $0x0  }
0x67: {  	[sflag:s10] =	ssyncadd.s32 $0xFFFFE000  }
0x68: {  	_ =	swait.ge [sflag:s10], $0x2000  }
0x69: {  	[sflag:s10] =	ssyncset.done $0x0  }
0x6a: {  	[sflag:s10] =	ssyncadd.s32 $0xFFFFE000  }
0x6b: {  	_ =	swait.ge [sflag:s10], $0x2000  }
0x6c: {  	[sflag:s10] =	ssyncset.done $0x0  }
0x6d: {  	[sflag:s10] =	ssyncadd.s32 $0xFFFFE000  }
0x6e: {  	_ =	swait.ge [sflag:s10], $0x2000  }
0x6f: {  	[sflag:s10] =	ssyncset.done $0x0  }
0x70: {  	s1 =	rddreg [dreg:$0x6];
	[sflag:s10] =	ssyncadd.s32 $0xFFFFE000  }
0x71: {  	[hbm4b:s1+s2] =	stream.linear.scatter [tilespmem:s5], [sflag:$0x3], $0x8000, $0x38;
	[tilespmem:$0x11000] =	vst v63  }
0x72: {  	_ =	swait.ge [sflag:s6], $0x8000  }
0x73: {  	[sflag:s6] =	ssyncset.done $0x0  }
0x74: {  	s0 =	rddreg [dreg:$0x1a];
	[sflag:s6] =	ssyncadd.s32 $0xFFFF8000  }
0x75: {  	[tilespmem:s5], [sflag:$0x1] =	stream.indirect.gather [hbm4b:s3+s7], $0x40, s0, s7, $0xb8;
	[tilespmem:$0x11000] =	vst v63  }
0x76: {  	s1 =	rddreg [dreg:$0x1b]  }
0x77: {  	[tilespmem:s14], [sflag:$0x1] =	stream.indirect.gather [hbm4b:s3+s7], $0x40, s1, s7, $0xb8;
	[tilespmem:$0x11000] =	vst v63  }
0x78: {  	s0 =	rddreg [dreg:$0x1c]  }
0x79: {  	[tilespmem:s15], [sflag:$0x1] =	stream.indirect.gather [hbm4b:s3+s7], $0x40, s0, s7, $0xb8;
	[tilespmem:$0x11000] =	vst v63  }
0x7a: {  	_ = 	snop  }
0x7b: {  	[tilespmem:s16], [sflag:$0x1] =	stream.indirect.gather [hbm4b:s3+s7], $0x40, s22, s7, $0xb8;
	[tilespmem:$0x11000] =	vst v63  }
0x7c: {  	_ =	swait.ge [sflag:s9], $0x2000  }
0x7d: {  	[sflag:s9] =	ssyncset.done $0x0  }
0x7e: {  	[sflag:s9] =	ssyncadd.s32 $0xFFFFE000  }
0x7f: {  	_ =	swait.ge [sflag:s9], $0x2000  }
0x80: {  	[sflag:s9] =	ssyncset.done $0x0  }
0x81: {  	[sflag:s9] =	ssyncadd.s32 $0xFFFFE000  }
0x82: {  	_ =	swait.ge [sflag:s9], $0x2000  }
0x83: {  	[sflag:s9] =	ssyncset.done $0x0  }
0x84: {  	[sflag:s9] =	ssyncadd.s32 $0xFFFFE000  }
0x85: {  	_ =	swait.ge [sflag:s9], $0x2000  }
0x86: {  	[sflag:s9] =	ssyncset.done $0x0  }
0x87: {  	s1 =	rddreg [dreg:$0x7];
	[sflag:s9] =	ssyncadd.s32 $0xFFFFE000  }
0x88: {  	[hbm4b:s1+s2] =	stream.linear.scatter [tilespmem:s4], [sflag:$0x4], $0x8000, $0x38;
	[tilespmem:$0x11000] =	vst v63  }
0x89: {  	_ =	swait.ge [sflag:s8], $0x8000  }
0x8a: {  	[sflag:s8] =	ssyncset.done $0x0  }
0x8b: {  	[sflag:s8] =	ssyncadd.s32 $0xFFFF8000  }
0x8c: {  	[tilespmem:s4], [sflag:$0x2] =	stream.indirect.gather [hbm4b:s3+s7], $0x40, s26, s7, $0xb8;
	[tilespmem:$0x11000] =	vst v63  }
0x8d: {  	_ = 	snop  }
0x8e: {  	[tilespmem:s11], [sflag:$0x2] =	stream.indirect.gather [hbm4b:s3+s7], $0x40, s28, s7, $0xb8;
	[tilespmem:$0x11000] =	vst v63  }
0x8f: {  	_ = 	snop  }
0x90: {  	[tilespmem:s12], [sflag:$0x2] =	stream.indirect.gather [hbm4b:s3+s7], $0x40, s29, s7, $0xb8;
	[tilespmem:$0x11000] =	vst v63  }
0x91: {  	_ = 	snop  }
0x92: {  	[tilespmem:s13], [sflag:$0x2] =	stream.indirect.gather [hbm4b:s3+s7], $0x40, s30, s7, $0xb8;
	[tilespmem:$0x11000] =	vst v63  }
0x93: {  	_ =	swait.ge [sflag:s10], $0x2000  }
0x94: {  	[sflag:s10] =	ssyncset.done $0x0  }
0x95: {  	[sflag:s10] =	ssyncadd.s32 $0xFFFFE000  }
0x96: {  	_ =	swait.ge [sflag:s10], $0x2000  }
0x97: {  	[sflag:s10] =	ssyncset.done $0x0  }
0x98: {  	[sflag:s10] =	ssyncadd.s32 $0xFFFFE000  }
0x99: {  	_ =	swait.ge [sflag:s10], $0x2000  }
0x9a: {  	[sflag:s10] =	ssyncset.done $0x0  }
0x9b: {  	[sflag:s10] =	ssyncadd.s32 $0xFFFFE000  }
0x9c: {  	_ =	swait.ge [sflag:s10], $0x2000  }
0x9d: {  	[sflag:s10] =	ssyncset.done $0x0  }
0x9e: {  	s1 =	rddreg [dreg:$0x8];
	[sflag:s10] =	ssyncadd.s32 $0xFFFFE000  }
0x9f: {  	[hbm4b:s1+s2] =	stream.linear.scatter [tilespmem:s5], [sflag:$0x3], $0x8000, $0x38;
	[tilespmem:$0x11000] =	vst v63  }
0xa0: {  	_ =	swait.ge [sflag:s6], $0x8000  }
0xa1: {  	[sflag:s6] =	ssyncset.done $0x0  }
0xa2: {  	s1 =	simm.s32 $0xC00;
	[sflag:s6] =	ssyncadd.s32 $0xFFFF8000  }
0xa3: {  	[tilespmem:s5], [sflag:$0x1] =	stream.indirect.gather [hbm4b:s3+s7], $0x40, s1, s7, $0xb8;
	[tilespmem:$0x11000] =	vst v63  }
0xa4: {  	_ = 	snop  }
0xa5: {  	[tilespmem:s14], [sflag:$0x1] =	stream.indirect.gather [hbm4b:s3+s7], $0x40, s23, s7, $0xb8;
	[tilespmem:$0x11000] =	vst v63  }
0xa6: {  	_ = 	snop  }
0xa7: {  	[tilespmem:s15], [sflag:$0x1] =	stream.indirect.gather [hbm4b:s3+s7], $0x40, s24, s7, $0xb8;
	[tilespmem:$0x11000] =	vst v63  }
0xa8: {  	_ = 	snop  }
0xa9: {  	[tilespmem:s16], [sflag:$0x1] =	stream.indirect.gather [hbm4b:s3+s7], $0x40, s25, s7, $0xb8;
	[tilespmem:$0x11000] =	vst v63  }
0xaa: {  	_ =	swait.ge [sflag:s9], $0x2000  }
0xab: {  	[sflag:s9] =	ssyncset.done $0x0  }
0xac: {  	[sflag:s9] =	ssyncadd.s32 $0xFFFFE000  }
0xad: {  	_ =	swait.ge [sflag:s9], $0x2000  }
0xae: {  	[sflag:s9] =	ssyncset.done $0x0  }
0xaf: {  	[sflag:s9] =	ssyncadd.s32 $0xFFFFE000  }
0xb0: {  	_ =	swait.ge [sflag:s9], $0x2000  }
0xb1: {  	[sflag:s9] =	ssyncset.done $0x0  }
0xb2: {  	[sflag:s9] =	ssyncadd.s32 $0xFFFFE000  }
0xb3: {  	_ =	swait.ge [sflag:s9], $0x2000  }
0xb4: {  	[sflag:s9] =	ssyncset.done $0x0  }
0xb5: {  	s1 =	rddreg [dreg:$0x9];
	[sflag:s9] =	ssyncadd.s32 $0xFFFFE000  }
0xb6: {  	[hbm4b:s1+s2] =	stream.linear.scatter [tilespmem:s4], [sflag:$0x4], $0x8000, $0x38;
	[tilespmem:$0x11000] =	vst v63  }
0xb7: {  	_ =	swait.ge [sflag:s8], $0x8000  }
0xb8: {  	[sflag:s8] =	ssyncset.done $0x0  }
0xb9: {  	[sflag:s8] =	ssyncadd.s32 $0xFFFF8000  }
0xba: {  	[tilespmem:s4], [sflag:$0x2] =	stream.indirect.gather [hbm4b:s3+s7], $0x40, s18, s7, $0xb8;
	[tilespmem:$0x11000] =	vst v63  }
0xbb: {  	_ = 	snop  }
0xbc: {  	[tilespmem:s11], [sflag:$0x2] =	stream.indirect.gather [hbm4b:s3+s7], $0x40, s19, s7, $0xb8;
	[tilespmem:$0x11000] =	vst v63  }
0xbd: {  	_ = 	snop  }
0xbe: {  	[tilespmem:s12], [sflag:$0x2] =	stream.indirect.gather [hbm4b:s3+s7], $0x40, s20, s7, $0xb8;
	[tilespmem:$0x11000] =	vst v63  }
0xbf: {  	_ = 	snop  }
0xc0: {  	[tilespmem:s13], [sflag:$0x2] =	stream.indirect.gather [hbm4b:s3+s7], $0x40, s21, s7, $0xb8;
	[tilespmem:$0x11000] =	vst v63  }
0xc1: {  	_ =	swait.ge [sflag:s10], $0x2000  }
0xc2: {  	[sflag:s10] =	ssyncset.done $0x0  }
0xc3: {  	[sflag:s10] =	ssyncadd.s32 $0xFFFFE000  }
0xc4: {  	_ =	swait.ge [sflag:s10], $0x2000  }
0xc5: {  	[sflag:s10] =	ssyncset.done $0x0  }
0xc6: {  	[sflag:s10] =	ssyncadd.s32 $0xFFFFE000  }
0xc7: {  	_ =	swait.ge [sflag:s10], $0x2000  }
0xc8: {  	[sflag:s10] =	ssyncset.done $0x0  }
0xc9: {  	[sflag:s10] =	ssyncadd.s32 $0xFFFFE000  }
0xca: {  	_ =	swait.ge [sflag:s10], $0x2000  }
0xcb: {  	[sflag:s10] =	ssyncset.done $0x0  }
0xcc: {  	s1 =	rddreg [dreg:$0xa];
	[sflag:s10] =	ssyncadd.s32 $0xFFFFE000  }
0xcd: {  	[hbm4b:s1+s2] =	stream.linear.scatter [tilespmem:s5], [sflag:$0x3], $0x8000, $0x38;
	[tilespmem:$0x11000] =	vst v63  }
0xce: {  	_ =	swait.ge [sflag:s9], $0x2000  }
0xcf: {  	[sflag:s9] =	ssyncset.done $0x0  }
0xd0: {  	[sflag:s9] =	ssyncadd.s32 $0xFFFFE000  }
0xd1: {  	_ =	swait.ge [sflag:s9], $0x2000  }
0xd2: {  	[sflag:s9] =	ssyncset.done $0x0  }
0xd3: {  	[sflag:s9] =	ssyncadd.s32 $0xFFFFE000  }
0xd4: {  	_ =	swait.ge [sflag:s9], $0x2000  }
0xd5: {  	[sflag:s9] =	ssyncset.done $0x0  }
0xd6: {  	[sflag:s9] =	ssyncadd.s32 $0xFFFFE000  }
0xd7: {  	_ =	swait.ge [sflag:s9], $0x2000  }
0xd8: {  	[sflag:s9] =	ssyncset.done $0x0  }
0xd9: {  	p1 =	sne.s32 s17, $0x1;
	s1 =	rddreg [dreg:$0xb];
	[sflag:s9] =	ssyncadd.s32 $0xFFFFE000  }
0xda: {  	[hbm4b:s1+s2] =	stream.linear.scatter [tilespmem:s4], [sflag:$0x4], $0x8000, $0x38;
	[tilespmem:$0x11000] =	vst v63  }
.Ltmp1:
0xdb: {  	_ =	swait.ge [sflag:s6], $0x8000;
	(pc) =	sbr.rel @!p1 .LBB2_3-.Ltmp1, $4  }
0xdc: {  	[sflag:s6] =	ssyncset.done $0x0  }
0xdd: {  	[sflag:s6] =	ssyncadd.s32 $0xFFFF8000  }
0xde: {  	p0 =	por $0x1, $0x1;
	_ =	swait.ge [sflag:s8], $0x8000  }
0xdf: {  	s1 =	sadd.s32 $0xFFFFFFFF, s17;
	s0 =	rddreg [dreg:$0x3];
	[sflag:s8] =	ssyncset.done $0x0  }
.LBB2_4:
0xe0: {  	[sflag:s8] =	ssyncadd.s32 $0xFFFF8000  }
0xe1: {  	[tilespmem:s2], [sflag:$0x5] =	stream.linear.gather [hbm4b:s0+s2], $0x1000, $0x38;
	[tilespmem:$0x11000] =	vst v63  }
0xe2: {  	_ =	swait.ge [sflag:s31], $0x1000  }
0xe3: {  	[sflag:s31] =	ssyncset.done $0x0  }
0xe4: {  	[sflag:s31] =	ssyncadd.s32 $0xFFFFF000  }
0xe5: {  	[tilespmem:s5], [sflag:$0x1] =	stream.indirect.gather [hbm4b:s3+s7], $0x40, s2, s7, $0xb8;
	[tilespmem:$0x11000] =	vst v63  }
0xe6: {  	_ = 	snop  }
0xe7: {  	[tilespmem:s14], [sflag:$0x1] =	stream.indirect.gather [hbm4b:s3+s7], $0x40, s7, s7, $0xb8;
	[tilespmem:$0x11000] =	vst v63  }
0xe8: {  	s0 =	rddreg [dreg:$0xc]  }
0xe9: {  	[tilespmem:s15], [sflag:$0x1] =	stream.indirect.gather [hbm4b:s3+s7], $0x40, s0, s7, $0xb8;
	[tilespmem:$0x11000] =	vst v63  }
0xea: {  	s17 =	rddreg [dreg:$0xd]  }
0xeb: {  	[tilespmem:s16], [sflag:$0x1] =	stream.indirect.gather [hbm4b:s3+s7], $0x40, s17, s7, $0xb8;
	[tilespmem:$0x11000] =	vst v63  }
0xec: {  	s0 =	rddreg [dreg:$0xe]  }
0xed: {  	[tilespmem:s4], [sflag:$0x2] =	stream.indirect.gather [hbm4b:s3+s7], $0x40, s0, s7, $0xb8;
	[tilespmem:$0x11000] =	vst v63  }
0xee: {  	s17 =	rddreg [dreg:$0xf]  }
0xef: {  	[tilespmem:s11], [sflag:$0x2] =	stream.indirect.gather [hbm4b:s3+s7], $0x40, s17, s7, $0xb8;
	[tilespmem:$0x11000] =	vst v63  }
0xf0: {  	s0 =	rddreg [dreg:$0x10]  }
0xf1: {  	[tilespmem:s12], [sflag:$0x2] =	stream.indirect.gather [hbm4b:s3+s7], $0x40, s0, s7, $0xb8;
	[tilespmem:$0x11000] =	vst v63  }
0xf2: {  	s17 =	rddreg [dreg:$0x11]  }
0xf3: {  	[tilespmem:s13], [sflag:$0x2] =	stream.indirect.gather [hbm4b:s3+s7], $0x40, s17, s7, $0xb8;
	[tilespmem:$0x11000] =	vst v63  }
0xf4: {  	_ =	swait.ge [sflag:s10], $0x2000  }
0xf5: {  	[sflag:s10] =	ssyncset.done $0x0  }
0xf6: {  	[sflag:s10] =	ssyncadd.s32 $0xFFFFE000  }
0xf7: {  	_ =	swait.ge [sflag:s10], $0x2000  }
0xf8: {  	[sflag:s10] =	ssyncset.done $0x0  }
0xf9: {  	[sflag:s10] =	ssyncadd.s32 $0xFFFFE000  }
0xfa: {  	_ =	swait.ge [sflag:s10], $0x2000  }
0xfb: {  	[sflag:s10] =	ssyncset.done $0x0  }
0xfc: {  	[sflag:s10] =	ssyncadd.s32 $0xFFFFE000  }
0xfd: {  	_ =	swait.ge [sflag:s10], $0x2000  }
0xfe: {  	[sflag:s10] =	ssyncset.done $0x0  }
0xff: {  	s17 =	rddreg [dreg:$0x4];
	[sflag:s10] =	ssyncadd.s32 $0xFFFFE000  }
0x100: {  	[hbm4b:s17+s2] =	stream.linear.scatter [tilespmem:s5], [sflag:$0x3], $0x8000, $0x38;
	[tilespmem:$0x11000] =	vst v63  }
0x101: {  	_ =	swait.ge [sflag:s6], $0x8000  }
0x102: {  	[sflag:s6] =	ssyncset.done $0x0  }
0x103: {  	s0 =	rddreg [dreg:$0x12];
	[sflag:s6] =	ssyncadd.s32 $0xFFFF8000  }
0x104: {  	[tilespmem:s5], [sflag:$0x1] =	stream.indirect.gather [hbm4b:s3+s7], $0x40, s0, s7, $0xb8;
	[tilespmem:$0x11000] =	vst v63  }
0x105: {  	s17 =	rddreg [dreg:$0x13]  }
0x106: {  	[tilespmem:s14], [sflag:$0x1] =	stream.indirect.gather [hbm4b:s3+s7], $0x40, s17, s7, $0xb8;
	[tilespmem:$0x11000] =	vst v63  }
0x107: {  	s0 =	rddreg [dreg:$0x14]  }
0x108: {  	[tilespmem:s15], [sflag:$0x1] =	stream.indirect.gather [hbm4b:s3+s7], $0x40, s0, s7, $0xb8;
	[tilespmem:$0x11000] =	vst v63  }
0x109: {  	s17 =	rddreg [dreg:$0x15]  }
0x10a: {  	[tilespmem:s16], [sflag:$0x1] =	stream.indirect.gather [hbm4b:s3+s7], $0x40, s17, s7, $0xb8;
	[tilespmem:$0x11000] =	vst v63  }
0x10b: {  	_ =	swait.ge [sflag:s9], $0x2000  }
0x10c: {  	[sflag:s9] =	ssyncset.done $0x0  }
0x10d: {  	[sflag:s9] =	ssyncadd.s32 $0xFFFFE000  }
0x10e: {  	_ =	swait.ge [sflag:s9], $0x2000  }
0x10f: {  	[sflag:s9] =	ssyncset.done $0x0  }
0x110: {  	[sflag:s9] =	ssyncadd.s32 $0xFFFFE000  }
0x111: {  	_ =	swait.ge [sflag:s9], $0x2000  }
0x112: {  	[sflag:s9] =	ssyncset.done $0x0  }
0x113: {  	[sflag:s9] =	ssyncadd.s32 $0xFFFFE000  }
0x114: {  	_ =	swait.ge [sflag:s9], $0x2000  }
0x115: {  	[sflag:s9] =	ssyncset.done $0x0  }
0x116: {  	s17 =	rddreg [dreg:$0x5];
	[sflag:s9] =	ssyncadd.s32 $0xFFFFE000  }
0x117: {  	[hbm4b:s17+s2] =	stream.linear.scatter [tilespmem:s4], [sflag:$0x4], $0x8000, $0x38;
	[tilespmem:$0x11000] =	vst v63  }
0x118: {  	_ =	swait.ge [sflag:s8], $0x8000  }
0x119: {  	[sflag:s8] =	ssyncset.done $0x0  }
0x11a: {  	s0 =	rddreg [dreg:$0x16];
	[sflag:s8] =	ssyncadd.s32 $0xFFFF8000  }
0x11b: {  	[tilespmem:s4], [sflag:$0x2] =	stream.indirect.gather [hbm4b:s3+s7], $0x40, s0, s7, $0xb8;
	[tilespmem:$0x11000] =	vst v63  }
0x11c: {  	s17 =	rddreg [dreg:$0x17]  }
0x11d: {  	[tilespmem:s11], [sflag:$0x2] =	stream.indirect.gather [hbm4b:s3+s7], $0x40, s17, s7, $0xb8;
	[tilespmem:$0x11000] =	vst v63  }
0x11e: {  	s0 =	rddreg [dreg:$0x18]  }
0x11f: {  	[tilespmem:s12], [sflag:$0x2] =	stream.indirect.gather [hbm4b:s3+s7], $0x40, s0, s7, $0xb8;
	[tilespmem:$0x11000] =	vst v63  }
0x120: {  	s17 =	rddreg [dreg:$0x19]  }
0x121: {  	[tilespmem:s13], [sflag:$0x2] =	stream.indirect.gather [hbm4b:s3+s7], $0x40, s17, s7, $0xb8;
	[tilespmem:$0x11000] =	vst v63  }
0x122: {  	_ =	swait.ge [sflag:s10], $0x2000  }
0x123: {  	[sflag:s10] =	ssyncset.done $0x0  }
0x124: {  	[sflag:s10] =	ssyncadd.s32 $0xFFFFE000  }
0x125: {  	_ =	swait.ge [sflag:s10], $0x2000  }
0x126: {  	[sflag:s10] =	ssyncset.done $0x0  }
0x127: {  	[sflag:s10] =	ssyncadd.s32 $0xFFFFE000  }
0x128: {  	_ =	swait.ge [sflag:s10], $0x2000  }
0x129: {  	[sflag:s10] =	ssyncset.done $0x0  }
0x12a: {  	[sflag:s10] =	ssyncadd.s32 $0xFFFFE000  }
0x12b: {  	_ =	swait.ge [sflag:s10], $0x2000  }
0x12c: {  	[sflag:s10] =	ssyncset.done $0x0  }
0x12d: {  	s17 =	rddreg [dreg:$0x6];
	[sflag:s10] =	ssyncadd.s32 $0xFFFFE000  }
0x12e: {  	[hbm4b:s17+s2] =	stream.linear.scatter [tilespmem:s5], [sflag:$0x3], $0x8000, $0x38;
	[tilespmem:$0x11000] =	vst v63  }
0x12f: {  	_ =	swait.ge [sflag:s6], $0x8000  }
0x130: {  	[sflag:s6] =	ssyncset.done $0x0  }
0x131: {  	s0 =	rddreg [dreg:$0x1a];
	[sflag:s6] =	ssyncadd.s32 $0xFFFF8000  }
0x132: {  	[tilespmem:s5], [sflag:$0x1] =	stream.indirect.gather [hbm4b:s3+s7], $0x40, s0, s7, $0xb8;
	[tilespmem:$0x11000] =	vst v63  }
0x133: {  	s17 =	rddreg [dreg:$0x1b]  }
0x134: {  	[tilespmem:s14], [sflag:$0x1] =	stream.indirect.gather [hbm4b:s3+s7], $0x40, s17, s7, $0xb8;
	[tilespmem:$0x11000] =	vst v63  }
0x135: {  	s0 =	rddreg [dreg:$0x1c]  }
0x136: {  	[tilespmem:s15], [sflag:$0x1] =	stream.indirect.gather [hbm4b:s3+s7], $0x40, s0, s7, $0xb8;
	[tilespmem:$0x11000] =	vst v63  }
0x137: {  	_ = 	snop  }
0x138: {  	[tilespmem:s16], [sflag:$0x1] =	stream.indirect.gather [hbm4b:s3+s7], $0x40, s22, s7, $0xb8;
	[tilespmem:$0x11000] =	vst v63  }
0x139: {  	_ =	swait.ge [sflag:s9], $0x2000  }
0x13a: {  	[sflag:s9] =	ssyncset.done $0x0  }
0x13b: {  	[sflag:s9] =	ssyncadd.s32 $0xFFFFE000  }
0x13c: {  	_ =	swait.ge [sflag:s9], $0x2000  }
0x13d: {  	[sflag:s9] =	ssyncset.done $0x0  }
0x13e: {  	[sflag:s9] =	ssyncadd.s32 $0xFFFFE000  }
0x13f: {  	_ =	swait.ge [sflag:s9], $0x2000  }
0x140: {  	[sflag:s9] =	ssyncset.done $0x0  }
0x141: {  	[sflag:s9] =	ssyncadd.s32 $0xFFFFE000  }
0x142: {  	_ =	swait.ge [sflag:s9], $0x2000  }
0x143: {  	[sflag:s9] =	ssyncset.done $0x0  }
0x144: {  	s17 =	rddreg [dreg:$0x7];
	[sflag:s9] =	ssyncadd.s32 $0xFFFFE000  }
0x145: {  	[hbm4b:s17+s2] =	stream.linear.scatter [tilespmem:s4], [sflag:$0x4], $0x8000, $0x38;
	[tilespmem:$0x11000] =	vst v63  }
0x146: {  	_ =	swait.ge [sflag:s8], $0x8000  }
0x147: {  	[sflag:s8] =	ssyncset.done $0x0  }
0x148: {  	[sflag:s8] =	ssyncadd.s32 $0xFFFF8000  }
0x149: {  	[tilespmem:s4], [sflag:$0x2] =	stream.indirect.gather [hbm4b:s3+s7], $0x40, s26, s7, $0xb8;
	[tilespmem:$0x11000] =	vst v63  }
0x14a: {  	_ = 	snop  }
0x14b: {  	[tilespmem:s11], [sflag:$0x2] =	stream.indirect.gather [hbm4b:s3+s7], $0x40, s28, s7, $0xb8;
	[tilespmem:$0x11000] =	vst v63  }
0x14c: {  	_ = 	snop  }
0x14d: {  	[tilespmem:s12], [sflag:$0x2] =	stream.indirect.gather [hbm4b:s3+s7], $0x40, s29, s7, $0xb8;
	[tilespmem:$0x11000] =	vst v63  }
0x14e: {  	_ = 	snop  }
0x14f: {  	[tilespmem:s13], [sflag:$0x2] =	stream.indirect.gather [hbm4b:s3+s7], $0x40, s30, s7, $0xb8;
	[tilespmem:$0x11000] =	vst v63  }
0x150: {  	_ =	swait.ge [sflag:s10], $0x2000  }
0x151: {  	[sflag:s10] =	ssyncset.done $0x0  }
0x152: {  	[sflag:s10] =	ssyncadd.s32 $0xFFFFE000  }
0x153: {  	_ =	swait.ge [sflag:s10], $0x2000  }
0x154: {  	[sflag:s10] =	ssyncset.done $0x0  }
0x155: {  	[sflag:s10] =	ssyncadd.s32 $0xFFFFE000  }
0x156: {  	_ =	swait.ge [sflag:s10], $0x2000  }
0x157: {  	[sflag:s10] =	ssyncset.done $0x0  }
0x158: {  	[sflag:s10] =	ssyncadd.s32 $0xFFFFE000  }
0x159: {  	_ =	swait.ge [sflag:s10], $0x2000  }
0x15a: {  	[sflag:s10] =	ssyncset.done $0x0  }
0x15b: {  	s17 =	rddreg [dreg:$0x8];
	[sflag:s10] =	ssyncadd.s32 $0xFFFFE000  }
0x15c: {  	[hbm4b:s17+s2] =	stream.linear.scatter [tilespmem:s5], [sflag:$0x3], $0x8000, $0x38;
	[tilespmem:$0x11000] =	vst v63  }
0x15d: {  	_ =	swait.ge [sflag:s6], $0x8000  }
0x15e: {  	[sflag:s6] =	ssyncset.done $0x0  }
0x15f: {  	s17 =	simm.s32 $0xC00;
	[sflag:s6] =	ssyncadd.s32 $0xFFFF8000  }
0x160: {  	[tilespmem:s5], [sflag:$0x1] =	stream.indirect.gather [hbm4b:s3+s7], $0x40, s17, s7, $0xb8;
	[tilespmem:$0x11000] =	vst v63  }
0x161: {  	_ = 	snop  }
0x162: {  	[tilespmem:s14], [sflag:$0x1] =	stream.indirect.gather [hbm4b:s3+s7], $0x40, s23, s7, $0xb8;
	[tilespmem:$0x11000] =	vst v63  }
0x163: {  	_ = 	snop  }
0x164: {  	[tilespmem:s15], [sflag:$0x1] =	stream.indirect.gather [hbm4b:s3+s7], $0x40, s24, s7, $0xb8;
	[tilespmem:$0x11000] =	vst v63  }
0x165: {  	_ = 	snop  }
0x166: {  	[tilespmem:s16], [sflag:$0x1] =	stream.indirect.gather [hbm4b:s3+s7], $0x40, s25, s7, $0xb8;
	[tilespmem:$0x11000] =	vst v63  }
0x167: {  	_ =	swait.ge [sflag:s9], $0x2000  }
0x168: {  	[sflag:s9] =	ssyncset.done $0x0  }
0x169: {  	[sflag:s9] =	ssyncadd.s32 $0xFFFFE000  }
0x16a: {  	_ =	swait.ge [sflag:s9], $0x2000  }
0x16b: {  	[sflag:s9] =	ssyncset.done $0x0  }
0x16c: {  	[sflag:s9] =	ssyncadd.s32 $0xFFFFE000  }
0x16d: {  	_ =	swait.ge [sflag:s9], $0x2000  }
0x16e: {  	[sflag:s9] =	ssyncset.done $0x0  }
0x16f: {  	[sflag:s9] =	ssyncadd.s32 $0xFFFFE000  }
0x170: {  	_ =	swait.ge [sflag:s9], $0x2000  }
0x171: {  	[sflag:s9] =	ssyncset.done $0x0  }
0x172: {  	s17 =	rddreg [dreg:$0x9];
	[sflag:s9] =	ssyncadd.s32 $0xFFFFE000  }
0x173: {  	[hbm4b:s17+s2] =	stream.linear.scatter [tilespmem:s4], [sflag:$0x4], $0x8000, $0x38;
	[tilespmem:$0x11000] =	vst v63  }
0x174: {  	_ =	swait.ge [sflag:s8], $0x8000  }
0x175: {  	[sflag:s8] =	ssyncset.done $0x0  }
0x176: {  	[sflag:s8] =	ssyncadd.s32 $0xFFFF8000  }
0x177: {  	[tilespmem:s4], [sflag:$0x2] =	stream.indirect.gather [hbm4b:s3+s7], $0x40, s18, s7, $0xb8;
	[tilespmem:$0x11000] =	vst v63  }
0x178: {  	_ = 	snop  }
0x179: {  	[tilespmem:s11], [sflag:$0x2] =	stream.indirect.gather [hbm4b:s3+s7], $0x40, s19, s7, $0xb8;
	[tilespmem:$0x11000] =	vst v63  }
0x17a: {  	_ = 	snop  }
0x17b: {  	[tilespmem:s12], [sflag:$0x2] =	stream.indirect.gather [hbm4b:s3+s7], $0x40, s20, s7, $0xb8;
	[tilespmem:$0x11000] =	vst v63  }
0x17c: {  	_ = 	snop  }
0x17d: {  	[tilespmem:s13], [sflag:$0x2] =	stream.indirect.gather [hbm4b:s3+s7], $0x40, s21, s7, $0xb8;
	[tilespmem:$0x11000] =	vst v63  }
0x17e: {  	_ =	swait.ge [sflag:s10], $0x2000  }
0x17f: {  	[sflag:s10] =	ssyncset.done $0x0  }
0x180: {  	[sflag:s10] =	ssyncadd.s32 $0xFFFFE000  }
0x181: {  	_ =	swait.ge [sflag:s10], $0x2000  }
0x182: {  	[sflag:s10] =	ssyncset.done $0x0  }
0x183: {  	[sflag:s10] =	ssyncadd.s32 $0xFFFFE000  }
0x184: {  	_ =	swait.ge [sflag:s10], $0x2000  }
0x185: {  	[sflag:s10] =	ssyncset.done $0x0  }
0x186: {  	[sflag:s10] =	ssyncadd.s32 $0xFFFFE000  }
0x187: {  	_ =	swait.ge [sflag:s10], $0x2000  }
0x188: {  	[sflag:s10] =	ssyncset.done $0x0  }
0x189: {  	s17 =	rddreg [dreg:$0xa];
	[sflag:s10] =	ssyncadd.s32 $0xFFFFE000  }
0x18a: {  	[hbm4b:s17+s2] =	stream.linear.scatter [tilespmem:s5], [sflag:$0x3], $0x8000, $0x38;
	[tilespmem:$0x11000] =	vst v63  }
0x18b: {  	_ =	swait.ge [sflag:s9], $0x2000  }
0x18c: {  	[sflag:s9] =	ssyncset.done $0x0  }
0x18d: {  	[sflag:s9] =	ssyncadd.s32 $0xFFFFE000  }
0x18e: {  	_ =	swait.ge [sflag:s9], $0x2000  }
0x18f: {  	[sflag:s9] =	ssyncset.done $0x0  }
0x190: {  	[sflag:s9] =	ssyncadd.s32 $0xFFFFE000  }
0x191: {  	_ =	swait.ge [sflag:s9], $0x2000  }
0x192: {  	[sflag:s9] =	ssyncset.done $0x0  }
0x193: {  	[sflag:s9] =	ssyncadd.s32 $0xFFFFE000  }
0x194: {  	_ =	swait.ge [sflag:s9], $0x2000  }
0x195: {  	[sflag:s9] =	ssyncset.done $0x0  }
0x196: {  	p1 =	sne.s32 s1, $0x1;
	s17 =	rddreg [dreg:$0xb];
	[sflag:s9] =	ssyncadd.s32 $0xFFFFE000  }
0x197: {  	[hbm4b:s17+s2] =	stream.linear.scatter [tilespmem:s4], [sflag:$0x4], $0x8000, $0x38;
	[tilespmem:$0x11000] =	vst v63  }
.Ltmp2:
0x198: {  	_ =	swait.ge [sflag:s6], $0x8000;
	(pc) =	sbr.rel @p1 .LBB2_4-.Ltmp2, $4  }
0x199: {  	[sflag:s6] =	ssyncset.done $0x0  }
0x19a: {  	[sflag:s6] =	ssyncadd.s32 $0xFFFF8000  }
0x19b: {  	_ =	swait.ge [sflag:s8], $0x8000  }
0x19c: {  	s1 =	sadd.s32 $0xFFFFFFFF, s1;
	s0 =	rddreg [dreg:$0x3];
	[sflag:s8] =	ssyncset.done $0x0  }
0x19d: {  	s21 =	simm.s32 $0x980  }
0x19e: {  	s30 =	simm.s32 $0xB80;
	s29 =	simm.s32 $0xB00;
	s28 =	simm.s32 $0xA80  }
0x19f: {  	s26 =	simm.s32 $0xA00;
	s25 =	simm.s32 $0xD80;
	s24 =	simm.s32 $0xD00  }
0x1a0: {  	s23 =	simm.s32 $0xC80;
	s22 =	simm.s32 $0xC00;
	s20 =	simm.s32 $0xF00  }
0x1a1: {  	s19 =	simm.s32 $0xE80;
	s18 =	simm.s32 $0xE00;
	s17 =	stileid.u32  }
.LBB2_6:
0x1a2: {  	[sflag:s8] =	ssyncadd.s32 @p0 $0xFFFF8000  }
0x1a3: {  	[tilespmem:s2], [sflag:$0x5] =	stream.linear.gather [hbm4b:s0+s2], $0x1000, $0x38;
	[tilespmem:$0x11000] =	vst v63  }
0x1a4: {  	_ =	swait.ge [sflag:s31], $0x1000  }
0x1a5: {  	[sflag:s31] =	ssyncset.done $0x0  }
0x1a6: {  	[sflag:s31] =	ssyncadd.s32 $0xFFFFF000  }
0x1a7: {  	[tilespmem:s5], [sflag:$0x1] =	stream.indirect.gather [hbm4b:s3+s7], $0x40, s2, s7, $0xb8;
	[tilespmem:$0x11000] =	vst v63  }
0x1a8: {  	_ = 	snop  }
0x1a9: {  	[tilespmem:s14], [sflag:$0x1] =	stream.indirect.gather [hbm4b:s3+s7], $0x40, s7, s7, $0xb8;
	[tilespmem:$0x11000] =	vst v63  }
0x1aa: {  	s31 =	rddreg [dreg:$0xc]  }
0x1ab: {  	[tilespmem:s15], [sflag:$0x1] =	stream.indirect.gather [hbm4b:s3+s7], $0x40, s31, s7, $0xb8;
	[tilespmem:$0x11000] =	vst v63  }
0x1ac: {  	s1 =	rddreg [dreg:$0xd]  }
0x1ad: {  	[tilespmem:s16], [sflag:$0x1] =	stream.indirect.gather [hbm4b:s3+s7], $0x40, s1, s7, $0xb8;
	[tilespmem:$0x11000] =	vst v63  }
0x1ae: {  	s0 =	rddreg [dreg:$0xe]  }
0x1af: {  	[tilespmem:s4], [sflag:$0x2] =	stream.indirect.gather [hbm4b:s3+s7], $0x40, s0, s7, $0xb8;
	[tilespmem:$0x11000] =	vst v63  }
0x1b0: {  	s31 =	rddreg [dreg:$0xf]  }
0x1b1: {  	[tilespmem:s11], [sflag:$0x2] =	stream.indirect.gather [hbm4b:s3+s7], $0x40, s31, s7, $0xb8;
	[tilespmem:$0x11000] =	vst v63  }
0x1b2: {  	s0 =	rddreg [dreg:$0x10]  }
0x1b3: {  	[tilespmem:s12], [sflag:$0x2] =	stream.indirect.gather [hbm4b:s3+s7], $0x40, s0, s7, $0xb8;
	[tilespmem:$0x11000] =	vst v63  }
0x1b4: {  	s31 =	rddreg [dreg:$0x11]  }
0x1b5: {  	[tilespmem:s13], [sflag:$0x2] =	stream.indirect.gather [hbm4b:s3+s7], $0x40, s31, s7, $0xb8;
	[tilespmem:$0x11000] =	vst v63  }
0x1b6: {  	_ =	swait.ge [sflag:s10], $0x2000  }
0x1b7: {  	[sflag:s10] =	ssyncset.done $0x0  }
0x1b8: {  	[sflag:s10] =	ssyncadd.s32 $0xFFFFE000  }
0x1b9: {  	_ =	swait.ge [sflag:s10], $0x2000  }
0x1ba: {  	[sflag:s10] =	ssyncset.done $0x0  }
0x1bb: {  	[sflag:s10] =	ssyncadd.s32 $0xFFFFE000  }
0x1bc: {  	_ =	swait.ge [sflag:s10], $0x2000  }
0x1bd: {  	[sflag:s10] =	ssyncset.done $0x0  }
0x1be: {  	[sflag:s10] =	ssyncadd.s32 $0xFFFFE000  }
0x1bf: {  	_ =	swait.ge [sflag:s10], $0x2000  }
0x1c0: {  	[sflag:s10] =	ssyncset.done $0x0  }
0x1c1: {  	s31 =	rddreg [dreg:$0x4];
	[sflag:s10] =	ssyncadd.s32 $0xFFFFE000  }
0x1c2: {  	[hbm4b:s31+s2] =	stream.linear.scatter [tilespmem:s5], [sflag:$0x3], $0x8000, $0x38;
	[tilespmem:$0x11000] =	vst v63  }
0x1c3: {  	_ =	swait.ge [sflag:s6], $0x8000  }
0x1c4: {  	[sflag:s6] =	ssyncset.done $0x0  }
0x1c5: {  	s1 =	rddreg [dreg:$0x12];
	[sflag:s6] =	ssyncadd.s32 $0xFFFF8000  }
0x1c6: {  	[tilespmem:s5], [sflag:$0x1] =	stream.indirect.gather [hbm4b:s3+s7], $0x40, s1, s7, $0xb8;
	[tilespmem:$0x11000] =	vst v63  }
0x1c7: {  	s31 =	rddreg [dreg:$0x13]  }
0x1c8: {  	[tilespmem:s14], [sflag:$0x1] =	stream.indirect.gather [hbm4b:s3+s7], $0x40, s31, s7, $0xb8;
	[tilespmem:$0x11000] =	vst v63  }
0x1c9: {  	s0 =	rddreg [dreg:$0x14]  }
0x1ca: {  	[tilespmem:s15], [sflag:$0x1] =	stream.indirect.gather [hbm4b:s3+s7], $0x40, s0, s7, $0xb8;
	[tilespmem:$0x11000] =	vst v63  }
0x1cb: {  	s31 =	rddreg [dreg:$0x15]  }
0x1cc: {  	[tilespmem:s16], [sflag:$0x1] =	stream.indirect.gather [hbm4b:s3+s7], $0x40, s31, s7, $0xb8;
	[tilespmem:$0x11000] =	vst v63  }
0x1cd: {  	_ =	swait.ge [sflag:s9], $0x2000  }
0x1ce: {  	[sflag:s9] =	ssyncset.done $0x0  }
0x1cf: {  	[sflag:s9] =	ssyncadd.s32 $0xFFFFE000  }
0x1d0: {  	_ =	swait.ge [sflag:s9], $0x2000  }
0x1d1: {  	[sflag:s9] =	ssyncset.done $0x0  }
0x1d2: {  	[sflag:s9] =	ssyncadd.s32 $0xFFFFE000  }
0x1d3: {  	_ =	swait.ge [sflag:s9], $0x2000  }
0x1d4: {  	[sflag:s9] =	ssyncset.done $0x0  }
0x1d5: {  	[sflag:s9] =	ssyncadd.s32 $0xFFFFE000  }
0x1d6: {  	_ =	swait.ge [sflag:s9], $0x2000  }
0x1d7: {  	[sflag:s9] =	ssyncset.done $0x0  }
0x1d8: {  	s31 =	rddreg [dreg:$0x5];
	[sflag:s9] =	ssyncadd.s32 $0xFFFFE000  }
0x1d9: {  	[hbm4b:s31+s2] =	stream.linear.scatter [tilespmem:s4], [sflag:$0x4], $0x8000, $0x38;
	[tilespmem:$0x11000] =	vst v63  }
0x1da: {  	_ =	swait.ge [sflag:s8], $0x8000  }
0x1db: {  	[sflag:s8] =	ssyncset.done $0x0  }
0x1dc: {  	s1 =	rddreg [dreg:$0x16];
	[sflag:s8] =	ssyncadd.s32 $0xFFFF8000  }
0x1dd: {  	[tilespmem:s4], [sflag:$0x2] =	stream.indirect.gather [hbm4b:s3+s7], $0x40, s1, s7, $0xb8;
	[tilespmem:$0x11000] =	vst v63  }
0x1de: {  	s31 =	rddreg [dreg:$0x17]  }
0x1df: {  	[tilespmem:s11], [sflag:$0x2] =	stream.indirect.gather [hbm4b:s3+s7], $0x40, s31, s7, $0xb8;
	[tilespmem:$0x11000] =	vst v63  }
0x1e0: {  	s0 =	rddreg [dreg:$0x18]  }
0x1e1: {  	[tilespmem:s12], [sflag:$0x2] =	stream.indirect.gather [hbm4b:s3+s7], $0x40, s0, s7, $0xb8;
	[tilespmem:$0x11000] =	vst v63  }
0x1e2: {  	s31 =	rddreg [dreg:$0x19]  }
0x1e3: {  	[tilespmem:s13], [sflag:$0x2] =	stream.indirect.gather [hbm4b:s3+s7], $0x40, s31, s7, $0xb8;
	[tilespmem:$0x11000] =	vst v63  }
0x1e4: {  	_ =	swait.ge [sflag:s10], $0x2000  }
0x1e5: {  	[sflag:s10] =	ssyncset.done $0x0  }
0x1e6: {  	[sflag:s10] =	ssyncadd.s32 $0xFFFFE000  }
0x1e7: {  	_ =	swait.ge [sflag:s10], $0x2000  }
0x1e8: {  	[sflag:s10] =	ssyncset.done $0x0  }
0x1e9: {  	[sflag:s10] =	ssyncadd.s32 $0xFFFFE000  }
0x1ea: {  	_ =	swait.ge [sflag:s10], $0x2000  }
0x1eb: {  	[sflag:s10] =	ssyncset.done $0x0  }
0x1ec: {  	[sflag:s10] =	ssyncadd.s32 $0xFFFFE000  }
0x1ed: {  	_ =	swait.ge [sflag:s10], $0x2000  }
0x1ee: {  	[sflag:s10] =	ssyncset.done $0x0  }
0x1ef: {  	s1 =	rddreg [dreg:$0x6];
	[sflag:s10] =	ssyncadd.s32 $0xFFFFE000  }
0x1f0: {  	[hbm4b:s1+s2] =	stream.linear.scatter [tilespmem:s5], [sflag:$0x3], $0x8000, $0x38;
	[tilespmem:$0x11000] =	vst v63  }
0x1f1: {  	_ =	swait.ge [sflag:s6], $0x8000  }
0x1f2: {  	[sflag:s6] =	ssyncset.done $0x0  }
0x1f3: {  	s31 =	rddreg [dreg:$0x1a];
	[sflag:s6] =	ssyncadd.s32 $0xFFFF8000  }
0x1f4: {  	[tilespmem:s5], [sflag:$0x1] =	stream.indirect.gather [hbm4b:s3+s7], $0x40, s31, s7, $0xb8;
	[tilespmem:$0x11000] =	vst v63  }
0x1f5: {  	s1 =	rddreg [dreg:$0x1b]  }
0x1f6: {  	[tilespmem:s14], [sflag:$0x1] =	stream.indirect.gather [hbm4b:s3+s7], $0x40, s1, s7, $0xb8;
	[tilespmem:$0x11000] =	vst v63  }
0x1f7: {  	s31 =	rddreg [dreg:$0x1c]  }
0x1f8: {  	[tilespmem:s15], [sflag:$0x1] =	stream.indirect.gather [hbm4b:s3+s7], $0x40, s31, s7, $0xb8;
	[tilespmem:$0x11000] =	vst v63  }
0x1f9: {  	_ = 	snop  }
0x1fa: {  	[tilespmem:s16], [sflag:$0x1] =	stream.indirect.gather [hbm4b:s3+s7], $0x40, s21, s7, $0xb8;
	[tilespmem:$0x11000] =	vst v63  }
0x1fb: {  	_ =	swait.ge [sflag:s9], $0x2000  }
0x1fc: {  	[sflag:s9] =	ssyncset.done $0x0  }
0x1fd: {  	[sflag:s9] =	ssyncadd.s32 $0xFFFFE000  }
0x1fe: {  	_ =	swait.ge [sflag:s9], $0x2000  }
0x1ff: {  	[sflag:s9] =	ssyncset.done $0x0  }
0x200: {  	[sflag:s9] =	ssyncadd.s32 $0xFFFFE000  }
0x201: {  	_ =	swait.ge [sflag:s9], $0x2000  }
0x202: {  	[sflag:s9] =	ssyncset.done $0x0  }
0x203: {  	[sflag:s9] =	ssyncadd.s32 $0xFFFFE000  }
0x204: {  	_ =	swait.ge [sflag:s9], $0x2000  }
0x205: {  	[sflag:s9] =	ssyncset.done $0x0  }
0x206: {  	s21 =	rddreg [dreg:$0x7];
	[sflag:s9] =	ssyncadd.s32 $0xFFFFE000  }
0x207: {  	[hbm4b:s21+s2] =	stream.linear.scatter [tilespmem:s4], [sflag:$0x4], $0x8000, $0x38;
	[tilespmem:$0x11000] =	vst v63  }
0x208: {  	_ =	swait.ge [sflag:s8], $0x8000  }
0x209: {  	[sflag:s8] =	ssyncset.done $0x0  }
0x20a: {  	[sflag:s8] =	ssyncadd.s32 $0xFFFF8000  }
0x20b: {  	[tilespmem:s4], [sflag:$0x2] =	stream.indirect.gather [hbm4b:s3+s7], $0x40, s26, s7, $0xb8;
	[tilespmem:$0x11000] =	vst v63  }
0x20c: {  	_ = 	snop  }
0x20d: {  	[tilespmem:s11], [sflag:$0x2] =	stream.indirect.gather [hbm4b:s3+s7], $0x40, s28, s7, $0xb8;
	[tilespmem:$0x11000] =	vst v63  }
0x20e: {  	_ = 	snop  }
0x20f: {  	[tilespmem:s12], [sflag:$0x2] =	stream.indirect.gather [hbm4b:s3+s7], $0x40, s29, s7, $0xb8;
	[tilespmem:$0x11000] =	vst v63  }
0x210: {  	_ = 	snop  }
0x211: {  	[tilespmem:s13], [sflag:$0x2] =	stream.indirect.gather [hbm4b:s3+s7], $0x40, s30, s7, $0xb8;
	[tilespmem:$0x11000] =	vst v63  }
0x212: {  	_ =	swait.ge [sflag:s10], $0x2000  }
0x213: {  	[sflag:s10] =	ssyncset.done $0x0  }
0x214: {  	[sflag:s10] =	ssyncadd.s32 $0xFFFFE000  }
0x215: {  	_ =	swait.ge [sflag:s10], $0x2000  }
0x216: {  	[sflag:s10] =	ssyncset.done $0x0  }
0x217: {  	[sflag:s10] =	ssyncadd.s32 $0xFFFFE000  }
0x218: {  	_ =	swait.ge [sflag:s10], $0x2000  }
0x219: {  	[sflag:s10] =	ssyncset.done $0x0  }
0x21a: {  	[sflag:s10] =	ssyncadd.s32 $0xFFFFE000  }
0x21b: {  	_ =	swait.ge [sflag:s10], $0x2000  }
0x21c: {  	[sflag:s10] =	ssyncset.done $0x0  }
0x21d: {  	s26 =	rddreg [dreg:$0x8];
	[sflag:s10] =	ssyncadd.s32 $0xFFFFE000  }
0x21e: {  	[hbm4b:s26+s2] =	stream.linear.scatter [tilespmem:s5], [sflag:$0x3], $0x8000, $0x38;
	[tilespmem:$0x11000] =	vst v63  }
0x21f: {  	_ =	swait.ge [sflag:s6], $0x8000  }
0x220: {  	[sflag:s6] =	ssyncset.done $0x0  }
0x221: {  	[sflag:s6] =	ssyncadd.s32 $0xFFFF8000  }
0x222: {  	[tilespmem:s5], [sflag:$0x1] =	stream.indirect.gather [hbm4b:s3+s7], $0x40, s22, s7, $0xb8;
	[tilespmem:$0x11000] =	vst v63  }
0x223: {  	_ = 	snop  }
0x224: {  	[tilespmem:s14], [sflag:$0x1] =	stream.indirect.gather [hbm4b:s3+s7], $0x40, s23, s7, $0xb8;
	[tilespmem:$0x11000] =	vst v63  }
0x225: {  	_ = 	snop  }
0x226: {  	[tilespmem:s15], [sflag:$0x1] =	stream.indirect.gather [hbm4b:s3+s7], $0x40, s24, s7, $0xb8;
	[tilespmem:$0x11000] =	vst v63  }
0x227: {  	_ = 	snop  }
0x228: {  	[tilespmem:s16], [sflag:$0x1] =	stream.indirect.gather [hbm4b:s3+s7], $0x40, s25, s7, $0xb8;
	[tilespmem:$0x11000] =	vst v63  }
0x229: {  	_ =	swait.ge [sflag:s9], $0x2000  }
0x22a: {  	[sflag:s9] =	ssyncset.done $0x0  }
0x22b: {  	[sflag:s9] =	ssyncadd.s32 $0xFFFFE000  }
0x22c: {  	_ =	swait.ge [sflag:s9], $0x2000  }
0x22d: {  	[sflag:s9] =	ssyncset.done $0x0  }
0x22e: {  	[sflag:s9] =	ssyncadd.s32 $0xFFFFE000  }
0x22f: {  	_ =	swait.ge [sflag:s9], $0x2000  }
0x230: {  	[sflag:s9] =	ssyncset.done $0x0  }
0x231: {  	[sflag:s9] =	ssyncadd.s32 $0xFFFFE000  }
0x232: {  	_ =	swait.ge [sflag:s9], $0x2000  }
0x233: {  	[sflag:s9] =	ssyncset.done $0x0  }
0x234: {  	s28 =	rddreg [dreg:$0x9];
	[sflag:s9] =	ssyncadd.s32 $0xFFFFE000  }
0x235: {  	[hbm4b:s28+s2] =	stream.linear.scatter [tilespmem:s4], [sflag:$0x4], $0x8000, $0x38;
	[tilespmem:$0x11000] =	vst v63  }
0x236: {  	_ =	swait.ge [sflag:s8], $0x8000  }
0x237: {  	[sflag:s8] =	ssyncset.done $0x0  }
0x238: {  	[sflag:s8] =	ssyncadd.s32 $0xFFFF8000  }
0x239: {  	[tilespmem:s4], [sflag:$0x2] =	stream.indirect.gather [hbm4b:s3+s7], $0x40, s18, s7, $0xb8;
	[tilespmem:$0x11000] =	vst v63  }
0x23a: {  	_ = 	snop  }
0x23b: {  	[tilespmem:s11], [sflag:$0x2] =	stream.indirect.gather [hbm4b:s3+s7], $0x40, s19, s7, $0xb8;
	[tilespmem:$0x11000] =	vst v63  }
0x23c: {  	_ = 	snop  }
0x23d: {  	[tilespmem:s12], [sflag:$0x2] =	stream.indirect.gather [hbm4b:s3+s7], $0x40, s20, s7, $0xb8;
	[tilespmem:$0x11000] =	vst v63  }
0x23e: {  	s29 =	simm.s32 $0xF80  }
0x23f: {  	[tilespmem:s13], [sflag:$0x2] =	stream.indirect.gather [hbm4b:s3+s7], $0x40, s29, s7, $0xb8;
	[tilespmem:$0x11000] =	vst v63  }
0x240: {  	_ =	swait.ge [sflag:s10], $0x2000  }
0x241: {  	[sflag:s10] =	ssyncset.done $0x0  }
0x242: {  	[sflag:s10] =	ssyncadd.s32 $0xFFFFE000  }
0x243: {  	_ =	swait.ge [sflag:s10], $0x2000  }
0x244: {  	[sflag:s10] =	ssyncset.done $0x0  }
0x245: {  	[sflag:s10] =	ssyncadd.s32 $0xFFFFE000  }
0x246: {  	_ =	swait.ge [sflag:s10], $0x2000  }
0x247: {  	[sflag:s10] =	ssyncset.done $0x0  }
0x248: {  	[sflag:s10] =	ssyncadd.s32 $0xFFFFE000  }
0x249: {  	_ =	swait.ge [sflag:s10], $0x2000  }
0x24a: {  	[sflag:s10] =	ssyncset.done $0x0  }
0x24b: {  	s30 =	rddreg [dreg:$0xa];
	[sflag:s10] =	ssyncadd.s32 $0xFFFFE000  }
0x24c: {  	[hbm4b:s30+s2] =	stream.linear.scatter [tilespmem:s5], [sflag:$0x3], $0x8000, $0x38;
	[tilespmem:$0x11000] =	vst v63  }
0x24d: {  	_ =	swait.ge [sflag:s9], $0x2000  }
0x24e: {  	[sflag:s9] =	ssyncset.done $0x0  }
0x24f: {  	[sflag:s9] =	ssyncadd.s32 $0xFFFFE000  }
0x250: {  	_ =	swait.ge [sflag:s9], $0x2000  }
0x251: {  	[sflag:s9] =	ssyncset.done $0x0  }
0x252: {  	[sflag:s9] =	ssyncadd.s32 $0xFFFFE000  }
0x253: {  	_ =	swait.ge [sflag:s9], $0x2000  }
0x254: {  	[sflag:s9] =	ssyncset.done $0x0  }
0x255: {  	[sflag:s9] =	ssyncadd.s32 $0xFFFFE000  }
0x256: {  	_ =	swait.ge [sflag:s9], $0x2000  }
0x257: {  	[sflag:s9] =	ssyncset.done $0x0  }
0x258: {  	s31 =	rddreg [dreg:$0xb];
	[sflag:s9] =	ssyncadd.s32 $0xFFFFE000  }
0x259: {  	[hbm4b:s31+s2] =	stream.linear.scatter [tilespmem:s4], [sflag:$0x4], $0x8000, $0x38;
	[tilespmem:$0x11000] =	vst v63  }
0x25a: {  	_ =	swait.ge [sflag:s6], $0x8000  }
0x25b: {  	[sflag:s6] =	ssyncset.done $0x0  }
0x25c: {  	[sflag:s6] =	ssyncadd.s32 $0xFFFF8000  }
0x25d: {  	_ =	swait.ge [sflag:s8], $0x8000  }
0x25e: {  	[sflag:s8] =	ssyncset.done $0x0  }
0x25f: {  	[sflag:s8] =	ssyncadd.s32 $0xFFFF8000  }
0x260: {  	_ =	sfence.sel $0x180000  }
0x261: {  	[bflag:$0x0] =	sbarrier.arrive $0xFFFF  }
0x262: {  	_ =	strace $0x90000047  }
0x263: {  	[bflag:$0x2] =	sbarrier.arrive $0xFFFF  }
0x264: {  	p0 =	sne.s32 s17, $0x0;
	s0 =	rddreg [dreg:$0x2]  }
0x265: {  	s0 =	sadd.s32 @!p0 $0x100000, s0  }
0x266: {  	[sflag:s0] =	ssyncadd.tile.s32 @!p0 $0x1;
	_ =	shalt  }
.LBB2_1:
.Ltmp3:
0x267: {  	(pc) =	sbr.rel .LBB2_6-.Ltmp3, $4  }
0x268: {  	s21 =	simm.s32 $0x980;
	s30 =	simm.s32 $0xB80;
	s29 =	simm.s32 $0xB00  }
0x269: {  	s28 =	simm.s32 $0xA80;
	s26 =	simm.s32 $0xA00;
	s25 =	simm.s32 $0xD80  }
0x26a: {  	s24 =	simm.s32 $0xD00;
	s23 =	simm.s32 $0xC80;
	s22 =	simm.s32 $0xC00  }
0x26b: {  	s20 =	simm.s32 $0xF00;
	s19 =	simm.s32 $0xE80;
	s18 =	simm.s32 $0xE00  }
.LBB2_3:
.Ltmp4:
0x26c: {  	s21 =	simm.s32 $0x980;
	(pc) =	sbr.rel .LBB2_6-.Ltmp4, $4  }
0x26d: {  	s30 =	simm.s32 $0xB80;
	s29 =	simm.s32 $0xB00;
	s28 =	simm.s32 $0xA80  }
0x26e: {  	s26 =	simm.s32 $0xA00;
	s25 =	simm.s32 $0xD80;
	s24 =	simm.s32 $0xD00  }
0x26f: {  	s23 =	simm.s32 $0xC80;
	s22 =	simm.s32 $0xC00;
	s20 =	simm.s32 $0xF00  }
0x270: {  	s19 =	simm.s32 $0xE80;
	s18 =	simm.s32 $0xE00;
	s17 =	stileid.u32  }
.Lfunc_end2:
_tile_overlayer_lowered:
.L_overlay_start_2:
0x271: {  	(tag) =	ssettag $0x2  }
0x272: {  	s0 =	rddreg [dreg:$0x0];
	s2 =	stileid.u32  }
0x273: {  	s1 =	rddreg [dreg:$0x1];
	p0 =	sne.s32 s2, $0x0  }
0x274: {  	s3 =	rddreg [dreg:$0x2];
	[bflag:$0x3] =	sbarrier.arrive $0xFFFF;
	s2 =	simm.s32 @!p0 $0x1C05  }
0x275: {  	[timem:s3], [sflag:s2] =	dma.local @!p0 [hbm:s0], s1  }
0x276: {  	s0 =	simm.s32 @!p0 $0x5  }
0x277: {  	_ =	swait.ge @!p0 [sflag:s0], s1  }
0x278: {  	s1 =	ssub.s32 @!p0 $0x0, s1;
	[sflag:s0] =	ssyncset.done @!p0 $0x0  }
0x279: {  	[sflag:s0] =	ssyncadd.s32 @!p0 s1  }
0x27a: {  	[bflag:$0x3] =	sbarrier.arrive $0xFFFF  }
0x27b: {  	_ =	shalt  }

</sc_bundles>
